<compile_context>
chip_gen: v7x
topology: tpu7x:2x2x1
jax: 0.10.2.dev20260603
libtpu: 0.0.44.dev20260713+nightly
codegen_flags: <defaults>
</compile_context>

<pallas_src>
import functools

import jax
import jax.numpy as jnp
from jax import lax
from jax.experimental import pallas as pl
from jax.experimental.pallas import tpu as pltpu
from jax.experimental.pallas import tpu_sc as plsc

N = 10000
E = 320000
D = 128
NC, NS = 2, 16
C = 128
GA = 158
EPA = NS * GA * C
NPC = 5120
ACC_R = NPC + C
ZPT = ACC_R // NS
DPT = NPC // NS
OROWS = NC * NPC
R = 1000
GRID = N // R


def _fill_f32(ref, val):
    rows, cols = ref.shape

    @pl.loop(0, rows)
    def _(r):
        for q in range(cols // 16):
            ref[r, pl.ds(q * 16, 16)] = jnp.full((16,), val, jnp.float32)


_SC_MESH = plsc.VectorSubcoreMesh(
    core_axis_name="c", subcore_axis_name="s", num_cores=NC, num_subcores=NS
)


def _zero_acc(zeros_buf, acc, s):
    _fill_f32(zeros_buf, 0.0)
    zb = s * ZPT
    pltpu.sync_copy(zeros_buf, acc.at[pl.ds(zb, C)])
    pltpu.sync_copy(zeros_buf, acc.at[pl.ds(zb + C, C)])
    pltpu.sync_copy(zeros_buf.at[pl.ds(0, ZPT - 2 * C)],
                    acc.at[pl.ds(zb + 2 * C, ZPT - 2 * C)])


def _remap_dst(dst_v, c):
    off = jnp.full((16,), NPC, jnp.int32) * c
    zero = jnp.zeros((16,), jnp.int32)
    lim = jnp.full((16,), NPC, jnp.int32)

    @pl.loop(0, GA)
    def _(g):
        for q in range(C // 16):
            sl = pl.ds(q * 16, 16)
            v = dst_v[g, sl]
            loc = v - off
            ok = (loc >= zero) & (loc < lim)
            dst_v[g, sl] = jnp.where(ok, loc, lim)


def _drain_acc(acc, out_hbm, c, s):
    db = s * DPT
    for lo, n in ((0, C), (C, C), (2 * C, DPT - 2 * C)):
        pltpu.sync_copy(acc.at[pl.ds(db + lo, n)],
                        out_hbm.at[pl.ds(c * NPC + db + lo, n)])


@functools.partial(
    pl.kernel,
    out_type=jax.ShapeDtypeStruct((OROWS, D), jnp.float32),
    mesh=_SC_MESH,
    scratch_types=[
        pltpu.VMEM((GA, C), jnp.int32),
        pltpu.VMEM((C, D), jnp.float32),
        pltpu.VMEM_SHARED((ACC_R, D), jnp.float32),
        pltpu.SemaphoreType.DMA,
        pltpu.SemaphoreType.DMA,
    ],
)
def _deg_kernel(dsts_hbm, out_hbm, dst_v, ones_v, acc, sem0, sem1):
    c = lax.axis_index("c")
    s = lax.axis_index("s")
    _zero_acc(ones_v, acc, s)
    _fill_f32(ones_v, 1.0)
    pltpu.sync_copy(dsts_hbm.at[s], dst_v)
    _remap_dst(dst_v, c)
    plsc.subcore_barrier()

    sems = (sem0, sem1)
    pltpu.async_copy(ones_v, acc.at[dst_v.at[0]], sem0, add=True)

    @pl.loop(0, GA - 2, step=2)
    def _(g):
        pltpu.async_copy(ones_v, acc.at[dst_v.at[g + 1]], sem1, add=True)
        pltpu.make_async_copy(ones_v, acc.at[dst_v.at[g]], sem0).wait()
        pltpu.async_copy(ones_v, acc.at[dst_v.at[g + 2]], sem0, add=True)
        pltpu.make_async_copy(ones_v, acc.at[dst_v.at[g + 1]], sem1).wait()

    pltpu.async_copy(ones_v, acc.at[dst_v.at[GA - 1]], sem1, add=True)
    pltpu.make_async_copy(ones_v, acc.at[dst_v.at[GA - 2]], sem0).wait()
    pltpu.make_async_copy(ones_v, acc.at[dst_v.at[GA - 1]], sem1).wait()

    plsc.subcore_barrier()
    _drain_acc(acc, out_hbm, c, s)


@functools.partial(
    pl.kernel,
    out_type=jax.ShapeDtypeStruct((OROWS, D), jnp.float32),
    mesh=_SC_MESH,
    scratch_types=[
        pltpu.VMEM((GA, C), jnp.int32),
        pltpu.VMEM((GA, C), jnp.int32),
        pltpu.VMEM((C, D), jnp.float32),
        pltpu.VMEM((C, D), jnp.float32),
        pltpu.VMEM_SHARED((ACC_R, D), jnp.float32),
        pltpu.SemaphoreType.DMA,
        pltpu.SemaphoreType.DMA,
    ],
)
def _agg_kernel(y_hbm, srcs_hbm, dsts_hbm, out_hbm, src_v, dst_v,
                rows0, rows1, acc, sem0, sem1):
    rows = (rows0, rows1)
    sems = (sem0, sem1)
    c = lax.axis_index("c")
    s = lax.axis_index("s")
    _zero_acc(rows0, acc, s)
    pltpu.sync_copy(srcs_hbm.at[s], src_v)
    pltpu.sync_copy(dsts_hbm.at[s], dst_v)
    _remap_dst(dst_v, c)
    plsc.subcore_barrier()

    def gather(j, p):
        pltpu.async_copy(y_hbm.at[src_v.at[j]], rows[p], sems[p])

    def gwait(j, p):
        pltpu.make_async_copy(y_hbm.at[src_v.at[j]], rows[p], sems[p]).wait()

    gather(0, 0)

    @pl.loop(0, GA, step=2)
    def _(g):
        gwait(g, 0)
        gather(g + 1, 1)
        pltpu.sync_copy(rows[0], acc.at[dst_v.at[g]], add=True)
        gwait(g + 1, 1)

        @pl.when(g + 2 < GA)
        def _():
            gather(g + 2, 0)

        pltpu.sync_copy(rows[1], acc.at[dst_v.at[g + 1]], add=True)

    plsc.subcore_barrier()
    _drain_acc(acc, out_hbm, c, s)


def _dinv_of(deg_blk):
    return lax.rsqrt(1.0 + deg_blk[:, 0:1])


def _first_body(x_ref, w_ref, deg_ref, y_ref):
    dinv = _dinv_of(deg_ref[...])
    y_ref[...] = dinv * jnp.dot(x_ref[...], w_ref[...],
                                preferred_element_type=jnp.float32)


def _mid_body(agg_ref, yprev_ref, deg_ref, b_ref, w_ref, yout_ref):
    dinv = _dinv_of(deg_ref[...])
    agg = agg_ref[...] + yprev_ref[...]
    h = jnp.maximum(dinv * agg + b_ref[...], 0.0)
    yout_ref[...] = dinv * jnp.dot(h, w_ref[...],
                                   preferred_element_type=jnp.float32)


def _final_body(agg_ref, yprev_ref, deg_ref, b_ref, out_ref):
    dinv = _dinv_of(deg_ref[...])
    out_ref[...] = dinv * (agg_ref[...] + yprev_ref[...]) + b_ref[...]


_X_SPEC = pl.BlockSpec((R, D), lambda i: (i, 0))
_W_SPEC = pl.BlockSpec((D, D), lambda i: (0, 0))
_B_SPEC = pl.BlockSpec((1, D), lambda i: (0, 0))
_Y_OUT = jax.ShapeDtypeStruct((N, D), jnp.float32)

_first_call = pl.pallas_call(
    _first_body, grid=(GRID,),
    in_specs=[_X_SPEC, _W_SPEC, _X_SPEC], out_specs=_X_SPEC,
    out_shape=_Y_OUT)

_mid_call = pl.pallas_call(
    _mid_body, grid=(GRID,),
    in_specs=[_X_SPEC, _X_SPEC, _X_SPEC, _B_SPEC, _W_SPEC],
    out_specs=_X_SPEC, out_shape=_Y_OUT)

_final_call = pl.pallas_call(
    _final_body, grid=(GRID,),
    in_specs=[_X_SPEC, _X_SPEC, _X_SPEC, _B_SPEC],
    out_specs=_X_SPEC, out_shape=_Y_OUT)


@jax.jit
def kernel(x, edge_index, W1, b1, W2, b2, W3, b3):
    src = edge_index[0].astype(jnp.int32)
    dst = edge_index[1].astype(jnp.int32)
    srcs = jnp.concatenate(
        [src, jnp.zeros((EPA - E,), jnp.int32)]).reshape(NS, GA, C)
    dsts = jnp.concatenate(
        [dst, jnp.full((EPA - E,), 2 * NPC, jnp.int32)]).reshape(NS, GA, C)
    b1r, b2r, b3r = b1.reshape(1, D), b2.reshape(1, D), b3.reshape(1, D)

    deg = _deg_kernel(dsts)[:N]
    y1 = _first_call(x, W1, deg)
    agg1 = _agg_kernel(y1, srcs, dsts)[:N]
    y2 = _mid_call(agg1, y1, deg, b1r, W2)
    agg2 = _agg_kernel(y2, srcs, dsts)[:N]
    y3 = _mid_call(agg2, y2, deg, b2r, W3)
    agg3 = _agg_kernel(y3, srcs, dsts)[:N]
    return _final_call(agg3, y3, deg, b3r)

# --- scband reference (transcript-rebuilt; emitter-appended) ---
"""Pipeline reference for scband-gcnencoder-13288628814617 (READ-ONLY COPY).

The authoritative reference and input builder live on the scoring server;
editing this copy changes nothing except your own understanding.
"""

import jax, jax.numpy as jnp
import numpy as np

N_NODES = 10000
N_EDGES = 320000
D = 128

def setup_inputs(seed: int = 0) -> dict:
    key = jax.random.key(seed)
    ks = jax.random.split(key, 8)
    x = jax.random.normal(ks[0], (N_NODES, D), dtype=jnp.float32)
    edge_index = jax.random.randint(ks[1], (2, N_EDGES), 0, N_NODES, dtype=jnp.int64)
    # GCN layer weights (glorot-like) and biases for 3 layers: 128->128->128->128
    def glorot(k, shp):
        lim = float(np.sqrt(6.0 / (shp[0] + shp[1])))
        return jax.random.uniform(k, shp, dtype=jnp.float32, minval=-lim, maxval=lim)
    W1 = glorot(ks[2], (D, D)); b1 = jnp.zeros((D,), jnp.float32)
    W2 = glorot(ks[3], (D, D)); b2 = jnp.zeros((D,), jnp.float32)
    W3 = glorot(ks[4], (D, D)); b3 = jnp.zeros((D,), jnp.float32)
    return {"x": x, "edge_index": edge_index, "W1": W1, "b1": b1, "W2": W2, "b2": b2, "W3": W3, "b3": b3}

def _gcn_conv(x, src, dst, norm, W, b, n):
    # x' = D^{-1/2} (A + I) D^{-1/2} x W + b   (self-loops already folded into src/dst/norm)
    xw = x @ W
    msg = xw[src] * norm[:, None]
    out = jnp.zeros((n, xw.shape[1]), dtype=xw.dtype).at[dst].add(msg)
    return out + b

def _build_norm(edge_index, n):
    loop = jnp.arange(n, dtype=edge_index.dtype)
    src = jnp.concatenate([edge_index[0], loop])
    dst = jnp.concatenate([edge_index[1], loop])
    deg = jnp.zeros((n,), jnp.float32).at[dst].add(1.0)
    dinv = jnp.where(deg > 0, 1.0 / jnp.sqrt(deg), 0.0)
    norm = dinv[src] * dinv[dst]
    return src, dst, norm

def reference(x, edge_index, W1, b1, W2, b2, W3, b3):
    n = x.shape[0]
    src, dst, norm = _build_norm(edge_index, n)
    h = _gcn_conv(x, src, dst, norm, W1, b1, n)
    h = jax.nn.relu(h)  # dropout=0.0 -> identity
    h = _gcn_conv(h, src, dst, norm, W2, b2, n)
    h = jax.nn.relu(h)
    h = _gcn_conv(h, src, dst, norm, W3, b3, n)
    return h

if __name__ == "__main__":
    import jax
    _d = setup_inputs()
    print(jax.jit(kernel)(*tuple(_d.values())))

</pallas_src>

<mosaic_0001>
#map = affine_map<(d0, d1) -> (0, 0)>
#map1 = affine_map<(d0, d1) -> (0, 0, 0)>
module attributes {stable_mosaic.version = 14 : i64} {
  func.func @_agg_kernel(%arg0: i32, %arg1: i32, %arg2: memref<10000x128xf32, #tpu.memory_space<hbm>>, %arg3: memref<16x158x128xi32, #tpu.memory_space<hbm>>, %arg4: memref<16x158x128xi32, #tpu.memory_space<hbm>>, %arg5: memref<10240x128xf32, #tpu.memory_space<hbm>>, %arg6: memref<158x128xi32, #tpu.memory_space<vmem>>, %arg7: memref<158x128xi32, #tpu.memory_space<vmem>>, %arg8: memref<128x128xf32, #tpu.memory_space<vmem>>, %arg9: memref<128x128xf32, #tpu.memory_space<vmem>>, %arg10: memref<5248x128xf32, #tpu.memory_space<vmem_shared>>, %arg11: memref<!tpu.dma_semaphore, #tpu.memory_space<semaphore_mem>>, %arg12: memref<!tpu.dma_semaphore, #tpu.memory_space<semaphore_mem>>) attributes {dimension_semantics = [#tpu.dimension_semantics<core_parallel>, #tpu.dimension_semantics<subcore_parallel>], iteration_bounds = array<i64: 2, 16>, scalar_prefetch = 0 : i64, scratch_operands = 7 : i64, tpu.core_type = #tpu.core_type<sc_vector_subcore>, window_params = [{transform_indices = #map}, {transform_indices = #map1}, {transform_indices = #map1}, {transform_indices = #map}]} {
    %scan3A = arith.constant 0 : i32
    %scan3A_0 = arith.constant 128 : i32
    %scan3A_1 = arith.addi %scan3A, %scan3A_0 : i32
    %scan3A_2 = arith.constant 1 : i32
    scf.for %scan3A_55 = %scan3A to %scan3A_1 step %scan3A_2  : i32 {
      %mul3A_56 = arith.constant 1 : i32
      %mul3A_57 = arith.muli %scan3A_55, %mul3A_56 : i32
      %add3A_58 = arith.constant 0 : i32
      %add3A_59 = arith.addi %add3A_58, %mul3A_57 : i32
      %broadcast_in_dim3A_60 = arith.constant 0.000000e+00 : f32
      %broadcast_in_dim3A_61 = vector.broadcast %broadcast_in_dim3A_60 : f32 to vector<16xf32>
      %swap3A = arith.index_cast %add3A_59 : i32 to index
      %swap3A_62 = arith.constant 0 : index
      %swap3A_63 = tpu.vector_load %arg8[%swap3A, %swap3A_62] {strides = array<i32>} : memref<128x128xf32, #tpu.memory_space<vmem>>, vector<1x16xf32>,
      %swap3A_64 = vector.shape_cast %swap3A_63 : vector<1x16xf32> to vector<16xf32>
      %swap3A_65 = vector.shape_cast %broadcast_in_dim3A_61 : vector<16xf32> to vector<1x16xf32>
      tpu.vector_store %arg8[%swap3A, %swap3A_62], %swap3A_65 {strides = array<i32>} : memref<128x128xf32, #tpu.memory_space<vmem>>, vector<1x16xf32>,
      %broadcast_in_dim3A_66 = arith.constant 0.000000e+00 : f32
      %broadcast_in_dim3A_67 = vector.broadcast %broadcast_in_dim3A_66 : f32 to vector<16xf32>
      %swap3A_68 = arith.index_cast %add3A_59 : i32 to index
      %swap3A_69 = arith.constant 16 : index
      %swap3A_70 = tpu.vector_load %arg8[%swap3A_68, %swap3A_69] {strides = array<i32>} : memref<128x128xf32, #tpu.memory_space<vmem>>, vector<1x16xf32>,
      %swap3A_71 = vector.shape_cast %swap3A_70 : vector<1x16xf32> to vector<16xf32>
      %swap3A_72 = vector.shape_cast %broadcast_in_dim3A_67 : vector<16xf32> to vector<1x16xf32>
      tpu.vector_store %arg8[%swap3A_68, %swap3A_69], %swap3A_72 {strides = array<i32>} : memref<128x128xf32, #tpu.memory_space<vmem>>, vector<1x16xf32>,
      %broadcast_in_dim3A_73 = arith.constant 0.000000e+00 : f32
      %broadcast_in_dim3A_74 = vector.broadcast %broadcast_in_dim3A_73 : f32 to vector<16xf32>
      %swap3A_75 = arith.index_cast %add3A_59 : i32 to index
      %swap3A_76 = arith.constant 32 : index
      %swap3A_77 = tpu.vector_load %arg8[%swap3A_75, %swap3A_76] {strides = array<i32>} : memref<128x128xf32, #tpu.memory_space<vmem>>, vector<1x16xf32>,
      %swap3A_78 = vector.shape_cast %swap3A_77 : vector<1x16xf32> to vector<16xf32>
      %swap3A_79 = vector.shape_cast %broadcast_in_dim3A_74 : vector<16xf32> to vector<1x16xf32>
      tpu.vector_store %arg8[%swap3A_75, %swap3A_76], %swap3A_79 {strides = array<i32>} : memref<128x128xf32, #tpu.memory_space<vmem>>, vector<1x16xf32>,
      %broadcast_in_dim3A_80 = arith.constant 0.000000e+00 : f32
      %broadcast_in_dim3A_81 = vector.broadcast %broadcast_in_dim3A_80 : f32 to vector<16xf32>
      %swap3A_82 = arith.index_cast %add3A_59 : i32 to index
      %swap3A_83 = arith.constant 48 : index
      %swap3A_84 = tpu.vector_load %arg8[%swap3A_82, %swap3A_83] {strides = array<i32>} : memref<128x128xf32, #tpu.memory_space<vmem>>, vector<1x16xf32>,
      %swap3A_85 = vector.shape_cast %swap3A_84 : vector<1x16xf32> to vector<16xf32>
      %swap3A_86 = vector.shape_cast %broadcast_in_dim3A_81 : vector<16xf32> to vector<1x16xf32>
      tpu.vector_store %arg8[%swap3A_82, %swap3A_83], %swap3A_86 {strides = array<i32>} : memref<128x128xf32, #tpu.memory_space<vmem>>, vector<1x16xf32>,
      %broadcast_in_dim3A_87 = arith.constant 0.000000e+00 : f32
      %broadcast_in_dim3A_88 = vector.broadcast %broadcast_in_dim3A_87 : f32 to vector<16xf32>
      %swap3A_89 = arith.index_cast %add3A_59 : i32 to index
      %swap3A_90 = arith.constant 64 : index
      %swap3A_91 = tpu.vector_load %arg8[%swap3A_89, %swap3A_90] {strides = array<i32>} : memref<128x128xf32, #tpu.memory_space<vmem>>, vector<1x16xf32>,
      %swap3A_92 = vector.shape_cast %swap3A_91 : vector<1x16xf32> to vector<16xf32>
      %swap3A_93 = vector.shape_cast %broadcast_in_dim3A_88 : vector<16xf32> to vector<1x16xf32>
      tpu.vector_store %arg8[%swap3A_89, %swap3A_90], %swap3A_93 {strides = array<i32>} : memref<128x128xf32, #tpu.memory_space<vmem>>, vector<1x16xf32>,
      %broadcast_in_dim3A_94 = arith.constant 0.000000e+00 : f32
      %broadcast_in_dim3A_95 = vector.broadcast %broadcast_in_dim3A_94 : f32 to vector<16xf32>
      %swap3A_96 = arith.index_cast %add3A_59 : i32 to index
      %swap3A_97 = arith.constant 80 : index
      %swap3A_98 = tpu.vector_load %arg8[%swap3A_96, %swap3A_97] {strides = array<i32>} : memref<128x128xf32, #tpu.memory_space<vmem>>, vector<1x16xf32>,
      %swap3A_99 = vector.shape_cast %swap3A_98 : vector<1x16xf32> to vector<16xf32>
      %swap3A_100 = vector.shape_cast %broadcast_in_dim3A_95 : vector<16xf32> to vector<1x16xf32>
      tpu.vector_store %arg8[%swap3A_96, %swap3A_97], %swap3A_100 {strides = array<i32>} : memref<128x128xf32, #tpu.memory_space<vmem>>, vector<1x16xf32>,
      %broadcast_in_dim3A_101 = arith.constant 0.000000e+00 : f32
      %broadcast_in_dim3A_102 = vector.broadcast %broadcast_in_dim3A_101 : f32 to vector<16xf32>
      %swap3A_103 = arith.index_cast %add3A_59 : i32 to index
      %swap3A_104 = arith.constant 96 : index
      %swap3A_105 = tpu.vector_load %arg8[%swap3A_103, %swap3A_104] {strides = array<i32>} : memref<128x128xf32, #tpu.memory_space<vmem>>, vector<1x16xf32>,
      %swap3A_106 = vector.shape_cast %swap3A_105 : vector<1x16xf32> to vector<16xf32>
      %swap3A_107 = vector.shape_cast %broadcast_in_dim3A_102 : vector<16xf32> to vector<1x16xf32>
      tpu.vector_store %arg8[%swap3A_103, %swap3A_104], %swap3A_107 {strides = array<i32>} : memref<128x128xf32, #tpu.memory_space<vmem>>, vector<1x16xf32>,
      %broadcast_in_dim3A_108 = arith.constant 0.000000e+00 : f32
      %broadcast_in_dim3A_109 = vector.broadcast %broadcast_in_dim3A_108 : f32 to vector<16xf32>
      %swap3A_110 = arith.index_cast %add3A_59 : i32 to index
      %swap3A_111 = arith.constant 112 : index
      %swap3A_112 = tpu.vector_load %arg8[%swap3A_110, %swap3A_111] {strides = array<i32>} : memref<128x128xf32, #tpu.memory_space<vmem>>, vector<1x16xf32>,
      %swap3A_113 = vector.shape_cast %swap3A_112 : vector<1x16xf32> to vector<16xf32>
      %swap3A_114 = vector.shape_cast %broadcast_in_dim3A_109 : vector<16xf32> to vector<1x16xf32>
      tpu.vector_store %arg8[%swap3A_110, %swap3A_111], %swap3A_114 {strides = array<i32>} : memref<128x128xf32, #tpu.memory_space<vmem>>, vector<1x16xf32>,
    }
    %scan3A_3 = arith.constant 128 : i32
    %mul3A = arith.constant 328 : i32
    %mul3A_4 = arith.muli %arg1, %mul3A : i32
    "tpu.region"() ({
      %run_scoped3A = tpu.sem_alloc : memref<!tpu.dma_semaphore, #tpu.memory_space<semaphore_mem>>
      %dma_start3A_55 = arith.constant 0 : i32
      %dma_start3A_56 = tpu.memref_slice %arg10[%mul3A_4, %dma_start3A_55] : memref<5248x128xf32, #tpu.memory_space<vmem_shared>> -> memref<128x128xf32, #tpu.memory_space<vmem_shared>>
      %dma_start3A_57 = arith.constant 0 : i32
      %dma_start3A_58 = tpu.memref_slice %arg10[%mul3A_4, %dma_start3A_57] : memref<5248x128xf32, #tpu.memory_space<vmem_shared>> -> memref<128x128xf32, #tpu.memory_space<vmem_shared>>
      tpu.enqueue_dma source(%arg8 : memref<128x128xf32, #tpu.memory_space<vmem>>) target(%dma_start3A_58 : memref<128x128xf32, #tpu.memory_space<vmem_shared>>) target_semaphore(%run_scoped3A : memref<!tpu.dma_semaphore, #tpu.memory_space<semaphore_mem>>)
      %dma_wait3A = arith.constant 0 : i32
      %dma_wait3A_59 = tpu.memref_slice %arg10[%mul3A_4, %dma_wait3A] : memref<5248x128xf32, #tpu.memory_space<vmem_shared>> -> memref<128x128xf32, #tpu.memory_space<vmem_shared>>
      %dma_wait3A_60 = arith.constant 0 : i32
      %dma_wait3A_61 = tpu.memref_slice %arg10[%mul3A_4, %dma_wait3A_60] : memref<5248x128xf32, #tpu.memory_space<vmem_shared>> -> memref<128x128xf32, #tpu.memory_space<vmem_shared>>
      tpu.wait_dma2 semaphore(%run_scoped3A : memref<!tpu.dma_semaphore, #tpu.memory_space<semaphore_mem>>) src(%arg8 : memref<128x128xf32, #tpu.memory_space<vmem>>) dst(%dma_wait3A_61 : memref<128x128xf32, #tpu.memory_space<vmem_shared>>)
      tpu.yield
    }) : () -> ()
    %add3A = arith.constant 128 : i32
    %add3A_5 = arith.addi %mul3A_4, %add3A : i32
    "tpu.region"() ({
      %run_scoped3A = tpu.sem_alloc : memref<!tpu.dma_semaphore, #tpu.memory_space<semaphore_mem>>
      %dma_start3A_55 = arith.constant 0 : i32
      %dma_start3A_56 = tpu.memref_slice %arg10[%add3A_5, %dma_start3A_55] : memref<5248x128xf32, #tpu.memory_space<vmem_shared>> -> memref<128x128xf32, #tpu.memory_space<vmem_shared>>
      %dma_start3A_57 = arith.constant 0 : i32
      %dma_start3A_58 = tpu.memref_slice %arg10[%add3A_5, %dma_start3A_57] : memref<5248x128xf32, #tpu.memory_space<vmem_shared>> -> memref<128x128xf32, #tpu.memory_space<vmem_shared>>
      tpu.enqueue_dma source(%arg8 : memref<128x128xf32, #tpu.memory_space<vmem>>) target(%dma_start3A_58 : memref<128x128xf32, #tpu.memory_space<vmem_shared>>) target_semaphore(%run_scoped3A : memref<!tpu.dma_semaphore, #tpu.memory_space<semaphore_mem>>)
      %dma_wait3A = arith.constant 0 : i32
      %dma_wait3A_59 = tpu.memref_slice %arg10[%add3A_5, %dma_wait3A] : memref<5248x128xf32, #tpu.memory_space<vmem_shared>> -> memref<128x128xf32, #tpu.memory_space<vmem_shared>>
      %dma_wait3A_60 = arith.constant 0 : i32
      %dma_wait3A_61 = tpu.memref_slice %arg10[%add3A_5, %dma_wait3A_60] : memref<5248x128xf32, #tpu.memory_space<vmem_shared>> -> memref<128x128xf32, #tpu.memory_space<vmem_shared>>
      tpu.wait_dma2 semaphore(%run_scoped3A : memref<!tpu.dma_semaphore, #tpu.memory_space<semaphore_mem>>) src(%arg8 : memref<128x128xf32, #tpu.memory_space<vmem>>) dst(%dma_wait3A_61 : memref<128x128xf32, #tpu.memory_space<vmem_shared>>)
      tpu.yield
    }) : () -> ()
    %add3A_6 = arith.constant 256 : i32
    %add3A_7 = arith.addi %mul3A_4, %add3A_6 : i32
    "tpu.region"() ({
      %run_scoped3A = tpu.sem_alloc : memref<!tpu.dma_semaphore, #tpu.memory_space<semaphore_mem>>
      %dma_start3A_55 = arith.constant 0 : i32
      %dma_start3A_56 = arith.constant 0 : i32
      %dma_start3A_57 = tpu.memref_slice %arg8[%dma_start3A_55, %dma_start3A_56] : memref<128x128xf32, #tpu.memory_space<vmem>> -> memref<72x128xf32, #tpu.memory_space<vmem>>
      %dma_start3A_58 = arith.constant 0 : i32
      %dma_start3A_59 = tpu.memref_slice %arg10[%add3A_7, %dma_start3A_58] : memref<5248x128xf32, #tpu.memory_space<vmem_shared>> -> memref<72x128xf32, #tpu.memory_space<vmem_shared>>
      %dma_start3A_60 = arith.constant 0 : i32
      %dma_start3A_61 = tpu.memref_slice %arg10[%add3A_7, %dma_start3A_60] : memref<5248x128xf32, #tpu.memory_space<vmem_shared>> -> memref<72x128xf32, #tpu.memory_space<vmem_shared>>
      %dma_start3A_62 = arith.constant 0 : i32
      %dma_start3A_63 = arith.constant 0 : i32
      %dma_start3A_64 = tpu.memref_slice %arg8[%dma_start3A_62, %dma_start3A_63] : memref<128x128xf32, #tpu.memory_space<vmem>> -> memref<72x128xf32, #tpu.memory_space<vmem>>
      tpu.enqueue_dma source(%dma_start3A_64 : memref<72x128xf32, #tpu.memory_space<vmem>>) target(%dma_start3A_61 : memref<72x128xf32, #tpu.memory_space<vmem_shared>>) target_semaphore(%run_scoped3A : memref<!tpu.dma_semaphore, #tpu.memory_space<semaphore_mem>>)
      %dma_wait3A = arith.constant 0 : i32
      %dma_wait3A_65 = arith.constant 0 : i32
      %dma_wait3A_66 = tpu.memref_slice %arg8[%dma_wait3A, %dma_wait3A_65] : memref<128x128xf32, #tpu.memory_space<vmem>> -> memref<72x128xf32, #tpu.memory_space<vmem>>
      %dma_wait3A_67 = arith.constant 0 : i32
      %dma_wait3A_68 = tpu.memref_slice %arg10[%add3A_7, %dma_wait3A_67] : memref<5248x128xf32, #tpu.memory_space<vmem_shared>> -> memref<72x128xf32, #tpu.memory_space<vmem_shared>>
      %dma_wait3A_69 = arith.constant 0 : i32
      %dma_wait3A_70 = tpu.memref_slice %arg10[%add3A_7, %dma_wait3A_69] : memref<5248x128xf32, #tpu.memory_space<vmem_shared>> -> memref<72x128xf32, #tpu.memory_space<vmem_shared>>
      %dma_wait3A_71 = arith.constant 0 : i32
      %dma_wait3A_72 = arith.constant 0 : i32
      %dma_wait3A_73 = tpu.memref_slice %arg8[%dma_wait3A_71, %dma_wait3A_72] : memref<128x128xf32, #tpu.memory_space<vmem>> -> memref<72x128xf32, #tpu.memory_space<vmem>>
      tpu.wait_dma2 semaphore(%run_scoped3A : memref<!tpu.dma_semaphore, #tpu.memory_space<semaphore_mem>>) src(%dma_wait3A_73 : memref<72x128xf32, #tpu.memory_space<vmem>>) dst(%dma_wait3A_70 : memref<72x128xf32, #tpu.memory_space<vmem_shared>>)
      tpu.yield
    }) : () -> ()
    "tpu.region"() ({
      %run_scoped3A = tpu.sem_alloc : memref<!tpu.dma_semaphore, #tpu.memory_space<semaphore_mem>>
      %dma_start3A_55 = arith.constant 0 : i32
      %dma_start3A_56 = arith.constant 0 : i32
      %dma_start3A_57 = tpu.memref_slice %arg3[%arg1, %dma_start3A_55, %dma_start3A_56] : memref<16x158x128xi32, #tpu.memory_space<hbm>> -> memref<1x158x128xi32, #tpu.memory_space<hbm>>
      %dma_start3A_58 = tpu.memref_squeeze %dma_start3A_57 : memref<1x158x128xi32, #tpu.memory_space<hbm>> -> memref<158x128xi32, #tpu.memory_space<hbm>>
      %dma_start3A_59 = arith.constant 0 : i32
      %dma_start3A_60 = arith.constant 0 : i32
      %dma_start3A_61 = tpu.memref_slice %arg3[%arg1, %dma_start3A_59, %dma_start3A_60] : memref<16x158x128xi32, #tpu.memory_space<hbm>> -> memref<1x158x128xi32, #tpu.memory_space<hbm>>
      %dma_start3A_62 = tpu.memref_squeeze %dma_start3A_61 : memref<1x158x128xi32, #tpu.memory_space<hbm>> -> memref<158x128xi32, #tpu.memory_space<hbm>>
      tpu.enqueue_dma source(%dma_start3A_62 : memref<158x128xi32, #tpu.memory_space<hbm>>) target(%arg6 : memref<158x128xi32, #tpu.memory_space<vmem>>) target_semaphore(%run_scoped3A : memref<!tpu.dma_semaphore, #tpu.memory_space<semaphore_mem>>)
      %dma_wait3A = arith.constant 0 : i32
      %dma_wait3A_63 = arith.constant 0 : i32
      %dma_wait3A_64 = tpu.memref_slice %arg3[%arg1, %dma_wait3A, %dma_wait3A_63] : memref<16x158x128xi32, #tpu.memory_space<hbm>> -> memref<1x158x128xi32, #tpu.memory_space<hbm>>
      %dma_wait3A_65 = tpu.memref_squeeze %dma_wait3A_64 : memref<1x158x128xi32, #tpu.memory_space<hbm>> -> memref<158x128xi32, #tpu.memory_space<hbm>>
      %dma_wait3A_66 = arith.constant 0 : i32
      %dma_wait3A_67 = arith.constant 0 : i32
      %dma_wait3A_68 = tpu.memref_slice %arg3[%arg1, %dma_wait3A_66, %dma_wait3A_67] : memref<16x158x128xi32, #tpu.memory_space<hbm>> -> memref<1x158x128xi32, #tpu.memory_space<hbm>>
      %dma_wait3A_69 = tpu.memref_squeeze %dma_wait3A_68 : memref<1x158x128xi32, #tpu.memory_space<hbm>> -> memref<158x128xi32, #tpu.memory_space<hbm>>
      tpu.wait_dma2 semaphore(%run_scoped3A : memref<!tpu.dma_semaphore, #tpu.memory_space<semaphore_mem>>) src(%dma_wait3A_69 : memref<158x128xi32, #tpu.memory_space<hbm>>) dst(%arg6 : memref<158x128xi32, #tpu.memory_space<vmem>>)
      tpu.yield
    }) : () -> ()
    "tpu.region"() ({
      %run_scoped3A = tpu.sem_alloc : memref<!tpu.dma_semaphore, #tpu.memory_space<semaphore_mem>>
      %dma_start3A_55 = arith.constant 0 : i32
      %dma_start3A_56 = arith.constant 0 : i32
      %dma_start3A_57 = tpu.memref_slice %arg4[%arg1, %dma_start3A_55, %dma_start3A_56] : memref<16x158x128xi32, #tpu.memory_space<hbm>> -> memref<1x158x128xi32, #tpu.memory_space<hbm>>
      %dma_start3A_58 = tpu.memref_squeeze %dma_start3A_57 : memref<1x158x128xi32, #tpu.memory_space<hbm>> -> memref<158x128xi32, #tpu.memory_space<hbm>>
      %dma_start3A_59 = arith.constant 0 : i32
      %dma_start3A_60 = arith.constant 0 : i32
      %dma_start3A_61 = tpu.memref_slice %arg4[%arg1, %dma_start3A_59, %dma_start3A_60] : memref<16x158x128xi32, #tpu.memory_space<hbm>> -> memref<1x158x128xi32, #tpu.memory_space<hbm>>
      %dma_start3A_62 = tpu.memref_squeeze %dma_start3A_61 : memref<1x158x128xi32, #tpu.memory_space<hbm>> -> memref<158x128xi32, #tpu.memory_space<hbm>>
      tpu.enqueue_dma source(%dma_start3A_62 : memref<158x128xi32, #tpu.memory_space<hbm>>) target(%arg7 : memref<158x128xi32, #tpu.memory_space<vmem>>) target_semaphore(%run_scoped3A : memref<!tpu.dma_semaphore, #tpu.memory_space<semaphore_mem>>)
      %dma_wait3A = arith.constant 0 : i32
      %dma_wait3A_63 = arith.constant 0 : i32
      %dma_wait3A_64 = tpu.memref_slice %arg4[%arg1, %dma_wait3A, %dma_wait3A_63] : memref<16x158x128xi32, #tpu.memory_space<hbm>> -> memref<1x158x128xi32, #tpu.memory_space<hbm>>
      %dma_wait3A_65 = tpu.memref_squeeze %dma_wait3A_64 : memref<1x158x128xi32, #tpu.memory_space<hbm>> -> memref<158x128xi32, #tpu.memory_space<hbm>>
      %dma_wait3A_66 = arith.constant 0 : i32
      %dma_wait3A_67 = arith.constant 0 : i32
      %dma_wait3A_68 = tpu.memref_slice %arg4[%arg1, %dma_wait3A_66, %dma_wait3A_67] : memref<16x158x128xi32, #tpu.memory_space<hbm>> -> memref<1x158x128xi32, #tpu.memory_space<hbm>>
      %dma_wait3A_69 = tpu.memref_squeeze %dma_wait3A_68 : memref<1x158x128xi32, #tpu.memory_space<hbm>> -> memref<158x128xi32, #tpu.memory_space<hbm>>
      tpu.wait_dma2 semaphore(%run_scoped3A : memref<!tpu.dma_semaphore, #tpu.memory_space<semaphore_mem>>) src(%dma_wait3A_69 : memref<158x128xi32, #tpu.memory_space<hbm>>) dst(%arg7 : memref<158x128xi32, #tpu.memory_space<vmem>>)
      tpu.yield
    }) : () -> ()
    %broadcast_in_dim3A = arith.constant 5120 : i32
    %broadcast_in_dim3A_8 = vector.broadcast %broadcast_in_dim3A : i32 to vector<16xi32>
    %mul3A_9 = vector.broadcast %arg0 : i32 to vector<16xi32>
    %mul3A_10 = arith.muli %broadcast_in_dim3A_8, %mul3A_9 : vector<16xi32>
    %broadcast_in_dim3A_11 = arith.constant 0 : i32
    %broadcast_in_dim3A_12 = vector.broadcast %broadcast_in_dim3A_11 : i32 to vector<16xi32>
    %broadcast_in_dim3A_13 = arith.constant 5120 : i32
    %broadcast_in_dim3A_14 = vector.broadcast %broadcast_in_dim3A_13 : i32 to vector<16xi32>
    %scan3A_15 = arith.constant 0 : i32
    %scan3A_16 = arith.constant 158 : i32
    %scan3A_17 = arith.addi %scan3A_15, %scan3A_16 : i32
    %scan3A_18 = arith.constant 1 : i32
    scf.for %scan3A_55 = %scan3A_15 to %scan3A_17 step %scan3A_18  : i32 {
      %mul3A_56 = arith.constant 1 : i32
      %mul3A_57 = arith.muli %scan3A_55, %mul3A_56 : i32
      %add3A_58 = arith.constant 0 : i32
      %add3A_59 = arith.addi %add3A_58, %mul3A_57 : i32
      %get3A = arith.index_cast %add3A_59 : i32 to index
      %get3A_60 = arith.constant 0 : index
      %get3A_61 = tpu.vector_load %arg7[%get3A, %get3A_60] {strides = array<i32>} : memref<158x128xi32, #tpu.memory_space<vmem>>, vector<1x16xi32>,
      %get3A_62 = vector.shape_cast %get3A_61 : vector<1x16xi32> to vector<16xi32>
      %sub3A = arith.subi %get3A_62, %mul3A_10 : vector<16xi32>
      %ge3A = arith.cmpi sge, %sub3A, %broadcast_in_dim3A_12 : vector<16xi32>
      %lt3A = arith.cmpi slt, %sub3A, %broadcast_in_dim3A_14 : vector<16xi32>
      %and3A = arith.andi %ge3A, %lt3A : vector<16xi1>
      %select_n3A = arith.select %and3A, %sub3A, %broadcast_in_dim3A_14 : vector<16xi1>, vector<16xi32>
      %swap3A = arith.index_cast %add3A_59 : i32 to index
      %swap3A_63 = arith.constant 0 : index
      %swap3A_64 = tpu.vector_load %arg7[%swap3A, %swap3A_63] {strides = array<i32>} : memref<158x128xi32, #tpu.memory_space<vmem>>, vector<1x16xi32>,
      %swap3A_65 = vector.shape_cast %swap3A_64 : vector<1x16xi32> to vector<16xi32>
      %swap3A_66 = vector.shape_cast %select_n3A : vector<16xi32> to vector<1x16xi32>
      tpu.vector_store %arg7[%swap3A, %swap3A_63], %swap3A_66 {strides = array<i32>} : memref<158x128xi32, #tpu.memory_space<vmem>>, vector<1x16xi32>,
      %get3A_67 = arith.index_cast %add3A_59 : i32 to index
      %get3A_68 = arith.constant 16 : index
      %get3A_69 = tpu.vector_load %arg7[%get3A_67, %get3A_68] {strides = array<i32>} : memref<158x128xi32, #tpu.memory_space<vmem>>, vector<1x16xi32>,
      %get3A_70 = vector.shape_cast %get3A_69 : vector<1x16xi32> to vector<16xi32>
      %sub3A_71 = arith.subi %get3A_70, %mul3A_10 : vector<16xi32>
      %ge3A_72 = arith.cmpi sge, %sub3A_71, %broadcast_in_dim3A_12 : vector<16xi32>
      %lt3A_73 = arith.cmpi slt, %sub3A_71, %broadcast_in_dim3A_14 : vector<16xi32>
      %and3A_74 = arith.andi %ge3A_72, %lt3A_73 : vector<16xi1>
      %select_n3A_75 = arith.select %and3A_74, %sub3A_71, %broadcast_in_dim3A_14 : vector<16xi1>, vector<16xi32>
      %swap3A_76 = arith.index_cast %add3A_59 : i32 to index
      %swap3A_77 = arith.constant 16 : index
      %swap3A_78 = tpu.vector_load %arg7[%swap3A_76, %swap3A_77] {strides = array<i32>} : memref<158x128xi32, #tpu.memory_space<vmem>>, vector<1x16xi32>,
      %swap3A_79 = vector.shape_cast %swap3A_78 : vector<1x16xi32> to vector<16xi32>
      %swap3A_80 = vector.shape_cast %select_n3A_75 : vector<16xi32> to vector<1x16xi32>
      tpu.vector_store %arg7[%swap3A_76, %swap3A_77], %swap3A_80 {strides = array<i32>} : memref<158x128xi32, #tpu.memory_space<vmem>>, vector<1x16xi32>,
      %get3A_81 = arith.index_cast %add3A_59 : i32 to index
      %get3A_82 = arith.constant 32 : index
      %get3A_83 = tpu.vector_load %arg7[%get3A_81, %get3A_82] {strides = array<i32>} : memref<158x128xi32, #tpu.memory_space<vmem>>, vector<1x16xi32>,
      %get3A_84 = vector.shape_cast %get3A_83 : vector<1x16xi32> to vector<16xi32>
      %sub3A_85 = arith.subi %get3A_84, %mul3A_10 : vector<16xi32>
      %ge3A_86 = arith.cmpi sge, %sub3A_85, %broadcast_in_dim3A_12 : vector<16xi32>
      %lt3A_87 = arith.cmpi slt, %sub3A_85, %broadcast_in_dim3A_14 : vector<16xi32>
      %and3A_88 = arith.andi %ge3A_86, %lt3A_87 : vector<16xi1>
      %select_n3A_89 = arith.select %and3A_88, %sub3A_85, %broadcast_in_dim3A_14 : vector<16xi1>, vector<16xi32>
      %swap3A_90 = arith.index_cast %add3A_59 : i32 to index
      %swap3A_91 = arith.constant 32 : index
      %swap3A_92 = tpu.vector_load %arg7[%swap3A_90, %swap3A_91] {strides = array<i32>} : memref<158x128xi32, #tpu.memory_space<vmem>>, vector<1x16xi32>,
      %swap3A_93 = vector.shape_cast %swap3A_92 : vector<1x16xi32> to vector<16xi32>
      %swap3A_94 = vector.shape_cast %select_n3A_89 : vector<16xi32> to vector<1x16xi32>
      tpu.vector_store %arg7[%swap3A_90, %swap3A_91], %swap3A_94 {strides = array<i32>} : memref<158x128xi32, #tpu.memory_space<vmem>>, vector<1x16xi32>,
      %get3A_95 = arith.index_cast %add3A_59 : i32 to index
      %get3A_96 = arith.constant 48 : index
      %get3A_97 = tpu.vector_load %arg7[%get3A_95, %get3A_96] {strides = array<i32>} : memref<158x128xi32, #tpu.memory_space<vmem>>, vector<1x16xi32>,
      %get3A_98 = vector.shape_cast %get3A_97 : vector<1x16xi32> to vector<16xi32>
      %sub3A_99 = arith.subi %get3A_98, %mul3A_10 : vector<16xi32>
      %ge3A_100 = arith.cmpi sge, %sub3A_99, %broadcast_in_dim3A_12 : vector<16xi32>
      %lt3A_101 = arith.cmpi slt, %sub3A_99, %broadcast_in_dim3A_14 : vector<16xi32>
      %and3A_102 = arith.andi %ge3A_100, %lt3A_101 : vector<16xi1>
      %select_n3A_103 = arith.select %and3A_102, %sub3A_99, %broadcast_in_dim3A_14 : vector<16xi1>, vector<16xi32>
      %swap3A_104 = arith.index_cast %add3A_59 : i32 to index
      %swap3A_105 = arith.constant 48 : index
      %swap3A_106 = tpu.vector_load %arg7[%swap3A_104, %swap3A_105] {strides = array<i32>} : memref<158x128xi32, #tpu.memory_space<vmem>>, vector<1x16xi32>,
      %swap3A_107 = vector.shape_cast %swap3A_106 : vector<1x16xi32> to vector<16xi32>
      %swap3A_108 = vector.shape_cast %select_n3A_103 : vector<16xi32> to vector<1x16xi32>
      tpu.vector_store %arg7[%swap3A_104, %swap3A_105], %swap3A_108 {strides = array<i32>} : memref<158x128xi32, #tpu.memory_space<vmem>>, vector<1x16xi32>,
      %get3A_109 = arith.index_cast %add3A_59 : i32 to index
      %get3A_110 = arith.constant 64 : index
      %get3A_111 = tpu.vector_load %arg7[%get3A_109, %get3A_110] {strides = array<i32>} : memref<158x128xi32, #tpu.memory_space<vmem>>, vector<1x16xi32>,
      %get3A_112 = vector.shape_cast %get3A_111 : vector<1x16xi32> to vector<16xi32>
      %sub3A_113 = arith.subi %get3A_112, %mul3A_10 : vector<16xi32>
      %ge3A_114 = arith.cmpi sge, %sub3A_113, %broadcast_in_dim3A_12 : vector<16xi32>
      %lt3A_115 = arith.cmpi slt, %sub3A_113, %broadcast_in_dim3A_14 : vector<16xi32>
      %and3A_116 = arith.andi %ge3A_114, %lt3A_115 : vector<16xi1>
      %select_n3A_117 = arith.select %and3A_116, %sub3A_113, %broadcast_in_dim3A_14 : vector<16xi1>, vector<16xi32>
      %swap3A_118 = arith.index_cast %add3A_59 : i32 to index
      %swap3A_119 = arith.constant 64 : index
      %swap3A_120 = tpu.vector_load %arg7[%swap3A_118, %swap3A_119] {strides = array<i32>} : memref<158x128xi32, #tpu.memory_space<vmem>>, vector<1x16xi32>,
      %swap3A_121 = vector.shape_cast %swap3A_120 : vector<1x16xi32> to vector<16xi32>
      %swap3A_122 = vector.shape_cast %select_n3A_117 : vector<16xi32> to vector<1x16xi32>
      tpu.vector_store %arg7[%swap3A_118, %swap3A_119], %swap3A_122 {strides = array<i32>} : memref<158x128xi32, #tpu.memory_space<vmem>>, vector<1x16xi32>,
      %get3A_123 = arith.index_cast %add3A_59 : i32 to index
      %get3A_124 = arith.constant 80 : index
      %get3A_125 = tpu.vector_load %arg7[%get3A_123, %get3A_124] {strides = array<i32>} : memref<158x128xi32, #tpu.memory_space<vmem>>, vector<1x16xi32>,
      %get3A_126 = vector.shape_cast %get3A_125 : vector<1x16xi32> to vector<16xi32>
      %sub3A_127 = arith.subi %get3A_126, %mul3A_10 : vector<16xi32>
      %ge3A_128 = arith.cmpi sge, %sub3A_127, %broadcast_in_dim3A_12 : vector<16xi32>
      %lt3A_129 = arith.cmpi slt, %sub3A_127, %broadcast_in_dim3A_14 : vector<16xi32>
      %and3A_130 = arith.andi %ge3A_128, %lt3A_129 : vector<16xi1>
      %select_n3A_131 = arith.select %and3A_130, %sub3A_127, %broadcast_in_dim3A_14 : vector<16xi1>, vector<16xi32>
      %swap3A_132 = arith.index_cast %add3A_59 : i32 to index
      %swap3A_133 = arith.constant 80 : index
      %swap3A_134 = tpu.vector_load %arg7[%swap3A_132, %swap3A_133] {strides = array<i32>} : memref<158x128xi32, #tpu.memory_space<vmem>>, vector<1x16xi32>,
      %swap3A_135 = vector.shape_cast %swap3A_134 : vector<1x16xi32> to vector<16xi32>
      %swap3A_136 = vector.shape_cast %select_n3A_131 : vector<16xi32> to vector<1x16xi32>
      tpu.vector_store %arg7[%swap3A_132, %swap3A_133], %swap3A_136 {strides = array<i32>} : memref<158x128xi32, #tpu.memory_space<vmem>>, vector<1x16xi32>,
      %get3A_137 = arith.index_cast %add3A_59 : i32 to index
      %get3A_138 = arith.constant 96 : index
      %get3A_139 = tpu.vector_load %arg7[%get3A_137, %get3A_138] {strides = array<i32>} : memref<158x128xi32, #tpu.memory_space<vmem>>, vector<1x16xi32>,
      %get3A_140 = vector.shape_cast %get3A_139 : vector<1x16xi32> to vector<16xi32>
      %sub3A_141 = arith.subi %get3A_140, %mul3A_10 : vector<16xi32>
      %ge3A_142 = arith.cmpi sge, %sub3A_141, %broadcast_in_dim3A_12 : vector<16xi32>
      %lt3A_143 = arith.cmpi slt, %sub3A_141, %broadcast_in_dim3A_14 : vector<16xi32>
      %and3A_144 = arith.andi %ge3A_142, %lt3A_143 : vector<16xi1>
      %select_n3A_145 = arith.select %and3A_144, %sub3A_141, %broadcast_in_dim3A_14 : vector<16xi1>, vector<16xi32>
      %swap3A_146 = arith.index_cast %add3A_59 : i32 to index
      %swap3A_147 = arith.constant 96 : index
      %swap3A_148 = tpu.vector_load %arg7[%swap3A_146, %swap3A_147] {strides = array<i32>} : memref<158x128xi32, #tpu.memory_space<vmem>>, vector<1x16xi32>,
      %swap3A_149 = vector.shape_cast %swap3A_148 : vector<1x16xi32> to vector<16xi32>
      %swap3A_150 = vector.shape_cast %select_n3A_145 : vector<16xi32> to vector<1x16xi32>
      tpu.vector_store %arg7[%swap3A_146, %swap3A_147], %swap3A_150 {strides = array<i32>} : memref<158x128xi32, #tpu.memory_space<vmem>>, vector<1x16xi32>,
      %get3A_151 = arith.index_cast %add3A_59 : i32 to index
      %get3A_152 = arith.constant 112 : index
      %get3A_153 = tpu.vector_load %arg7[%get3A_151, %get3A_152] {strides = array<i32>} : memref<158x128xi32, #tpu.memory_space<vmem>>, vector<1x16xi32>,
      %get3A_154 = vector.shape_cast %get3A_153 : vector<1x16xi32> to vector<16xi32>
      %sub3A_155 = arith.subi %get3A_154, %mul3A_10 : vector<16xi32>
      %ge3A_156 = arith.cmpi sge, %sub3A_155, %broadcast_in_dim3A_12 : vector<16xi32>
      %lt3A_157 = arith.cmpi slt, %sub3A_155, %broadcast_in_dim3A_14 : vector<16xi32>
      %and3A_158 = arith.andi %ge3A_156, %lt3A_157 : vector<16xi1>
      %select_n3A_159 = arith.select %and3A_158, %sub3A_155, %broadcast_in_dim3A_14 : vector<16xi1>, vector<16xi32>
      %swap3A_160 = arith.index_cast %add3A_59 : i32 to index
      %swap3A_161 = arith.constant 112 : index
      %swap3A_162 = tpu.vector_load %arg7[%swap3A_160, %swap3A_161] {strides = array<i32>} : memref<158x128xi32, #tpu.memory_space<vmem>>, vector<1x16xi32>,
      %swap3A_163 = vector.shape_cast %swap3A_162 : vector<1x16xi32> to vector<16xi32>
      %swap3A_164 = vector.shape_cast %select_n3A_159 : vector<16xi32> to vector<1x16xi32>
      tpu.vector_store %arg7[%swap3A_160, %swap3A_161], %swap3A_164 {strides = array<i32>} : memref<158x128xi32, #tpu.memory_space<vmem>>, vector<1x16xi32>,
    }
    %scan3A_19 = arith.constant 158 : i32
    %barrier3A = arith.constant 0 : index
    tpu.barrier barrier_id(%barrier3A)
    %dma_start3A = arith.constant 0 : i32
    %dma_start3A_20 = arith.constant 0 : i32
    %dma_start3A_21 = tpu.memref_slice %arg6[%dma_start3A, %dma_start3A_20] : memref<158x128xi32, #tpu.memory_space<vmem>> -> memref<1x128xi32, #tpu.memory_space<vmem>>
    %dma_start3A_22 = tpu.memref_squeeze %dma_start3A_21 : memref<1x128xi32, #tpu.memory_space<vmem>> -> memref<128xi32, #tpu.memory_space<vmem>>
    %dma_start3A_23 = arith.constant 0 : i32
    %dma_start3A_24 = arith.constant 0 : i32
    %dma_start3A_25 = tpu.memref_slice %arg2[%dma_start3A_23, %dma_start3A_24] : memref<10000x128xf32, #tpu.memory_space<hbm>> -> memref<10000x128xf32, #tpu.memory_space<hbm>>
    tpu.enqueue_indirect_dma source(%dma_start3A_25 : memref<10000x128xf32, #tpu.memory_space<hbm>>) target(%arg8 : memref<128x128xf32, #tpu.memory_space<vmem>>) offsets(%dma_start3A_22 : memref<128xi32, #tpu.memory_space<vmem>>) semaphore(%arg11 : memref<!tpu.dma_semaphore, #tpu.memory_space<semaphore_mem>>)
    %scan3A_26 = arith.constant 0 : i32
    %scan3A_27 = arith.constant 79 : i32
    %scan3A_28 = arith.addi %scan3A_26, %scan3A_27 : i32
    %scan3A_29 = arith.constant 1 : i32
    scf.for %scan3A_55 = %scan3A_26 to %scan3A_28 step %scan3A_29  : i32 {
      %mul3A_56 = arith.constant 2 : i32
      %mul3A_57 = arith.muli %scan3A_55, %mul3A_56 : i32
      %add3A_58 = arith.constant 0 : i32
      %add3A_59 = arith.addi %add3A_58, %mul3A_57 : i32
      %dma_wait3A = arith.constant 0 : i32
      %dma_wait3A_60 = tpu.memref_slice %arg6[%add3A_59, %dma_wait3A] : memref<158x128xi32, #tpu.memory_space<vmem>> -> memref<1x128xi32, #tpu.memory_space<vmem>>
      %dma_wait3A_61 = tpu.memref_squeeze %dma_wait3A_60 : memref<1x128xi32, #tpu.memory_space<vmem>> -> memref<128xi32, #tpu.memory_space<vmem>>
      %dma_wait3A_62 = arith.constant 0 : i32
      %dma_wait3A_63 = arith.constant 0 : i32
      %dma_wait3A_64 = tpu.memref_slice %arg2[%dma_wait3A_62, %dma_wait3A_63] : memref<10000x128xf32, #tpu.memory_space<hbm>> -> memref<10000x128xf32, #tpu.memory_space<hbm>>
      tpu.wait_indirect_dma semaphore(%arg11 : memref<!tpu.dma_semaphore, #tpu.memory_space<semaphore_mem>>) src(%dma_wait3A_64 : memref<10000x128xf32, #tpu.memory_space<hbm>>) dst(%arg8 : memref<128x128xf32, #tpu.memory_space<vmem>>)
      %add3A_65 = arith.constant 1 : i32
      %add3A_66 = arith.addi %add3A_59, %add3A_65 : i32
      %dma_start3A_67 = arith.constant 0 : i32
      %dma_start3A_68 = tpu.memref_slice %arg6[%add3A_66, %dma_start3A_67] : memref<158x128xi32, #tpu.memory_space<vmem>> -> memref<1x128xi32, #tpu.memory_space<vmem>>
      %dma_start3A_69 = tpu.memref_squeeze %dma_start3A_68 : memref<1x128xi32, #tpu.memory_space<vmem>> -> memref<128xi32, #tpu.memory_space<vmem>>
      %dma_start3A_70 = arith.constant 0 : i32
      %dma_start3A_71 = arith.constant 0 : i32
      %dma_start3A_72 = tpu.memref_slice %arg2[%dma_start3A_70, %dma_start3A_71] : memref<10000x128xf32, #tpu.memory_space<hbm>> -> memref<10000x128xf32, #tpu.memory_space<hbm>>
      tpu.enqueue_indirect_dma source(%dma_start3A_72 : memref<10000x128xf32, #tpu.memory_space<hbm>>) target(%arg9 : memref<128x128xf32, #tpu.memory_space<vmem>>) offsets(%dma_start3A_69 : memref<128xi32, #tpu.memory_space<vmem>>) semaphore(%arg12 : memref<!tpu.dma_semaphore, #tpu.memory_space<semaphore_mem>>)
      "tpu.region"() ({
        %run_scoped3A = tpu.sem_alloc : memref<!tpu.dma_semaphore, #tpu.memory_space<semaphore_mem>>
        %dma_start3A_87 = arith.constant 0 : i32
        %dma_start3A_88 = tpu.memref_slice %arg7[%add3A_59, %dma_start3A_87] : memref<158x128xi32, #tpu.memory_space<vmem>> -> memref<1x128xi32, #tpu.memory_space<vmem>>
        %dma_start3A_89 = tpu.memref_squeeze %dma_start3A_88 : memref<1x128xi32, #tpu.memory_space<vmem>> -> memref<128xi32, #tpu.memory_space<vmem>>
        %dma_start3A_90 = arith.constant 0 : i32
        %dma_start3A_91 = arith.constant 0 : i32
        %dma_start3A_92 = tpu.memref_slice %arg10[%dma_start3A_90, %dma_start3A_91] : memref<5248x128xf32, #tpu.memory_space<vmem_shared>> -> memref<5248x128xf32, #tpu.memory_space<vmem_shared>>
        tpu.enqueue_indirect_dma source(%arg8 : memref<128x128xf32, #tpu.memory_space<vmem>>) target(%dma_start3A_92 : memref<5248x128xf32, #tpu.memory_space<vmem_shared>>) offsets(%dma_start3A_89 : memref<128xi32, #tpu.memory_space<vmem>>) semaphore(%run_scoped3A : memref<!tpu.dma_semaphore, #tpu.memory_space<semaphore_mem>>) {add = true}
        %dma_wait3A_93 = arith.constant 0 : i32
        %dma_wait3A_94 = tpu.memref_slice %arg7[%add3A_59, %dma_wait3A_93] : memref<158x128xi32, #tpu.memory_space<vmem>> -> memref<1x128xi32, #tpu.memory_space<vmem>>
        %dma_wait3A_95 = tpu.memref_squeeze %dma_wait3A_94 : memref<1x128xi32, #tpu.memory_space<vmem>> -> memref<128xi32, #tpu.memory_space<vmem>>
        %dma_wait3A_96 = arith.constant 0 : i32
        %dma_wait3A_97 = arith.constant 0 : i32
        %dma_wait3A_98 = tpu.memref_slice %arg10[%dma_wait3A_96, %dma_wait3A_97] : memref<5248x128xf32, #tpu.memory_space<vmem_shared>> -> memref<5248x128xf32, #tpu.memory_space<vmem_shared>>
        tpu.wait_indirect_dma semaphore(%run_scoped3A : memref<!tpu.dma_semaphore, #tpu.memory_space<semaphore_mem>>) src(%arg8 : memref<128x128xf32, #tpu.memory_space<vmem>>) dst(%dma_wait3A_98 : memref<5248x128xf32, #tpu.memory_space<vmem_shared>>)
        tpu.yield
      }) : () -> ()
      %add3A_73 = arith.constant 1 : i32
      %add3A_74 = arith.addi %add3A_59, %add3A_73 : i32
      %dma_wait3A_75 = arith.constant 0 : i32
      %dma_wait3A_76 = tpu.memref_slice %arg6[%add3A_74, %dma_wait3A_75] : memref<158x128xi32, #tpu.memory_space<vmem>> -> memref<1x128xi32, #tpu.memory_space<vmem>>
      %dma_wait3A_77 = tpu.memref_squeeze %dma_wait3A_76 : memref<1x128xi32, #tpu.memory_space<vmem>> -> memref<128xi32, #tpu.memory_space<vmem>>
      %dma_wait3A_78 = arith.constant 0 : i32
      %dma_wait3A_79 = arith.constant 0 : i32
      %dma_wait3A_80 = tpu.memref_slice %arg2[%dma_wait3A_78, %dma_wait3A_79] : memref<10000x128xf32, #tpu.memory_space<hbm>> -> memref<10000x128xf32, #tpu.memory_space<hbm>>
      tpu.wait_indirect_dma semaphore(%arg12 : memref<!tpu.dma_semaphore, #tpu.memory_space<semaphore_mem>>) src(%dma_wait3A_80 : memref<10000x128xf32, #tpu.memory_space<hbm>>) dst(%arg9 : memref<128x128xf32, #tpu.memory_space<vmem>>)
      %add3A_81 = arith.constant 2 : i32
      %add3A_82 = arith.addi %add3A_59, %add3A_81 : i32
      %lt3A = arith.constant 158 : i32
      %lt3A_83 = arith.cmpi slt, %add3A_82, %lt3A : i32
      %convert_element_type3A = arith.extui %lt3A_83 : i1 to i32
      %cond3A = arith.constant 0 : i32
      %cond3A_84 = arith.cmpi ne, %convert_element_type3A, %cond3A : i32
      scf.if %cond3A_84 {
        %add3A_87 = arith.constant 2 : i32
        %add3A_88 = arith.addi %add3A_59, %add3A_87 : i32
        %dma_start3A_89 = arith.constant 0 : i32
        %dma_start3A_90 = tpu.memref_slice %arg6[%add3A_88, %dma_start3A_89] : memref<158x128xi32, #tpu.memory_space<vmem>> -> memref<1x128xi32, #tpu.memory_space<vmem>>
        %dma_start3A_91 = tpu.memref_squeeze %dma_start3A_90 : memref<1x128xi32, #tpu.memory_space<vmem>> -> memref<128xi32, #tpu.memory_space<vmem>>
        %dma_start3A_92 = arith.constant 0 : i32
        %dma_start3A_93 = arith.constant 0 : i32
        %dma_start3A_94 = tpu.memref_slice %arg2[%dma_start3A_92, %dma_start3A_93] : memref<10000x128xf32, #tpu.memory_space<hbm>> -> memref<10000x128xf32, #tpu.memory_space<hbm>>
        tpu.enqueue_indirect_dma source(%dma_start3A_94 : memref<10000x128xf32, #tpu.memory_space<hbm>>) target(%arg8 : memref<128x128xf32, #tpu.memory_space<vmem>>) offsets(%dma_start3A_91 : memref<128xi32, #tpu.memory_space<vmem>>) semaphore(%arg11 : memref<!tpu.dma_semaphore, #tpu.memory_space<semaphore_mem>>)
      } else {
      }
      %add3A_85 = arith.constant 1 : i32
      %add3A_86 = arith.addi %add3A_59, %add3A_85 : i32
      "tpu.region"() ({
        %run_scoped3A = tpu.sem_alloc : memref<!tpu.dma_semaphore, #tpu.memory_space<semaphore_mem>>
        %dma_start3A_87 = arith.constant 0 : i32
        %dma_start3A_88 = tpu.memref_slice %arg7[%add3A_86, %dma_start3A_87] : memref<158x128xi32, #tpu.memory_space<vmem>> -> memref<1x128xi32, #tpu.memory_space<vmem>>
        %dma_start3A_89 = tpu.memref_squeeze %dma_start3A_88 : memref<1x128xi32, #tpu.memory_space<vmem>> -> memref<128xi32, #tpu.memory_space<vmem>>
        %dma_start3A_90 = arith.constant 0 : i32
        %dma_start3A_91 = arith.constant 0 : i32
        %dma_start3A_92 = tpu.memref_slice %arg10[%dma_start3A_90, %dma_start3A_91] : memref<5248x128xf32, #tpu.memory_space<vmem_shared>> -> memref<5248x128xf32, #tpu.memory_space<vmem_shared>>
        tpu.enqueue_indirect_dma source(%arg9 : memref<128x128xf32, #tpu.memory_space<vmem>>) target(%dma_start3A_92 : memref<5248x128xf32, #tpu.memory_space<vmem_shared>>) offsets(%dma_start3A_89 : memref<128xi32, #tpu.memory_space<vmem>>) semaphore(%run_scoped3A : memref<!tpu.dma_semaphore, #tpu.memory_space<semaphore_mem>>) {add = true}
        %dma_wait3A_93 = arith.constant 0 : i32
        %dma_wait3A_94 = tpu.memref_slice %arg7[%add3A_86, %dma_wait3A_93] : memref<158x128xi32, #tpu.memory_space<vmem>> -> memref<1x128xi32, #tpu.memory_space<vmem>>
        %dma_wait3A_95 = tpu.memref_squeeze %dma_wait3A_94 : memref<1x128xi32, #tpu.memory_space<vmem>> -> memref<128xi32, #tpu.memory_space<vmem>>
        %dma_wait3A_96 = arith.constant 0 : i32
        %dma_wait3A_97 = arith.constant 0 : i32
        %dma_wait3A_98 = tpu.memref_slice %arg10[%dma_wait3A_96, %dma_wait3A_97] : memref<5248x128xf32, #tpu.memory_space<vmem_shared>> -> memref<5248x128xf32, #tpu.memory_space<vmem_shared>>
        tpu.wait_indirect_dma semaphore(%run_scoped3A : memref<!tpu.dma_semaphore, #tpu.memory_space<semaphore_mem>>) src(%arg9 : memref<128x128xf32, #tpu.memory_space<vmem>>) dst(%dma_wait3A_98 : memref<5248x128xf32, #tpu.memory_space<vmem_shared>>)
        tpu.yield
      }) : () -> ()
    }
    %scan3A_30 = arith.constant 79 : i32
    %barrier3A_31 = arith.constant 0 : index
    tpu.barrier barrier_id(%barrier3A_31)
    %mul3A_32 = arith.constant 320 : i32
    %mul3A_33 = arith.muli %arg1, %mul3A_32 : i32
    %add3A_34 = arith.constant 0 : i32
    %add3A_35 = arith.addi %mul3A_33, %add3A_34 : i32
    %mul3A_36 = arith.constant 5120 : i32
    %mul3A_37 = arith.muli %arg0, %mul3A_36 : i32
    %add3A_38 = arith.addi %mul3A_37, %mul3A_33 : i32
    %add3A_39 = arith.constant 0 : i32
    %add3A_40 = arith.addi %add3A_38, %add3A_39 : i32
    "tpu.region"() ({
      %run_scoped3A = tpu.sem_alloc : memref<!tpu.dma_semaphore, #tpu.memory_space<semaphore_mem>>
      %dma_start3A_55 = arith.constant 0 : i32
      %dma_start3A_56 = tpu.memref_slice %arg5[%add3A_40, %dma_start3A_55] : memref<10240x128xf32, #tpu.memory_space<hbm>> -> memref<128x128xf32, #tpu.memory_space<hbm>>
      %dma_start3A_57 = arith.constant 0 : i32
      %dma_start3A_58 = tpu.memref_slice %arg10[%add3A_35, %dma_start3A_57] : memref<5248x128xf32, #tpu.memory_space<vmem_shared>> -> memref<128x128xf32, #tpu.memory_space<vmem_shared>>
      tpu.enqueue_dma source(%dma_start3A_58 : memref<128x128xf32, #tpu.memory_space<vmem_shared>>) target(%dma_start3A_56 : memref<128x128xf32, #tpu.memory_space<hbm>>) target_semaphore(%run_scoped3A : memref<!tpu.dma_semaphore, #tpu.memory_space<semaphore_mem>>)
      %dma_wait3A = arith.constant 0 : i32
      %dma_wait3A_59 = tpu.memref_slice %arg5[%add3A_40, %dma_wait3A] : memref<10240x128xf32, #tpu.memory_space<hbm>> -> memref<128x128xf32, #tpu.memory_space<hbm>>
      %dma_wait3A_60 = arith.constant 0 : i32
      %dma_wait3A_61 = tpu.memref_slice %arg10[%add3A_35, %dma_wait3A_60] : memref<5248x128xf32, #tpu.memory_space<vmem_shared>> -> memref<128x128xf32, #tpu.memory_space<vmem_shared>>
      tpu.wait_dma2 semaphore(%run_scoped3A : memref<!tpu.dma_semaphore, #tpu.memory_space<semaphore_mem>>) src(%dma_wait3A_61 : memref<128x128xf32, #tpu.memory_space<vmem_shared>>) dst(%dma_wait3A_59 : memref<128x128xf32, #tpu.memory_space<hbm>>)
      tpu.yield
    }) : () -> ()
    %add3A_41 = arith.constant 128 : i32
    %add3A_42 = arith.addi %mul3A_33, %add3A_41 : i32
    %mul3A_43 = arith.constant 5120 : i32
    %mul3A_44 = arith.muli %arg0, %mul3A_43 : i32
    %add3A_45 = arith.addi %mul3A_44, %mul3A_33 : i32
    %add3A_46 = arith.constant 128 : i32
    %add3A_47 = arith.addi %add3A_45, %add3A_46 : i32
    "tpu.region"() ({
      %run_scoped3A = tpu.sem_alloc : memref<!tpu.dma_semaphore, #tpu.memory_space<semaphore_mem>>
      %dma_start3A_55 = arith.constant 0 : i32
      %dma_start3A_56 = tpu.memref_slice %arg5[%add3A_47, %dma_start3A_55] : memref<10240x128xf32, #tpu.memory_space<hbm>> -> memref<128x128xf32, #tpu.memory_space<hbm>>
      %dma_start3A_57 = arith.constant 0 : i32
      %dma_start3A_58 = tpu.memref_slice %arg10[%add3A_42, %dma_start3A_57] : memref<5248x128xf32, #tpu.memory_space<vmem_shared>> -> memref<128x128xf32, #tpu.memory_space<vmem_shared>>
      tpu.enqueue_dma source(%dma_start3A_58 : memref<128x128xf32, #tpu.memory_space<vmem_shared>>) target(%dma_start3A_56 : memref<128x128xf32, #tpu.memory_space<hbm>>) target_semaphore(%run_scoped3A : memref<!tpu.dma_semaphore, #tpu.memory_space<semaphore_mem>>)
      %dma_wait3A = arith.constant 0 : i32
      %dma_wait3A_59 = tpu.memref_slice %arg5[%add3A_47, %dma_wait3A] : memref<10240x128xf32, #tpu.memory_space<hbm>> -> memref<128x128xf32, #tpu.memory_space<hbm>>
      %dma_wait3A_60 = arith.constant 0 : i32
      %dma_wait3A_61 = tpu.memref_slice %arg10[%add3A_42, %dma_wait3A_60] : memref<5248x128xf32, #tpu.memory_space<vmem_shared>> -> memref<128x128xf32, #tpu.memory_space<vmem_shared>>
      tpu.wait_dma2 semaphore(%run_scoped3A : memref<!tpu.dma_semaphore, #tpu.memory_space<semaphore_mem>>) src(%dma_wait3A_61 : memref<128x128xf32, #tpu.memory_space<vmem_shared>>) dst(%dma_wait3A_59 : memref<128x128xf32, #tpu.memory_space<hbm>>)
      tpu.yield
    }) : () -> ()
    %add3A_48 = arith.constant 256 : i32
    %add3A_49 = arith.addi %mul3A_33, %add3A_48 : i32
    %mul3A_50 = arith.constant 5120 : i32
    %mul3A_51 = arith.muli %arg0, %mul3A_50 : i32
    %add3A_52 = arith.addi %mul3A_51, %mul3A_33 : i32
    %add3A_53 = arith.constant 256 : i32
    %add3A_54 = arith.addi %add3A_52, %add3A_53 : i32
    "tpu.region"() ({
      %run_scoped3A = tpu.sem_alloc : memref<!tpu.dma_semaphore, #tpu.memory_space<semaphore_mem>>
      %dma_start3A_55 = arith.constant 0 : i32
      %dma_start3A_56 = tpu.memref_slice %arg5[%add3A_54, %dma_start3A_55] : memref<10240x128xf32, #tpu.memory_space<hbm>> -> memref<64x128xf32, #tpu.memory_space<hbm>>
      %dma_start3A_57 = arith.constant 0 : i32
      %dma_start3A_58 = tpu.memref_slice %arg10[%add3A_49, %dma_start3A_57] : memref<5248x128xf32, #tpu.memory_space<vmem_shared>> -> memref<64x128xf32, #tpu.memory_space<vmem_shared>>
      tpu.enqueue_dma source(%dma_start3A_58 : memref<64x128xf32, #tpu.memory_space<vmem_shared>>) target(%dma_start3A_56 : memref<64x128xf32, #tpu.memory_space<hbm>>) target_semaphore(%run_scoped3A : memref<!tpu.dma_semaphore, #tpu.memory_space<semaphore_mem>>)
      %dma_wait3A = arith.constant 0 : i32
      %dma_wait3A_59 = tpu.memref_slice %arg5[%add3A_54, %dma_wait3A] : memref<10240x128xf32, #tpu.memory_space<hbm>> -> memref<64x128xf32, #tpu.memory_space<hbm>>
      %dma_wait3A_60 = arith.constant 0 : i32
      %dma_wait3A_61 = tpu.memref_slice %arg10[%add3A_49, %dma_wait3A_60] : memref<5248x128xf32, #tpu.memory_space<vmem_shared>> -> memref<64x128xf32, #tpu.memory_space<vmem_shared>>
      tpu.wait_dma2 semaphore(%run_scoped3A : memref<!tpu.dma_semaphore, #tpu.memory_space<semaphore_mem>>) src(%dma_wait3A_61 : memref<64x128xf32, #tpu.memory_space<vmem_shared>>) dst(%dma_wait3A_59 : memref<64x128xf32, #tpu.memory_space<hbm>>)
      tpu.yield
    }) : () -> ()
    return
  }
}

#map = affine_map<(d0, d1) -> (0, 0)>
#map1 = affine_map<(d0, d1) -> (0, 0, 0)>
module attributes {stable_mosaic.version = 14 : i64} {
  func.func @_agg_kernel(%arg0: i32, %arg1: i32, %arg2: memref<10000x128xf32, #tpu.memory_space<hbm>>, %arg3: memref<16x158x128xi32, #tpu.memory_space<hbm>>, %arg4: memref<16x158x128xi32, #tpu.memory_space<hbm>>, %arg5: memref<10240x128xf32, #tpu.memory_space<hbm>>, %arg6: memref<158x128xi32, #tpu.memory_space<vmem>>, %arg7: memref<158x128xi32, #tpu.memory_space<vmem>>, %arg8: memref<128x128xf32, #tpu.memory_space<vmem>>, %arg9: memref<128x128xf32, #tpu.memory_space<vmem>>, %arg10: memref<5248x128xf32, #tpu.memory_space<vmem_shared>>, %arg11: memref<!tpu.dma_semaphore, #tpu.memory_space<semaphore_mem>>, %arg12: memref<!tpu.dma_semaphore, #tpu.memory_space<semaphore_mem>>) attributes {dimension_semantics = [#tpu.dimension_semantics<core_parallel>, #tpu.dimension_semantics<subcore_parallel>], iteration_bounds = array<i64: 2, 16>, scalar_prefetch = 0 : i64, scratch_operands = 7 : i64, tpu.core_type = #tpu.core_type<sc_vector_subcore>, window_params = [{transform_indices = #map}, {transform_indices = #map1}, {transform_indices = #map1}, {transform_indices = #map}]} {
    %scan3A = arith.constant 0 : i32
    %scan3A_0 = arith.constant 128 : i32
    %scan3A_1 = arith.addi %scan3A, %scan3A_0 : i32
    %scan3A_2 = arith.constant 1 : i32
    scf.for %scan3A_55 = %scan3A to %scan3A_1 step %scan3A_2  : i32 {
      %mul3A_56 = arith.constant 1 : i32
      %mul3A_57 = arith.muli %scan3A_55, %mul3A_56 : i32
      %add3A_58 = arith.constant 0 : i32
      %add3A_59 = arith.addi %add3A_58, %mul3A_57 : i32
      %broadcast_in_dim3A_60 = arith.constant 0.000000e+00 : f32
      %broadcast_in_dim3A_61 = vector.broadcast %broadcast_in_dim3A_60 : f32 to vector<16xf32>
      %swap3A = arith.index_cast %add3A_59 : i32 to index
      %swap3A_62 = arith.constant 0 : index
      %swap3A_63 = tpu.vector_load %arg8[%swap3A, %swap3A_62] {strides = array<i32>} : memref<128x128xf32, #tpu.memory_space<vmem>>, vector<1x16xf32>,
      %swap3A_64 = vector.shape_cast %swap3A_63 : vector<1x16xf32> to vector<16xf32>
      %swap3A_65 = vector.shape_cast %broadcast_in_dim3A_61 : vector<16xf32> to vector<1x16xf32>
      tpu.vector_store %arg8[%swap3A, %swap3A_62], %swap3A_65 {strides = array<i32>} : memref<128x128xf32, #tpu.memory_space<vmem>>, vector<1x16xf32>,
      %broadcast_in_dim3A_66 = arith.constant 0.000000e+00 : f32
      %broadcast_in_dim3A_67 = vector.broadcast %broadcast_in_dim3A_66 : f32 to vector<16xf32>
      %swap3A_68 = arith.index_cast %add3A_59 : i32 to index
      %swap3A_69 = arith.constant 16 : index
      %swap3A_70 = tpu.vector_load %arg8[%swap3A_68, %swap3A_69] {strides = array<i32>} : memref<128x128xf32, #tpu.memory_space<vmem>>, vector<1x16xf32>,
      %swap3A_71 = vector.shape_cast %swap3A_70 : vector<1x16xf32> to vector<16xf32>
      %swap3A_72 = vector.shape_cast %broadcast_in_dim3A_67 : vector<16xf32> to vector<1x16xf32>
      tpu.vector_store %arg8[%swap3A_68, %swap3A_69], %swap3A_72 {strides = array<i32>} : memref<128x128xf32, #tpu.memory_space<vmem>>, vector<1x16xf32>,
      %broadcast_in_dim3A_73 = arith.constant 0.000000e+00 : f32
      %broadcast_in_dim3A_74 = vector.broadcast %broadcast_in_dim3A_73 : f32 to vector<16xf32>
      %swap3A_75 = arith.index_cast %add3A_59 : i32 to index
      %swap3A_76 = arith.constant 32 : index
      %swap3A_77 = tpu.vector_load %arg8[%swap3A_75, %swap3A_76] {strides = array<i32>} : memref<128x128xf32, #tpu.memory_space<vmem>>, vector<1x16xf32>,
      %swap3A_78 = vector.shape_cast %swap3A_77 : vector<1x16xf32> to vector<16xf32>
      %swap3A_79 = vector.shape_cast %broadcast_in_dim3A_74 : vector<16xf32> to vector<1x16xf32>
      tpu.vector_store %arg8[%swap3A_75, %swap3A_76], %swap3A_79 {strides = array<i32>} : memref<128x128xf32, #tpu.memory_space<vmem>>, vector<1x16xf32>,
      %broadcast_in_dim3A_80 = arith.constant 0.000000e+00 : f32
      %broadcast_in_dim3A_81 = vector.broadcast %broadcast_in_dim3A_80 : f32 to vector<16xf32>
      %swap3A_82 = arith.index_cast %add3A_59 : i32 to index
      %swap3A_83 = arith.constant 48 : index
      %swap3A_84 = tpu.vector_load %arg8[%swap3A_82, %swap3A_83] {strides = array<i32>} : memref<128x128xf32, #tpu.memory_space<vmem>>, vector<1x16xf32>,
      %swap3A_85 = vector.shape_cast %swap3A_84 : vector<1x16xf32> to vector<16xf32>
      %swap3A_86 = vector.shape_cast %broadcast_in_dim3A_81 : vector<16xf32> to vector<1x16xf32>
      tpu.vector_store %arg8[%swap3A_82, %swap3A_83], %swap3A_86 {strides = array<i32>} : memref<128x128xf32, #tpu.memory_space<vmem>>, vector<1x16xf32>,
      %broadcast_in_dim3A_87 = arith.constant 0.000000e+00 : f32
      %broadcast_in_dim3A_88 = vector.broadcast %broadcast_in_dim3A_87 : f32 to vector<16xf32>
      %swap3A_89 = arith.index_cast %add3A_59 : i32 to index
      %swap3A_90 = arith.constant 64 : index
      %swap3A_91 = tpu.vector_load %arg8[%swap3A_89, %swap3A_90] {strides = array<i32>} : memref<128x128xf32, #tpu.memory_space<vmem>>, vector<1x16xf32>,
      %swap3A_92 = vector.shape_cast %swap3A_91 : vector<1x16xf32> to vector<16xf32>
      %swap3A_93 = vector.shape_cast %broadcast_in_dim3A_88 : vector<16xf32> to vector<1x16xf32>
      tpu.vector_store %arg8[%swap3A_89, %swap3A_90], %swap3A_93 {strides = array<i32>} : memref<128x128xf32, #tpu.memory_space<vmem>>, vector<1x16xf32>,
      %broadcast_in_dim3A_94 = arith.constant 0.000000e+00 : f32
      %broadcast_in_dim3A_95 = vector.broadcast %broadcast_in_dim3A_94 : f32 to vector<16xf32>
      %swap3A_96 = arith.index_cast %add3A_59 : i32 to index
      %swap3A_97 = arith.constant 80 : index
      %swap3A_98 = tpu.vector_load %arg8[%swap3A_96, %swap3A_97] {strides = array<i32>} : memref<128x128xf32, #tpu.memory_space<vmem>>, vector<1x16xf32>,
      %swap3A_99 = vector.shape_cast %swap3A_98 : vector<1x16xf32> to vector<16xf32>
      %swap3A_100 = vector.shape_cast %broadcast_in_dim3A_95 : vector<16xf32> to vector<1x16xf32>
      tpu.vector_store %arg8[%swap3A_96, %swap3A_97], %swap3A_100 {strides = array<i32>} : memref<128x128xf32, #tpu.memory_space<vmem>>, vector<1x16xf32>,
      %broadcast_in_dim3A_101 = arith.constant 0.000000e+00 : f32
      %broadcast_in_dim3A_102 = vector.broadcast %broadcast_in_dim3A_101 : f32 to vector<16xf32>
      %swap3A_103 = arith.index_cast %add3A_59 : i32 to index
      %swap3A_104 = arith.constant 96 : index
      %swap3A_105 = tpu.vector_load %arg8[%swap3A_103, %swap3A_104] {strides = array<i32>} : memref<128x128xf32, #tpu.memory_space<vmem>>, vector<1x16xf32>,
      %swap3A_106 = vector.shape_cast %swap3A_105 : vector<1x16xf32> to vector<16xf32>
      %swap3A_107 = vector.shape_cast %broadcast_in_dim3A_102 : vector<16xf32> to vector<1x16xf32>
      tpu.vector_store %arg8[%swap3A_103, %swap3A_104], %swap3A_107 {strides = array<i32>} : memref<128x128xf32, #tpu.memory_space<vmem>>, vector<1x16xf32>,
      %broadcast_in_dim3A_108 = arith.constant 0.000000e+00 : f32
      %broadcast_in_dim3A_109 = vector.broadcast %broadcast_in_dim3A_108 : f32 to vector<16xf32>
      %swap3A_110 = arith.index_cast %add3A_59 : i32 to index
      %swap3A_111 = arith.constant 112 : index
      %swap3A_112 = tpu.vector_load %arg8[%swap3A_110, %swap3A_111] {strides = array<i32>} : memref<128x128xf32, #tpu.memory_space<vmem>>, vector<1x16xf32>,
      %swap3A_113 = vector.shape_cast %swap3A_112 : vector<1x16xf32> to vector<16xf32>
      %swap3A_114 = vector.shape_cast %broadcast_in_dim3A_109 : vector<16xf32> to vector<1x16xf32>
      tpu.vector_store %arg8[%swap3A_110, %swap3A_111], %swap3A_114 {strides = array<i32>} : memref<128x128xf32, #tpu.memory_space<vmem>>, vector<1x16xf32>,
    }
    %scan3A_3 = arith.constant 128 : i32
    %mul3A = arith.constant 328 : i32
    %mul3A_4 = arith.muli %arg1, %mul3A : i32
    "tpu.region"() ({
      %run_scoped3A = tpu.sem_alloc : memref<!tpu.dma_semaphore, #tpu.memory_space<semaphore_mem>>
      %dma_start3A_55 = arith.constant 0 : i32
      %dma_start3A_56 = tpu.memref_slice %arg10[%mul3A_4, %dma_start3A_55] : memref<5248x128xf32, #tpu.memory_space<vmem_shared>> -> memref<128x128xf32, #tpu.memory_space<vmem_shared>>
      %dma_start3A_57 = arith.constant 0 : i32
      %dma_start3A_58 = tpu.memref_slice %arg10[%mul3A_4, %dma_start3A_57] : memref<5248x128xf32, #tpu.memory_space<vmem_shared>> -> memref<128x128xf32, #tpu.memory_space<vmem_shared>>
      tpu.enqueue_dma source(%arg8 : memref<128x128xf32, #tpu.memory_space<vmem>>) target(%dma_start3A_58 : memref<128x128xf32, #tpu.memory_space<vmem_shared>>) target_semaphore(%run_scoped3A : memref<!tpu.dma_semaphore, #tpu.memory_space<semaphore_mem>>)
      %dma_wait3A = arith.constant 0 : i32
      %dma_wait3A_59 = tpu.memref_slice %arg10[%mul3A_4, %dma_wait3A] : memref<5248x128xf32, #tpu.memory_space<vmem_shared>> -> memref<128x128xf32, #tpu.memory_space<vmem_shared>>
      %dma_wait3A_60 = arith.constant 0 : i32
      %dma_wait3A_61 = tpu.memref_slice %arg10[%mul3A_4, %dma_wait3A_60] : memref<5248x128xf32, #tpu.memory_space<vmem_shared>> -> memref<128x128xf32, #tpu.memory_space<vmem_shared>>
      tpu.wait_dma2 semaphore(%run_scoped3A : memref<!tpu.dma_semaphore, #tpu.memory_space<semaphore_mem>>) src(%arg8 : memref<128x128xf32, #tpu.memory_space<vmem>>) dst(%dma_wait3A_61 : memref<128x128xf32, #tpu.memory_space<vmem_shared>>)
      tpu.yield
    }) : () -> ()
    %add3A = arith.constant 128 : i32
    %add3A_5 = arith.addi %mul3A_4, %add3A : i32
    "tpu.region"() ({
      %run_scoped3A = tpu.sem_alloc : memref<!tpu.dma_semaphore, #tpu.memory_space<semaphore_mem>>
      %dma_start3A_55 = arith.constant 0 : i32
      %dma_start3A_56 = tpu.memref_slice %arg10[%add3A_5, %dma_start3A_55] : memref<5248x128xf32, #tpu.memory_space<vmem_shared>> -> memref<128x128xf32, #tpu.memory_space<vmem_shared>>
      %dma_start3A_57 = arith.constant 0 : i32
      %dma_start3A_58 = tpu.memref_slice %arg10[%add3A_5, %dma_start3A_57] : memref<5248x128xf32, #tpu.memory_space<vmem_shared>> -> memref<128x128xf32, #tpu.memory_space<vmem_shared>>
      tpu.enqueue_dma source(%arg8 : memref<128x128xf32, #tpu.memory_space<vmem>>) target(%dma_start3A_58 : memref<128x128xf32, #tpu.memory_space<vmem_shared>>) target_semaphore(%run_scoped3A : memref<!tpu.dma_semaphore, #tpu.memory_space<semaphore_mem>>)
      %dma_wait3A = arith.constant 0 : i32
      %dma_wait3A_59 = tpu.memref_slice %arg10[%add3A_5, %dma_wait3A] : memref<5248x128xf32, #tpu.memory_space<vmem_shared>> -> memref<128x128xf32, #tpu.memory_space<vmem_shared>>
      %dma_wait3A_60 = arith.constant 0 : i32
      %dma_wait3A_61 = tpu.memref_slice %arg10[%add3A_5, %dma_wait3A_60] : memref<5248x128xf32, #tpu.memory_space<vmem_shared>> -> memref<128x128xf32, #tpu.memory_space<vmem_shared>>
      tpu.wait_dma2 semaphore(%run_scoped3A : memref<!tpu.dma_semaphore, #tpu.memory_space<semaphore_mem>>) src(%arg8 : memref<128x128xf32, #tpu.memory_space<vmem>>) dst(%dma_wait3A_61 : memref<128x128xf32, #tpu.memory_space<vmem_shared>>)
      tpu.yield
    }) : () -> ()
    %add3A_6 = arith.constant 256 : i32
    %add3A_7 = arith.addi %mul3A_4, %add3A_6 : i32
    "tpu.region"() ({
      %run_scoped3A = tpu.sem_alloc : memref<!tpu.dma_semaphore, #tpu.memory_space<semaphore_mem>>
      %dma_start3A_55 = arith.constant 0 : i32
      %dma_start3A_56 = arith.constant 0 : i32
      %dma_start3A_57 = tpu.memref_slice %arg8[%dma_start3A_55, %dma_start3A_56] : memref<128x128xf32, #tpu.memory_space<vmem>> -> memref<72x128xf32, #tpu.memory_space<vmem>>
      %dma_start3A_58 = arith.constant 0 : i32
      %dma_start3A_59 = tpu.memref_slice %arg10[%add3A_7, %dma_start3A_58] : memref<5248x128xf32, #tpu.memory_space<vmem_shared>> -> memref<72x128xf32, #tpu.memory_space<vmem_shared>>
      %dma_start3A_60 = arith.constant 0 : i32
      %dma_start3A_61 = tpu.memref_slice %arg10[%add3A_7, %dma_start3A_60] : memref<5248x128xf32, #tpu.memory_space<vmem_shared>> -> memref<72x128xf32, #tpu.memory_space<vmem_shared>>
      %dma_start3A_62 = arith.constant 0 : i32
      %dma_start3A_63 = arith.constant 0 : i32
      %dma_start3A_64 = tpu.memref_slice %arg8[%dma_start3A_62, %dma_start3A_63] : memref<128x128xf32, #tpu.memory_space<vmem>> -> memref<72x128xf32, #tpu.memory_space<vmem>>
      tpu.enqueue_dma source(%dma_start3A_64 : memref<72x128xf32, #tpu.memory_space<vmem>>) target(%dma_start3A_61 : memref<72x128xf32, #tpu.memory_space<vmem_shared>>) target_semaphore(%run_scoped3A : memref<!tpu.dma_semaphore, #tpu.memory_space<semaphore_mem>>)
      %dma_wait3A = arith.constant 0 : i32
      %dma_wait3A_65 = arith.constant 0 : i32
      %dma_wait3A_66 = tpu.memref_slice %arg8[%dma_wait3A, %dma_wait3A_65] : memref<128x128xf32, #tpu.memory_space<vmem>> -> memref<72x128xf32, #tpu.memory_space<vmem>>
      %dma_wait3A_67 = arith.constant 0 : i32
      %dma_wait3A_68 = tpu.memref_slice %arg10[%add3A_7, %dma_wait3A_67] : memref<5248x128xf32, #tpu.memory_space<vmem_shared>> -> memref<72x128xf32, #tpu.memory_space<vmem_shared>>
      %dma_wait3A_69 = arith.constant 0 : i32
      %dma_wait3A_70 = tpu.memref_slice %arg10[%add3A_7, %dma_wait3A_69] : memref<5248x128xf32, #tpu.memory_space<vmem_shared>> -> memref<72x128xf32, #tpu.memory_space<vmem_shared>>
      %dma_wait3A_71 = arith.constant 0 : i32
      %dma_wait3A_72 = arith.constant 0 : i32
      %dma_wait3A_73 = tpu.memref_slice %arg8[%dma_wait3A_71, %dma_wait3A_72] : memref<128x128xf32, #tpu.memory_space<vmem>> -> memref<72x128xf32, #tpu.memory_space<vmem>>
      tpu.wait_dma2 semaphore(%run_scoped3A : memref<!tpu.dma_semaphore, #tpu.memory_space<semaphore_mem>>) src(%dma_wait3A_73 : memref<72x128xf32, #tpu.memory_space<vmem>>) dst(%dma_wait3A_70 : memref<72x128xf32, #tpu.memory_space<vmem_shared>>)
      tpu.yield
    }) : () -> ()
    "tpu.region"() ({
      %run_scoped3A = tpu.sem_alloc : memref<!tpu.dma_semaphore, #tpu.memory_space<semaphore_mem>>
      %dma_start3A_55 = arith.constant 0 : i32
      %dma_start3A_56 = arith.constant 0 : i32
      %dma_start3A_57 = tpu.memref_slice %arg3[%arg1, %dma_start3A_55, %dma_start3A_56] : memref<16x158x128xi32, #tpu.memory_space<hbm>> -> memref<1x158x128xi32, #tpu.memory_space<hbm>>
      %dma_start3A_58 = tpu.memref_squeeze %dma_start3A_57 : memref<1x158x128xi32, #tpu.memory_space<hbm>> -> memref<158x128xi32, #tpu.memory_space<hbm>>
      %dma_start3A_59 = arith.constant 0 : i32
      %dma_start3A_60 = arith.constant 0 : i32
      %dma_start3A_61 = tpu.memref_slice %arg3[%arg1, %dma_start3A_59, %dma_start3A_60] : memref<16x158x128xi32, #tpu.memory_space<hbm>> -> memref<1x158x128xi32, #tpu.memory_space<hbm>>
      %dma_start3A_62 = tpu.memref_squeeze %dma_start3A_61 : memref<1x158x128xi32, #tpu.memory_space<hbm>> -> memref<158x128xi32, #tpu.memory_space<hbm>>
      tpu.enqueue_dma source(%dma_start3A_62 : memref<158x128xi32, #tpu.memory_space<hbm>>) target(%arg6 : memref<158x128xi32, #tpu.memory_space<vmem>>) target_semaphore(%run_scoped3A : memref<!tpu.dma_semaphore, #tpu.memory_space<semaphore_mem>>)
      %dma_wait3A = arith.constant 0 : i32
      %dma_wait3A_63 = arith.constant 0 : i32
      %dma_wait3A_64 = tpu.memref_slice %arg3[%arg1, %dma_wait3A, %dma_wait3A_63] : memref<16x158x128xi32, #tpu.memory_space<hbm>> -> memref<1x158x128xi32, #tpu.memory_space<hbm>>
      %dma_wait3A_65 = tpu.memref_squeeze %dma_wait3A_64 : memref<1x158x128xi32, #tpu.memory_space<hbm>> -> memref<158x128xi32, #tpu.memory_space<hbm>>
      %dma_wait3A_66 = arith.constant 0 : i32
      %dma_wait3A_67 = arith.constant 0 : i32
      %dma_wait3A_68 = tpu.memref_slice %arg3[%arg1, %dma_wait3A_66, %dma_wait3A_67] : memref<16x158x128xi32, #tpu.memory_space<hbm>> -> memref<1x158x128xi32, #tpu.memory_space<hbm>>
      %dma_wait3A_69 = tpu.memref_squeeze %dma_wait3A_68 : memref<1x158x128xi32, #tpu.memory_space<hbm>> -> memref<158x128xi32, #tpu.memory_space<hbm>>
      tpu.wait_dma2 semaphore(%run_scoped3A : memref<!tpu.dma_semaphore, #tpu.memory_space<semaphore_mem>>) src(%dma_wait3A_69 : memref<158x128xi32, #tpu.memory_space<hbm>>) dst(%arg6 : memref<158x128xi32, #tpu.memory_space<vmem>>)
      tpu.yield
    }) : () -> ()
    "tpu.region"() ({
      %run_scoped3A = tpu.sem_alloc : memref<!tpu.dma_semaphore, #tpu.memory_space<semaphore_mem>>
      %dma_start3A_55 = arith.constant 0 : i32
      %dma_start3A_56 = arith.constant 0 : i32
      %dma_start3A_57 = tpu.memref_slice %arg4[%arg1, %dma_start3A_55, %dma_start3A_56] : memref<16x158x128xi32, #tpu.memory_space<hbm>> -> memref<1x158x128xi32, #tpu.memory_space<hbm>>
      %dma_start3A_58 = tpu.memref_squeeze %dma_start3A_57 : memref<1x158x128xi32, #tpu.memory_space<hbm>> -> memref<158x128xi32, #tpu.memory_space<hbm>>
      %dma_start3A_59 = arith.constant 0 : i32
      %dma_start3A_60 = arith.constant 0 : i32
      %dma_start3A_61 = tpu.memref_slice %arg4[%arg1, %dma_start3A_59, %dma_start3A_60] : memref<16x158x128xi32, #tpu.memory_space<hbm>> -> memref<1x158x128xi32, #tpu.memory_space<hbm>>
      %dma_start3A_62 = tpu.memref_squeeze %dma_start3A_61 : memref<1x158x128xi32, #tpu.memory_space<hbm>> -> memref<158x128xi32, #tpu.memory_space<hbm>>
      tpu.enqueue_dma source(%dma_start3A_62 : memref<158x128xi32, #tpu.memory_space<hbm>>) target(%arg7 : memref<158x128xi32, #tpu.memory_space<vmem>>) target_semaphore(%run_scoped3A : memref<!tpu.dma_semaphore, #tpu.memory_space<semaphore_mem>>)
      %dma_wait3A = arith.constant 0 : i32
      %dma_wait3A_63 = arith.constant 0 : i32
      %dma_wait3A_64 = tpu.memref_slice %arg4[%arg1, %dma_wait3A, %dma_wait3A_63] : memref<16x158x128xi32, #tpu.memory_space<hbm>> -> memref<1x158x128xi32, #tpu.memory_space<hbm>>
      %dma_wait3A_65 = tpu.memref_squeeze %dma_wait3A_64 : memref<1x158x128xi32, #tpu.memory_space<hbm>> -> memref<158x128xi32, #tpu.memory_space<hbm>>
      %dma_wait3A_66 = arith.constant 0 : i32
      %dma_wait3A_67 = arith.constant 0 : i32
      %dma_wait3A_68 = tpu.memref_slice %arg4[%arg1, %dma_wait3A_66, %dma_wait3A_67] : memref<16x158x128xi32, #tpu.memory_space<hbm>> -> memref<1x158x128xi32, #tpu.memory_space<hbm>>
      %dma_wait3A_69 = tpu.memref_squeeze %dma_wait3A_68 : memref<1x158x128xi32, #tpu.memory_space<hbm>> -> memref<158x128xi32, #tpu.memory_space<hbm>>
      tpu.wait_dma2 semaphore(%run_scoped3A : memref<!tpu.dma_semaphore, #tpu.memory_space<semaphore_mem>>) src(%dma_wait3A_69 : memref<158x128xi32, #tpu.memory_space<hbm>>) dst(%arg7 : memref<158x128xi32, #tpu.memory_space<vmem>>)
      tpu.yield
    }) : () -> ()
    %broadcast_in_dim3A = arith.constant 5120 : i32
    %broadcast_in_dim3A_8 = vector.broadcast %broadcast_in_dim3A : i32 to vector<16xi32>
    %mul3A_9 = vector.broadcast %arg0 : i32 to vector<16xi32>
    %mul3A_10 = arith.muli %broadcast_in_dim3A_8, %mul3A_9 : vector<16xi32>
    %broadcast_in_dim3A_11 = arith.constant 0 : i32
    %broadcast_in_dim3A_12 = vector.broadcast %broadcast_in_dim3A_11 : i32 to vector<16xi32>
    %broadcast_in_dim3A_13 = arith.constant 5120 : i32
    %broadcast_in_dim3A_14 = vector.broadcast %broadcast_in_dim3A_13 : i32 to vector<16xi32>
    %scan3A_15 = arith.constant 0 : i32
    %scan3A_16 = arith.constant 158 : i32
    %scan3A_17 = arith.addi %scan3A_15, %scan3A_16 : i32
    %scan3A_18 = arith.constant 1 : i32
    scf.for %scan3A_55 = %scan3A_15 to %scan3A_17 step %scan3A_18  : i32 {
      %mul3A_56 = arith.constant 1 : i32
      %mul3A_57 = arith.muli %scan3A_55, %mul3A_56 : i32
      %add3A_58 = arith.constant 0 : i32
      %add3A_59 = arith.addi %add3A_58, %mul3A_57 : i32
      %get3A = arith.index_cast %add3A_59 : i32 to index
      %get3A_60 = arith.constant 0 : index
      %get3A_61 = tpu.vector_load %arg7[%get3A, %get3A_60] {strides = array<i32>} : memref<158x128xi32, #tpu.memory_space<vmem>>, vector<1x16xi32>,
      %get3A_62 = vector.shape_cast %get3A_61 : vector<1x16xi32> to vector<16xi32>
      %sub3A = arith.subi %get3A_62, %mul3A_10 : vector<16xi32>
      %ge3A = arith.cmpi sge, %sub3A, %broadcast_in_dim3A_12 : vector<16xi32>
      %lt3A = arith.cmpi slt, %sub3A, %broadcast_in_dim3A_14 : vector<16xi32>
      %and3A = arith.andi %ge3A, %lt3A : vector<16xi1>
      %select_n3A = arith.select %and3A, %sub3A, %broadcast_in_dim3A_14 : vector<16xi1>, vector<16xi32>
      %swap3A = arith.index_cast %add3A_59 : i32 to index
      %swap3A_63 = arith.constant 0 : index
      %swap3A_64 = tpu.vector_load %arg7[%swap3A, %swap3A_63] {strides = array<i32>} : memref<158x128xi32, #tpu.memory_space<vmem>>, vector<1x16xi32>,
      %swap3A_65 = vector.shape_cast %swap3A_64 : vector<1x16xi32> to vector<16xi32>
      %swap3A_66 = vector.shape_cast %select_n3A : vector<16xi32> to vector<1x16xi32>
      tpu.vector_store %arg7[%swap3A, %swap3A_63], %swap3A_66 {strides = array<i32>} : memref<158x128xi32, #tpu.memory_space<vmem>>, vector<1x16xi32>,
      %get3A_67 = arith.index_cast %add3A_59 : i32 to index
      %get3A_68 = arith.constant 16 : index
      %get3A_69 = tpu.vector_load %arg7[%get3A_67, %get3A_68] {strides = array<i32>} : memref<158x128xi32, #tpu.memory_space<vmem>>, vector<1x16xi32>,
      %get3A_70 = vector.shape_cast %get3A_69 : vector<1x16xi32> to vector<16xi32>
      %sub3A_71 = arith.subi %get3A_70, %mul3A_10 : vector<16xi32>
      %ge3A_72 = arith.cmpi sge, %sub3A_71, %broadcast_in_dim3A_12 : vector<16xi32>
      %lt3A_73 = arith.cmpi slt, %sub3A_71, %broadcast_in_dim3A_14 : vector<16xi32>
      %and3A_74 = arith.andi %ge3A_72, %lt3A_73 : vector<16xi1>
      %select_n3A_75 = arith.select %and3A_74, %sub3A_71, %broadcast_in_dim3A_14 : vector<16xi1>, vector<16xi32>
      %swap3A_76 = arith.index_cast %add3A_59 : i32 to index
      %swap3A_77 = arith.constant 16 : index
      %swap3A_78 = tpu.vector_load %arg7[%swap3A_76, %swap3A_77] {strides = array<i32>} : memref<158x128xi32, #tpu.memory_space<vmem>>, vector<1x16xi32>,
      %swap3A_79 = vector.shape_cast %swap3A_78 : vector<1x16xi32> to vector<16xi32>
      %swap3A_80 = vector.shape_cast %select_n3A_75 : vector<16xi32> to vector<1x16xi32>
      tpu.vector_store %arg7[%swap3A_76, %swap3A_77], %swap3A_80 {strides = array<i32>} : memref<158x128xi32, #tpu.memory_space<vmem>>, vector<1x16xi32>,
      %get3A_81 = arith.index_cast %add3A_59 : i32 to index
      %get3A_82 = arith.constant 32 : index
      %get3A_83 = tpu.vector_load %arg7[%get3A_81, %get3A_82] {strides = array<i32>} : memref<158x128xi32, #tpu.memory_space<vmem>>, vector<1x16xi32>,
      %get3A_84 = vector.shape_cast %get3A_83 : vector<1x16xi32> to vector<16xi32>
      %sub3A_85 = arith.subi %get3A_84, %mul3A_10 : vector<16xi32>
      %ge3A_86 = arith.cmpi sge, %sub3A_85, %broadcast_in_dim3A_12 : vector<16xi32>
      %lt3A_87 = arith.cmpi slt, %sub3A_85, %broadcast_in_dim3A_14 : vector<16xi32>
      %and3A_88 = arith.andi %ge3A_86, %lt3A_87 : vector<16xi1>
      %select_n3A_89 = arith.select %and3A_88, %sub3A_85, %broadcast_in_dim3A_14 : vector<16xi1>, vector<16xi32>
      %swap3A_90 = arith.index_cast %add3A_59 : i32 to index
      %swap3A_91 = arith.constant 32 : index
      %swap3A_92 = tpu.vector_load %arg7[%swap3A_90, %swap3A_91] {strides = array<i32>} : memref<158x128xi32, #tpu.memory_space<vmem>>, vector<1x16xi32>,
      %swap3A_93 = vector.shape_cast %swap3A_92 : vector<1x16xi32> to vector<16xi32>
      %swap3A_94 = vector.shape_cast %select_n3A_89 : vector<16xi32> to vector<1x16xi32>
      tpu.vector_store %arg7[%swap3A_90, %swap3A_91], %swap3A_94 {strides = array<i32>} : memref<158x128xi32, #tpu.memory_space<vmem>>, vector<1x16xi32>,
      %get3A_95 = arith.index_cast %add3A_59 : i32 to index
      %get3A_96 = arith.constant 48 : index
      %get3A_97 = tpu.vector_load %arg7[%get3A_95, %get3A_96] {strides = array<i32>} : memref<158x128xi32, #tpu.memory_space<vmem>>, vector<1x16xi32>,
      %get3A_98 = vector.shape_cast %get3A_97 : vector<1x16xi32> to vector<16xi32>
      %sub3A_99 = arith.subi %get3A_98, %mul3A_10 : vector<16xi32>
      %ge3A_100 = arith.cmpi sge, %sub3A_99, %broadcast_in_dim3A_12 : vector<16xi32>
      %lt3A_101 = arith.cmpi slt, %sub3A_99, %broadcast_in_dim3A_14 : vector<16xi32>
      %and3A_102 = arith.andi %ge3A_100, %lt3A_101 : vector<16xi1>
      %select_n3A_103 = arith.select %and3A_102, %sub3A_99, %broadcast_in_dim3A_14 : vector<16xi1>, vector<16xi32>
      %swap3A_104 = arith.index_cast %add3A_59 : i32 to index
      %swap3A_105 = arith.constant 48 : index
      %swap3A_106 = tpu.vector_load %arg7[%swap3A_104, %swap3A_105] {strides = array<i32>} : memref<158x128xi32, #tpu.memory_space<vmem>>, vector<1x16xi32>,
      %swap3A_107 = vector.shape_cast %swap3A_106 : vector<1x16xi32> to vector<16xi32>
      %swap3A_108 = vector.shape_cast %select_n3A_103 : vector<16xi32> to vector<1x16xi32>
      tpu.vector_store %arg7[%swap3A_104, %swap3A_105], %swap3A_108 {strides = array<i32>} : memref<158x128xi32, #tpu.memory_space<vmem>>, vector<1x16xi32>,
      %get3A_109 = arith.index_cast %add3A_59 : i32 to index
      %get3A_110 = arith.constant 64 : index
      %get3A_111 = tpu.vector_load %arg7[%get3A_109, %get3A_110] {strides = array<i32>} : memref<158x128xi32, #tpu.memory_space<vmem>>, vector<1x16xi32>,
      %get3A_112 = vector.shape_cast %get3A_111 : vector<1x16xi32> to vector<16xi32>
      %sub3A_113 = arith.subi %get3A_112, %mul3A_10 : vector<16xi32>
      %ge3A_114 = arith.cmpi sge, %sub3A_113, %broadcast_in_dim3A_12 : vector<16xi32>
      %lt3A_115 = arith.cmpi slt, %sub3A_113, %broadcast_in_dim3A_14 : vector<16xi32>
      %and3A_116 = arith.andi %ge3A_114, %lt3A_115 : vector<16xi1>
      %select_n3A_117 = arith.select %and3A_116, %sub3A_113, %broadcast_in_dim3A_14 : vector<16xi1>, vector<16xi32>
      %swap3A_118 = arith.index_cast %add3A_59 : i32 to index
      %swap3A_119 = arith.constant 64 : index
      %swap3A_120 = tpu.vector_load %arg7[%swap3A_118, %swap3A_119] {strides = array<i32>} : memref<158x128xi32, #tpu.memory_space<vmem>>, vector<1x16xi32>,
      %swap3A_121 = vector.shape_cast %swap3A_120 : vector<1x16xi32> to vector<16xi32>
      %swap3A_122 = vector.shape_cast %select_n3A_117 : vector<16xi32> to vector<1x16xi32>
      tpu.vector_store %arg7[%swap3A_118, %swap3A_119], %swap3A_122 {strides = array<i32>} : memref<158x128xi32, #tpu.memory_space<vmem>>, vector<1x16xi32>,
      %get3A_123 = arith.index_cast %add3A_59 : i32 to index
      %get3A_124 = arith.constant 80 : index
      %get3A_125 = tpu.vector_load %arg7[%get3A_123, %get3A_124] {strides = array<i32>} : memref<158x128xi32, #tpu.memory_space<vmem>>, vector<1x16xi32>,
      %get3A_126 = vector.shape_cast %get3A_125 : vector<1x16xi32> to vector<16xi32>
      %sub3A_127 = arith.subi %get3A_126, %mul3A_10 : vector<16xi32>
      %ge3A_128 = arith.cmpi sge, %sub3A_127, %broadcast_in_dim3A_12 : vector<16xi32>
      %lt3A_129 = arith.cmpi slt, %sub3A_127, %broadcast_in_dim3A_14 : vector<16xi32>
      %and3A_130 = arith.andi %ge3A_128, %lt3A_129 : vector<16xi1>
      %select_n3A_131 = arith.select %and3A_130, %sub3A_127, %broadcast_in_dim3A_14 : vector<16xi1>, vector<16xi32>
      %swap3A_132 = arith.index_cast %add3A_59 : i32 to index
      %swap3A_133 = arith.constant 80 : index
      %swap3A_134 = tpu.vector_load %arg7[%swap3A_132, %swap3A_133] {strides = array<i32>} : memref<158x128xi32, #tpu.memory_space<vmem>>, vector<1x16xi32>,
      %swap3A_135 = vector.shape_cast %swap3A_134 : vector<1x16xi32> to vector<16xi32>
      %swap3A_136 = vector.shape_cast %select_n3A_131 : vector<16xi32> to vector<1x16xi32>
      tpu.vector_store %arg7[%swap3A_132, %swap3A_133], %swap3A_136 {strides = array<i32>} : memref<158x128xi32, #tpu.memory_space<vmem>>, vector<1x16xi32>,
      %get3A_137 = arith.index_cast %add3A_59 : i32 to index
      %get3A_138 = arith.constant 96 : index
      %get3A_139 = tpu.vector_load %arg7[%get3A_137, %get3A_138] {strides = array<i32>} : memref<158x128xi32, #tpu.memory_space<vmem>>, vector<1x16xi32>,
      %get3A_140 = vector.shape_cast %get3A_139 : vector<1x16xi32> to vector<16xi32>
      %sub3A_141 = arith.subi %get3A_140, %mul3A_10 : vector<16xi32>
      %ge3A_142 = arith.cmpi sge, %sub3A_141, %broadcast_in_dim3A_12 : vector<16xi32>
      %lt3A_143 = arith.cmpi slt, %sub3A_141, %broadcast_in_dim3A_14 : vector<16xi32>
      %and3A_144 = arith.andi %ge3A_142, %lt3A_143 : vector<16xi1>
      %select_n3A_145 = arith.select %and3A_144, %sub3A_141, %broadcast_in_dim3A_14 : vector<16xi1>, vector<16xi32>
      %swap3A_146 = arith.index_cast %add3A_59 : i32 to index
      %swap3A_147 = arith.constant 96 : index
      %swap3A_148 = tpu.vector_load %arg7[%swap3A_146, %swap3A_147] {strides = array<i32>} : memref<158x128xi32, #tpu.memory_space<vmem>>, vector<1x16xi32>,
      %swap3A_149 = vector.shape_cast %swap3A_148 : vector<1x16xi32> to vector<16xi32>
      %swap3A_150 = vector.shape_cast %select_n3A_145 : vector<16xi32> to vector<1x16xi32>
      tpu.vector_store %arg7[%swap3A_146, %swap3A_147], %swap3A_150 {strides = array<i32>} : memref<158x128xi32, #tpu.memory_space<vmem>>, vector<1x16xi32>,
      %get3A_151 = arith.index_cast %add3A_59 : i32 to index
      %get3A_152 = arith.constant 112 : index
      %get3A_153 = tpu.vector_load %arg7[%get3A_151, %get3A_152] {strides = array<i32>} : memref<158x128xi32, #tpu.memory_space<vmem>>, vector<1x16xi32>,
      %get3A_154 = vector.shape_cast %get3A_153 : vector<1x16xi32> to vector<16xi32>
      %sub3A_155 = arith.subi %get3A_154, %mul3A_10 : vector<16xi32>
      %ge3A_156 = arith.cmpi sge, %sub3A_155, %broadcast_in_dim3A_12 : vector<16xi32>
      %lt3A_157 = arith.cmpi slt, %sub3A_155, %broadcast_in_dim3A_14 : vector<16xi32>
      %and3A_158 = arith.andi %ge3A_156, %lt3A_157 : vector<16xi1>
      %select_n3A_159 = arith.select %and3A_158, %sub3A_155, %broadcast_in_dim3A_14 : vector<16xi1>, vector<16xi32>
      %swap3A_160 = arith.index_cast %add3A_59 : i32 to index
      %swap3A_161 = arith.constant 112 : index
      %swap3A_162 = tpu.vector_load %arg7[%swap3A_160, %swap3A_161] {strides = array<i32>} : memref<158x128xi32, #tpu.memory_space<vmem>>, vector<1x16xi32>,
      %swap3A_163 = vector.shape_cast %swap3A_162 : vector<1x16xi32> to vector<16xi32>
      %swap3A_164 = vector.shape_cast %select_n3A_159 : vector<16xi32> to vector<1x16xi32>
      tpu.vector_store %arg7[%swap3A_160, %swap3A_161], %swap3A_164 {strides = array<i32>} : memref<158x128xi32, #tpu.memory_space<vmem>>, vector<1x16xi32>,
    }
    %scan3A_19 = arith.constant 158 : i32
    %barrier3A = arith.constant 0 : index
    tpu.barrier barrier_id(%barrier3A)
    %dma_start3A = arith.constant 0 : i32
    %dma_start3A_20 = arith.constant 0 : i32
    %dma_start3A_21 = tpu.memref_slice %arg6[%dma_start3A, %dma_start3A_20] : memref<158x128xi32, #tpu.memory_space<vmem>> -> memref<1x128xi32, #tpu.memory_space<vmem>>
    %dma_start3A_22 = tpu.memref_squeeze %dma_start3A_21 : memref<1x128xi32, #tpu.memory_space<vmem>> -> memref<128xi32, #tpu.memory_space<vmem>>
    %dma_start3A_23 = arith.constant 0 : i32
    %dma_start3A_24 = arith.constant 0 : i32
    %dma_start3A_25 = tpu.memref_slice %arg2[%dma_start3A_23, %dma_start3A_24] : memref<10000x128xf32, #tpu.memory_space<hbm>> -> memref<10000x128xf32, #tpu.memory_space<hbm>>
    tpu.enqueue_indirect_dma source(%dma_start3A_25 : memref<10000x128xf32, #tpu.memory_space<hbm>>) target(%arg8 : memref<128x128xf32, #tpu.memory_space<vmem>>) offsets(%dma_start3A_22 : memref<128xi32, #tpu.memory_space<vmem>>) semaphore(%arg11 : memref<!tpu.dma_semaphore, #tpu.memory_space<semaphore_mem>>)
    %scan3A_26 = arith.constant 0 : i32
    %scan3A_27 = arith.constant 79 : i32
    %scan3A_28 = arith.addi %scan3A_26, %scan3A_27 : i32
    %scan3A_29 = arith.constant 1 : i32
    scf.for %scan3A_55 = %scan3A_26 to %scan3A_28 step %scan3A_29  : i32 {
      %mul3A_56 = arith.constant 2 : i32
      %mul3A_57 = arith.muli %scan3A_55, %mul3A_56 : i32
      %add3A_58 = arith.constant 0 : i32
      %add3A_59 = arith.addi %add3A_58, %mul3A_57 : i32
      %dma_wait3A = arith.constant 0 : i32
      %dma_wait3A_60 = tpu.memref_slice %arg6[%add3A_59, %dma_wait3A] : memref<158x128xi32, #tpu.memory_space<vmem>> -> memref<1x128xi32, #tpu.memory_space<vmem>>
      %dma_wait3A_61 = tpu.memref_squeeze %dma_wait3A_60 : memref<1x128xi32, #tpu.memory_space<vmem>> -> memref<128xi32, #tpu.memory_space<vmem>>
      %dma_wait3A_62 = arith.constant 0 : i32
      %dma_wait3A_63 = arith.constant 0 : i32
      %dma_wait3A_64 = tpu.memref_slice %arg2[%dma_wait3A_62, %dma_wait3A_63] : memref<10000x128xf32, #tpu.memory_space<hbm>> -> memref<10000x128xf32, #tpu.memory_space<hbm>>
      tpu.wait_indirect_dma semaphore(%arg11 : memref<!tpu.dma_semaphore, #tpu.memory_space<semaphore_mem>>) src(%dma_wait3A_64 : memref<10000x128xf32, #tpu.memory_space<hbm>>) dst(%arg8 : memref<128x128xf32, #tpu.memory_space<vmem>>)
      %add3A_65 = arith.constant 1 : i32
      %add3A_66 = arith.addi %add3A_59, %add3A_65 : i32
      %dma_start3A_67 = arith.constant 0 : i32
      %dma_start3A_68 = tpu.memref_slice %arg6[%add3A_66, %dma_start3A_67] : memref<158x128xi32, #tpu.memory_space<vmem>> -> memref<1x128xi32, #tpu.memory_space<vmem>>
      %dma_start3A_69 = tpu.memref_squeeze %dma_start3A_68 : memref<1x128xi32, #tpu.memory_space<vmem>> -> memref<128xi32, #tpu.memory_space<vmem>>
      %dma_start3A_70 = arith.constant 0 : i32
      %dma_start3A_71 = arith.constant 0 : i32
      %dma_start3A_72 = tpu.memref_slice %arg2[%dma_start3A_70, %dma_start3A_71] : memref<10000x128xf32, #tpu.memory_space<hbm>> -> memref<10000x128xf32, #tpu.memory_space<hbm>>
      tpu.enqueue_indirect_dma source(%dma_start3A_72 : memref<10000x128xf32, #tpu.memory_space<hbm>>) target(%arg9 : memref<128x128xf32, #tpu.memory_space<vmem>>) offsets(%dma_start3A_69 : memref<128xi32, #tpu.memory_space<vmem>>) semaphore(%arg12 : memref<!tpu.dma_semaphore, #tpu.memory_space<semaphore_mem>>)
      "tpu.region"() ({
        %run_scoped3A = tpu.sem_alloc : memref<!tpu.dma_semaphore, #tpu.memory_space<semaphore_mem>>
        %dma_start3A_87 = arith.constant 0 : i32
        %dma_start3A_88 = tpu.memref_slice %arg7[%add3A_59, %dma_start3A_87] : memref<158x128xi32, #tpu.memory_space<vmem>> -> memref<1x128xi32, #tpu.memory_space<vmem>>
        %dma_start3A_89 = tpu.memref_squeeze %dma_start3A_88 : memref<1x128xi32, #tpu.memory_space<vmem>> -> memref<128xi32, #tpu.memory_space<vmem>>
        %dma_start3A_90 = arith.constant 0 : i32
        %dma_start3A_91 = arith.constant 0 : i32
        %dma_start3A_92 = tpu.memref_slice %arg10[%dma_start3A_90, %dma_start3A_91] : memref<5248x128xf32, #tpu.memory_space<vmem_shared>> -> memref<5248x128xf32, #tpu.memory_space<vmem_shared>>
        tpu.enqueue_indirect_dma source(%arg8 : memref<128x128xf32, #tpu.memory_space<vmem>>) target(%dma_start3A_92 : memref<5248x128xf32, #tpu.memory_space<vmem_shared>>) offsets(%dma_start3A_89 : memref<128xi32, #tpu.memory_space<vmem>>) semaphore(%run_scoped3A : memref<!tpu.dma_semaphore, #tpu.memory_space<semaphore_mem>>) {add = true}
        %dma_wait3A_93 = arith.constant 0 : i32
        %dma_wait3A_94 = tpu.memref_slice %arg7[%add3A_59, %dma_wait3A_93] : memref<158x128xi32, #tpu.memory_space<vmem>> -> memref<1x128xi32, #tpu.memory_space<vmem>>
        %dma_wait3A_95 = tpu.memref_squeeze %dma_wait3A_94 : memref<1x128xi32, #tpu.memory_space<vmem>> -> memref<128xi32, #tpu.memory_space<vmem>>
        %dma_wait3A_96 = arith.constant 0 : i32
        %dma_wait3A_97 = arith.constant 0 : i32
        %dma_wait3A_98 = tpu.memref_slice %arg10[%dma_wait3A_96, %dma_wait3A_97] : memref<5248x128xf32, #tpu.memory_space<vmem_shared>> -> memref<5248x128xf32, #tpu.memory_space<vmem_shared>>
        tpu.wait_indirect_dma semaphore(%run_scoped3A : memref<!tpu.dma_semaphore, #tpu.memory_space<semaphore_mem>>) src(%arg8 : memref<128x128xf32, #tpu.memory_space<vmem>>) dst(%dma_wait3A_98 : memref<5248x128xf32, #tpu.memory_space<vmem_shared>>)
        tpu.yield
      }) : () -> ()
      %add3A_73 = arith.constant 1 : i32
      %add3A_74 = arith.addi %add3A_59, %add3A_73 : i32
      %dma_wait3A_75 = arith.constant 0 : i32
      %dma_wait3A_76 = tpu.memref_slice %arg6[%add3A_74, %dma_wait3A_75] : memref<158x128xi32, #tpu.memory_space<vmem>> -> memref<1x128xi32, #tpu.memory_space<vmem>>
      %dma_wait3A_77 = tpu.memref_squeeze %dma_wait3A_76 : memref<1x128xi32, #tpu.memory_space<vmem>> -> memref<128xi32, #tpu.memory_space<vmem>>
      %dma_wait3A_78 = arith.constant 0 : i32
      %dma_wait3A_79 = arith.constant 0 : i32
      %dma_wait3A_80 = tpu.memref_slice %arg2[%dma_wait3A_78, %dma_wait3A_79] : memref<10000x128xf32, #tpu.memory_space<hbm>> -> memref<10000x128xf32, #tpu.memory_space<hbm>>
      tpu.wait_indirect_dma semaphore(%arg12 : memref<!tpu.dma_semaphore, #tpu.memory_space<semaphore_mem>>) src(%dma_wait3A_80 : memref<10000x128xf32, #tpu.memory_space<hbm>>) dst(%arg9 : memref<128x128xf32, #tpu.memory_space<vmem>>)
      %add3A_81 = arith.constant 2 : i32
      %add3A_82 = arith.addi %add3A_59, %add3A_81 : i32
      %lt3A = arith.constant 158 : i32
      %lt3A_83 = arith.cmpi slt, %add3A_82, %lt3A : i32
      %convert_element_type3A = arith.extui %lt3A_83 : i1 to i32
      %cond3A = arith.constant 0 : i32
      %cond3A_84 = arith.cmpi ne, %convert_element_type3A, %cond3A : i32
      scf.if %cond3A_84 {
        %add3A_87 = arith.constant 2 : i32
        %add3A_88 = arith.addi %add3A_59, %add3A_87 : i32
        %dma_start3A_89 = arith.constant 0 : i32
        %dma_start3A_90 = tpu.memref_slice %arg6[%add3A_88, %dma_start3A_89] : memref<158x128xi32, #tpu.memory_space<vmem>> -> memref<1x128xi32, #tpu.memory_space<vmem>>
        %dma_start3A_91 = tpu.memref_squeeze %dma_start3A_90 : memref<1x128xi32, #tpu.memory_space<vmem>> -> memref<128xi32, #tpu.memory_space<vmem>>
        %dma_start3A_92 = arith.constant 0 : i32
        %dma_start3A_93 = arith.constant 0 : i32
        %dma_start3A_94 = tpu.memref_slice %arg2[%dma_start3A_92, %dma_start3A_93] : memref<10000x128xf32, #tpu.memory_space<hbm>> -> memref<10000x128xf32, #tpu.memory_space<hbm>>
        tpu.enqueue_indirect_dma source(%dma_start3A_94 : memref<10000x128xf32, #tpu.memory_space<hbm>>) target(%arg8 : memref<128x128xf32, #tpu.memory_space<vmem>>) offsets(%dma_start3A_91 : memref<128xi32, #tpu.memory_space<vmem>>) semaphore(%arg11 : memref<!tpu.dma_semaphore, #tpu.memory_space<semaphore_mem>>)
      } else {
      }
      %add3A_85 = arith.constant 1 : i32
      %add3A_86 = arith.addi %add3A_59, %add3A_85 : i32
      "tpu.region"() ({
        %run_scoped3A = tpu.sem_alloc : memref<!tpu.dma_semaphore, #tpu.memory_space<semaphore_mem>>
        %dma_start3A_87 = arith.constant 0 : i32
        %dma_start3A_88 = tpu.memref_slice %arg7[%add3A_86, %dma_start3A_87] : memref<158x128xi32, #tpu.memory_space<vmem>> -> memref<1x128xi32, #tpu.memory_space<vmem>>
        %dma_start3A_89 = tpu.memref_squeeze %dma_start3A_88 : memref<1x128xi32, #tpu.memory_space<vmem>> -> memref<128xi32, #tpu.memory_space<vmem>>
        %dma_start3A_90 = arith.constant 0 : i32
        %dma_start3A_91 = arith.constant 0 : i32
        %dma_start3A_92 = tpu.memref_slice %arg10[%dma_start3A_90, %dma_start3A_91] : memref<5248x128xf32, #tpu.memory_space<vmem_shared>> -> memref<5248x128xf32, #tpu.memory_space<vmem_shared>>
        tpu.enqueue_indirect_dma source(%arg9 : memref<128x128xf32, #tpu.memory_space<vmem>>) target(%dma_start3A_92 : memref<5248x128xf32, #tpu.memory_space<vmem_shared>>) offsets(%dma_start3A_89 : memref<128xi32, #tpu.memory_space<vmem>>) semaphore(%run_scoped3A : memref<!tpu.dma_semaphore, #tpu.memory_space<semaphore_mem>>) {add = true}
        %dma_wait3A_93 = arith.constant 0 : i32
        %dma_wait3A_94 = tpu.memref_slice %arg7[%add3A_86, %dma_wait3A_93] : memref<158x128xi32, #tpu.memory_space<vmem>> -> memref<1x128xi32, #tpu.memory_space<vmem>>
        %dma_wait3A_95 = tpu.memref_squeeze %dma_wait3A_94 : memref<1x128xi32, #tpu.memory_space<vmem>> -> memref<128xi32, #tpu.memory_space<vmem>>
        %dma_wait3A_96 = arith.constant 0 : i32
        %dma_wait3A_97 = arith.constant 0 : i32
        %dma_wait3A_98 = tpu.memref_slice %arg10[%dma_wait3A_96, %dma_wait3A_97] : memref<5248x128xf32, #tpu.memory_space<vmem_shared>> -> memref<5248x128xf32, #tpu.memory_space<vmem_shared>>
        tpu.wait_indirect_dma semaphore(%run_scoped3A : memref<!tpu.dma_semaphore, #tpu.memory_space<semaphore_mem>>) src(%arg9 : memref<128x128xf32, #tpu.memory_space<vmem>>) dst(%dma_wait3A_98 : memref<5248x128xf32, #tpu.memory_space<vmem_shared>>)
        tpu.yield
      }) : () -> ()
    }
    %scan3A_30 = arith.constant 79 : i32
    %barrier3A_31 = arith.constant 0 : index
    tpu.barrier barrier_id(%barrier3A_31)
    %mul3A_32 = arith.constant 320 : i32
    %mul3A_33 = arith.muli %arg1, %mul3A_32 : i32
    %add3A_34 = arith.constant 0 : i32
    %add3A_35 = arith.addi %mul3A_33, %add3A_34 : i32
    %mul3A_36 = arith.constant 5120 : i32
    %mul3A_37 = arith.muli %arg0, %mul3A_36 : i32
    %add3A_38 = arith.addi %mul3A_37, %mul3A_33 : i32
    %add3A_39 = arith.constant 0 : i32
    %add3A_40 = arith.addi %add3A_38, %add3A_39 : i32
    "tpu.region"() ({
      %run_scoped3A = tpu.sem_alloc : memref<!tpu.dma_semaphore, #tpu.memory_space<semaphore_mem>>
      %dma_start3A_55 = arith.constant 0 : i32
      %dma_start3A_56 = tpu.memref_slice %arg5[%add3A_40, %dma_start3A_55] : memref<10240x128xf32, #tpu.memory_space<hbm>> -> memref<128x128xf32, #tpu.memory_space<hbm>>
      %dma_start3A_57 = arith.constant 0 : i32
      %dma_start3A_58 = tpu.memref_slice %arg10[%add3A_35, %dma_start3A_57] : memref<5248x128xf32, #tpu.memory_space<vmem_shared>> -> memref<128x128xf32, #tpu.memory_space<vmem_shared>>
      tpu.enqueue_dma source(%dma_start3A_58 : memref<128x128xf32, #tpu.memory_space<vmem_shared>>) target(%dma_start3A_56 : memref<128x128xf32, #tpu.memory_space<hbm>>) target_semaphore(%run_scoped3A : memref<!tpu.dma_semaphore, #tpu.memory_space<semaphore_mem>>)
      %dma_wait3A = arith.constant 0 : i32
      %dma_wait3A_59 = tpu.memref_slice %arg5[%add3A_40, %dma_wait3A] : memref<10240x128xf32, #tpu.memory_space<hbm>> -> memref<128x128xf32, #tpu.memory_space<hbm>>
      %dma_wait3A_60 = arith.constant 0 : i32
      %dma_wait3A_61 = tpu.memref_slice %arg10[%add3A_35, %dma_wait3A_60] : memref<5248x128xf32, #tpu.memory_space<vmem_shared>> -> memref<128x128xf32, #tpu.memory_space<vmem_shared>>
      tpu.wait_dma2 semaphore(%run_scoped3A : memref<!tpu.dma_semaphore, #tpu.memory_space<semaphore_mem>>) src(%dma_wait3A_61 : memref<128x128xf32, #tpu.memory_space<vmem_shared>>) dst(%dma_wait3A_59 : memref<128x128xf32, #tpu.memory_space<hbm>>)
      tpu.yield
    }) : () -> ()
    %add3A_41 = arith.constant 128 : i32
    %add3A_42 = arith.addi %mul3A_33, %add3A_41 : i32
    %mul3A_43 = arith.constant 5120 : i32
    %mul3A_44 = arith.muli %arg0, %mul3A_43 : i32
    %add3A_45 = arith.addi %mul3A_44, %mul3A_33 : i32
    %add3A_46 = arith.constant 128 : i32
    %add3A_47 = arith.addi %add3A_45, %add3A_46 : i32
    "tpu.region"() ({
      %run_scoped3A = tpu.sem_alloc : memref<!tpu.dma_semaphore, #tpu.memory_space<semaphore_mem>>
      %dma_start3A_55 = arith.constant 0 : i32
      %dma_start3A_56 = tpu.memref_slice %arg5[%add3A_47, %dma_start3A_55] : memref<10240x128xf32, #tpu.memory_space<hbm>> -> memref<128x128xf32, #tpu.memory_space<hbm>>
      %dma_start3A_57 = arith.constant 0 : i32
      %dma_start3A_58 = tpu.memref_slice %arg10[%add3A_42, %dma_start3A_57] : memref<5248x128xf32, #tpu.memory_space<vmem_shared>> -> memref<128x128xf32, #tpu.memory_space<vmem_shared>>
      tpu.enqueue_dma source(%dma_start3A_58 : memref<128x128xf32, #tpu.memory_space<vmem_shared>>) target(%dma_start3A_56 : memref<128x128xf32, #tpu.memory_space<hbm>>) target_semaphore(%run_scoped3A : memref<!tpu.dma_semaphore, #tpu.memory_space<semaphore_mem>>)
      %dma_wait3A = arith.constant 0 : i32
      %dma_wait3A_59 = tpu.memref_slice %arg5[%add3A_47, %dma_wait3A] : memref<10240x128xf32, #tpu.memory_space<hbm>> -> memref<128x128xf32, #tpu.memory_space<hbm>>
      %dma_wait3A_60 = arith.constant 0 : i32
      %dma_wait3A_61 = tpu.memref_slice %arg10[%add3A_42, %dma_wait3A_60] : memref<5248x128xf32, #tpu.memory_space<vmem_shared>> -> memref<128x128xf32, #tpu.memory_space<vmem_shared>>
      tpu.wait_dma2 semaphore(%run_scoped3A : memref<!tpu.dma_semaphore, #tpu.memory_space<semaphore_mem>>) src(%dma_wait3A_61 : memref<128x128xf32, #tpu.memory_space<vmem_shared>>) dst(%dma_wait3A_59 : memref<128x128xf32, #tpu.memory_space<hbm>>)
      tpu.yield
    }) : () -> ()
    %add3A_48 = arith.constant 256 : i32
    %add3A_49 = arith.addi %mul3A_33, %add3A_48 : i32
    %mul3A_50 = arith.constant 5120 : i32
    %mul3A_51 = arith.muli %arg0, %mul3A_50 : i32
    %add3A_52 = arith.addi %mul3A_51, %mul3A_33 : i32
    %add3A_53 = arith.constant 256 : i32
    %add3A_54 = arith.addi %add3A_52, %add3A_53 : i32
    "tpu.region"() ({
      %run_scoped3A = tpu.sem_alloc : memref<!tpu.dma_semaphore, #tpu.memory_space<semaphore_mem>>
      %dma_start3A_55 = arith.constant 0 : i32
      %dma_start3A_56 = tpu.memref_slice %arg5[%add3A_54, %dma_start3A_55] : memref<10240x128xf32, #tpu.memory_space<hbm>> -> memref<64x128xf32, #tpu.memory_space<hbm>>
      %dma_start3A_57 = arith.constant 0 : i32
      %dma_start3A_58 = tpu.memref_slice %arg10[%add3A_49, %dma_start3A_57] : memref<5248x128xf32, #tpu.memory_space<vmem_shared>> -> memref<64x128xf32, #tpu.memory_space<vmem_shared>>
      tpu.enqueue_dma source(%dma_start3A_58 : memref<64x128xf32, #tpu.memory_space<vmem_shared>>) target(%dma_start3A_56 : memref<64x128xf32, #tpu.memory_space<hbm>>) target_semaphore(%run_scoped3A : memref<!tpu.dma_semaphore, #tpu.memory_space<semaphore_mem>>)
      %dma_wait3A = arith.constant 0 : i32
      %dma_wait3A_59 = tpu.memref_slice %arg5[%add3A_54, %dma_wait3A] : memref<10240x128xf32, #tpu.memory_space<hbm>> -> memref<64x128xf32, #tpu.memory_space<hbm>>
      %dma_wait3A_60 = arith.constant 0 : i32
      %dma_wait3A_61 = tpu.memref_slice %arg10[%add3A_49, %dma_wait3A_60] : memref<5248x128xf32, #tpu.memory_space<vmem_shared>> -> memref<64x128xf32, #tpu.memory_space<vmem_shared>>
      tpu.wait_dma2 semaphore(%run_scoped3A : memref<!tpu.dma_semaphore, #tpu.memory_space<semaphore_mem>>) src(%dma_wait3A_61 : memref<64x128xf32, #tpu.memory_space<vmem_shared>>) dst(%dma_wait3A_59 : memref<64x128xf32, #tpu.memory_space<hbm>>)
      tpu.yield
    }) : () -> ()
    return
  }
}

#map = affine_map<(d0, d1) -> (0, 0, 0)>
#map1 = affine_map<(d0, d1) -> (0, 0)>
module attributes {stable_mosaic.version = 14 : i64} {
  func.func @_deg_kernel(%arg0: i32, %arg1: i32, %arg2: memref<16x158x128xi32, #tpu.memory_space<hbm>>, %arg3: memref<10240x128xf32, #tpu.memory_space<hbm>>, %arg4: memref<158x128xi32, #tpu.memory_space<vmem>>, %arg5: memref<128x128xf32, #tpu.memory_space<vmem>>, %arg6: memref<5248x128xf32, #tpu.memory_space<vmem_shared>>, %arg7: memref<!tpu.dma_semaphore, #tpu.memory_space<semaphore_mem>>, %arg8: memref<!tpu.dma_semaphore, #tpu.memory_space<semaphore_mem>>) attributes {dimension_semantics = [#tpu.dimension_semantics<core_parallel>, #tpu.dimension_semantics<subcore_parallel>], iteration_bounds = array<i64: 2, 16>, scalar_prefetch = 0 : i64, scratch_operands = 5 : i64, tpu.core_type = #tpu.core_type<sc_vector_subcore>, window_params = [{transform_indices = #map}, {transform_indices = #map1}]} {
    %scan3A = arith.constant 0 : i32
    %scan3A_0 = arith.constant 128 : i32
    %scan3A_1 = arith.addi %scan3A, %scan3A_0 : i32
    %scan3A_2 = arith.constant 1 : i32
    scf.for %scan3A_80 = %scan3A to %scan3A_1 step %scan3A_2  : i32 {
      %mul3A_81 = arith.constant 1 : i32
      %mul3A_82 = arith.muli %scan3A_80, %mul3A_81 : i32
      %add3A_83 = arith.constant 0 : i32
      %add3A_84 = arith.addi %add3A_83, %mul3A_82 : i32
      %broadcast_in_dim3A_85 = arith.constant 0.000000e+00 : f32
      %broadcast_in_dim3A_86 = vector.broadcast %broadcast_in_dim3A_85 : f32 to vector<16xf32>
      %swap3A = arith.index_cast %add3A_84 : i32 to index
      %swap3A_87 = arith.constant 0 : index
      %swap3A_88 = tpu.vector_load %arg5[%swap3A, %swap3A_87] {strides = array<i32>} : memref<128x128xf32, #tpu.memory_space<vmem>>, vector<1x16xf32>,
      %swap3A_89 = vector.shape_cast %swap3A_88 : vector<1x16xf32> to vector<16xf32>
      %swap3A_90 = vector.shape_cast %broadcast_in_dim3A_86 : vector<16xf32> to vector<1x16xf32>
      tpu.vector_store %arg5[%swap3A, %swap3A_87], %swap3A_90 {strides = array<i32>} : memref<128x128xf32, #tpu.memory_space<vmem>>, vector<1x16xf32>,
      %broadcast_in_dim3A_91 = arith.constant 0.000000e+00 : f32
      %broadcast_in_dim3A_92 = vector.broadcast %broadcast_in_dim3A_91 : f32 to vector<16xf32>
      %swap3A_93 = arith.index_cast %add3A_84 : i32 to index
      %swap3A_94 = arith.constant 16 : index
      %swap3A_95 = tpu.vector_load %arg5[%swap3A_93, %swap3A_94] {strides = array<i32>} : memref<128x128xf32, #tpu.memory_space<vmem>>, vector<1x16xf32>,
      %swap3A_96 = vector.shape_cast %swap3A_95 : vector<1x16xf32> to vector<16xf32>
      %swap3A_97 = vector.shape_cast %broadcast_in_dim3A_92 : vector<16xf32> to vector<1x16xf32>
      tpu.vector_store %arg5[%swap3A_93, %swap3A_94], %swap3A_97 {strides = array<i32>} : memref<128x128xf32, #tpu.memory_space<vmem>>, vector<1x16xf32>,
      %broadcast_in_dim3A_98 = arith.constant 0.000000e+00 : f32
      %broadcast_in_dim3A_99 = vector.broadcast %broadcast_in_dim3A_98 : f32 to vector<16xf32>
      %swap3A_100 = arith.index_cast %add3A_84 : i32 to index
      %swap3A_101 = arith.constant 32 : index
      %swap3A_102 = tpu.vector_load %arg5[%swap3A_100, %swap3A_101] {strides = array<i32>} : memref<128x128xf32, #tpu.memory_space<vmem>>, vector<1x16xf32>,
      %swap3A_103 = vector.shape_cast %swap3A_102 : vector<1x16xf32> to vector<16xf32>
      %swap3A_104 = vector.shape_cast %broadcast_in_dim3A_99 : vector<16xf32> to vector<1x16xf32>
      tpu.vector_store %arg5[%swap3A_100, %swap3A_101], %swap3A_104 {strides = array<i32>} : memref<128x128xf32, #tpu.memory_space<vmem>>, vector<1x16xf32>,
      %broadcast_in_dim3A_105 = arith.constant 0.000000e+00 : f32
      %broadcast_in_dim3A_106 = vector.broadcast %broadcast_in_dim3A_105 : f32 to vector<16xf32>
      %swap3A_107 = arith.index_cast %add3A_84 : i32 to index
      %swap3A_108 = arith.constant 48 : index
      %swap3A_109 = tpu.vector_load %arg5[%swap3A_107, %swap3A_108] {strides = array<i32>} : memref<128x128xf32, #tpu.memory_space<vmem>>, vector<1x16xf32>,
      %swap3A_110 = vector.shape_cast %swap3A_109 : vector<1x16xf32> to vector<16xf32>
      %swap3A_111 = vector.shape_cast %broadcast_in_dim3A_106 : vector<16xf32> to vector<1x16xf32>
      tpu.vector_store %arg5[%swap3A_107, %swap3A_108], %swap3A_111 {strides = array<i32>} : memref<128x128xf32, #tpu.memory_space<vmem>>, vector<1x16xf32>,
      %broadcast_in_dim3A_112 = arith.constant 0.000000e+00 : f32
      %broadcast_in_dim3A_113 = vector.broadcast %broadcast_in_dim3A_112 : f32 to vector<16xf32>
      %swap3A_114 = arith.index_cast %add3A_84 : i32 to index
      %swap3A_115 = arith.constant 64 : index
      %swap3A_116 = tpu.vector_load %arg5[%swap3A_114, %swap3A_115] {strides = array<i32>} : memref<128x128xf32, #tpu.memory_space<vmem>>, vector<1x16xf32>,
      %swap3A_117 = vector.shape_cast %swap3A_116 : vector<1x16xf32> to vector<16xf32>
      %swap3A_118 = vector.shape_cast %broadcast_in_dim3A_113 : vector<16xf32> to vector<1x16xf32>
      tpu.vector_store %arg5[%swap3A_114, %swap3A_115], %swap3A_118 {strides = array<i32>} : memref<128x128xf32, #tpu.memory_space<vmem>>, vector<1x16xf32>,
      %broadcast_in_dim3A_119 = arith.constant 0.000000e+00 : f32
      %broadcast_in_dim3A_120 = vector.broadcast %broadcast_in_dim3A_119 : f32 to vector<16xf32>
      %swap3A_121 = arith.index_cast %add3A_84 : i32 to index
      %swap3A_122 = arith.constant 80 : index
      %swap3A_123 = tpu.vector_load %arg5[%swap3A_121, %swap3A_122] {strides = array<i32>} : memref<128x128xf32, #tpu.memory_space<vmem>>, vector<1x16xf32>,
      %swap3A_124 = vector.shape_cast %swap3A_123 : vector<1x16xf32> to vector<16xf32>
      %swap3A_125 = vector.shape_cast %broadcast_in_dim3A_120 : vector<16xf32> to vector<1x16xf32>
      tpu.vector_store %arg5[%swap3A_121, %swap3A_122], %swap3A_125 {strides = array<i32>} : memref<128x128xf32, #tpu.memory_space<vmem>>, vector<1x16xf32>,
      %broadcast_in_dim3A_126 = arith.constant 0.000000e+00 : f32
      %broadcast_in_dim3A_127 = vector.broadcast %broadcast_in_dim3A_126 : f32 to vector<16xf32>
      %swap3A_128 = arith.index_cast %add3A_84 : i32 to index
      %swap3A_129 = arith.constant 96 : index
      %swap3A_130 = tpu.vector_load %arg5[%swap3A_128, %swap3A_129] {strides = array<i32>} : memref<128x128xf32, #tpu.memory_space<vmem>>, vector<1x16xf32>,
      %swap3A_131 = vector.shape_cast %swap3A_130 : vector<1x16xf32> to vector<16xf32>
      %swap3A_132 = vector.shape_cast %broadcast_in_dim3A_127 : vector<16xf32> to vector<1x16xf32>
      tpu.vector_store %arg5[%swap3A_128, %swap3A_129], %swap3A_132 {strides = array<i32>} : memref<128x128xf32, #tpu.memory_space<vmem>>, vector<1x16xf32>,
      %broadcast_in_dim3A_133 = arith.constant 0.000000e+00 : f32
      %broadcast_in_dim3A_134 = vector.broadcast %broadcast_in_dim3A_133 : f32 to vector<16xf32>
      %swap3A_135 = arith.index_cast %add3A_84 : i32 to index
      %swap3A_136 = arith.constant 112 : index
      %swap3A_137 = tpu.vector_load %arg5[%swap3A_135, %swap3A_136] {strides = array<i32>} : memref<128x128xf32, #tpu.memory_space<vmem>>, vector<1x16xf32>,
      %swap3A_138 = vector.shape_cast %swap3A_137 : vector<1x16xf32> to vector<16xf32>
      %swap3A_139 = vector.shape_cast %broadcast_in_dim3A_134 : vector<16xf32> to vector<1x16xf32>
      tpu.vector_store %arg5[%swap3A_135, %swap3A_136], %swap3A_139 {strides = array<i32>} : memref<128x128xf32, #tpu.memory_space<vmem>>, vector<1x16xf32>,
    }
    %scan3A_3 = arith.constant 128 : i32
    %mul3A = arith.constant 328 : i32
    %mul3A_4 = arith.muli %arg1, %mul3A : i32
    "tpu.region"() ({
      %run_scoped3A = tpu.sem_alloc : memref<!tpu.dma_semaphore, #tpu.memory_space<semaphore_mem>>
      %dma_start3A_80 = arith.constant 0 : i32
      %dma_start3A_81 = tpu.memref_slice %arg6[%mul3A_4, %dma_start3A_80] : memref<5248x128xf32, #tpu.memory_space<vmem_shared>> -> memref<128x128xf32, #tpu.memory_space<vmem_shared>>
      %dma_start3A_82 = arith.constant 0 : i32
      %dma_start3A_83 = tpu.memref_slice %arg6[%mul3A_4, %dma_start3A_82] : memref<5248x128xf32, #tpu.memory_space<vmem_shared>> -> memref<128x128xf32, #tpu.memory_space<vmem_shared>>
      tpu.enqueue_dma source(%arg5 : memref<128x128xf32, #tpu.memory_space<vmem>>) target(%dma_start3A_83 : memref<128x128xf32, #tpu.memory_space<vmem_shared>>) target_semaphore(%run_scoped3A : memref<!tpu.dma_semaphore, #tpu.memory_space<semaphore_mem>>)
      %dma_wait3A_84 = arith.constant 0 : i32
      %dma_wait3A_85 = tpu.memref_slice %arg6[%mul3A_4, %dma_wait3A_84] : memref<5248x128xf32, #tpu.memory_space<vmem_shared>> -> memref<128x128xf32, #tpu.memory_space<vmem_shared>>
      %dma_wait3A_86 = arith.constant 0 : i32
      %dma_wait3A_87 = tpu.memref_slice %arg6[%mul3A_4, %dma_wait3A_86] : memref<5248x128xf32, #tpu.memory_space<vmem_shared>> -> memref<128x128xf32, #tpu.memory_space<vmem_shared>>
      tpu.wait_dma2 semaphore(%run_scoped3A : memref<!tpu.dma_semaphore, #tpu.memory_space<semaphore_mem>>) src(%arg5 : memref<128x128xf32, #tpu.memory_space<vmem>>) dst(%dma_wait3A_87 : memref<128x128xf32, #tpu.memory_space<vmem_shared>>)
      tpu.yield
    }) : () -> ()
    %add3A = arith.constant 128 : i32
    %add3A_5 = arith.addi %mul3A_4, %add3A : i32
    "tpu.region"() ({
      %run_scoped3A = tpu.sem_alloc : memref<!tpu.dma_semaphore, #tpu.memory_space<semaphore_mem>>
      %dma_start3A_80 = arith.constant 0 : i32
      %dma_start3A_81 = tpu.memref_slice %arg6[%add3A_5, %dma_start3A_80] : memref<5248x128xf32, #tpu.memory_space<vmem_shared>> -> memref<128x128xf32, #tpu.memory_space<vmem_shared>>
      %dma_start3A_82 = arith.constant 0 : i32
      %dma_start3A_83 = tpu.memref_slice %arg6[%add3A_5, %dma_start3A_82] : memref<5248x128xf32, #tpu.memory_space<vmem_shared>> -> memref<128x128xf32, #tpu.memory_space<vmem_shared>>
      tpu.enqueue_dma source(%arg5 : memref<128x128xf32, #tpu.memory_space<vmem>>) target(%dma_start3A_83 : memref<128x128xf32, #tpu.memory_space<vmem_shared>>) target_semaphore(%run_scoped3A : memref<!tpu.dma_semaphore, #tpu.memory_space<semaphore_mem>>)
      %dma_wait3A_84 = arith.constant 0 : i32
      %dma_wait3A_85 = tpu.memref_slice %arg6[%add3A_5, %dma_wait3A_84] : memref<5248x128xf32, #tpu.memory_space<vmem_shared>> -> memref<128x128xf32, #tpu.memory_space<vmem_shared>>
      %dma_wait3A_86 = arith.constant 0 : i32
      %dma_wait3A_87 = tpu.memref_slice %arg6[%add3A_5, %dma_wait3A_86] : memref<5248x128xf32, #tpu.memory_space<vmem_shared>> -> memref<128x128xf32, #tpu.memory_space<vmem_shared>>
      tpu.wait_dma2 semaphore(%run_scoped3A : memref<!tpu.dma_semaphore, #tpu.memory_space<semaphore_mem>>) src(%arg5 : memref<128x128xf32, #tpu.memory_space<vmem>>) dst(%dma_wait3A_87 : memref<128x128xf32, #tpu.memory_space<vmem_shared>>)
      tpu.yield
    }) : () -> ()
    %add3A_6 = arith.constant 256 : i32
    %add3A_7 = arith.addi %mul3A_4, %add3A_6 : i32
    "tpu.region"() ({
      %run_scoped3A = tpu.sem_alloc : memref<!tpu.dma_semaphore, #tpu.memory_space<semaphore_mem>>
      %dma_start3A_80 = arith.constant 0 : i32
      %dma_start3A_81 = arith.constant 0 : i32
      %dma_start3A_82 = tpu.memref_slice %arg5[%dma_start3A_80, %dma_start3A_81] : memref<128x128xf32, #tpu.memory_space<vmem>> -> memref<72x128xf32, #tpu.memory_space<vmem>>
      %dma_start3A_83 = arith.constant 0 : i32
      %dma_start3A_84 = tpu.memref_slice %arg6[%add3A_7, %dma_start3A_83] : memref<5248x128xf32, #tpu.memory_space<vmem_shared>> -> memref<72x128xf32, #tpu.memory_space<vmem_shared>>
      %dma_start3A_85 = arith.constant 0 : i32
      %dma_start3A_86 = tpu.memref_slice %arg6[%add3A_7, %dma_start3A_85] : memref<5248x128xf32, #tpu.memory_space<vmem_shared>> -> memref<72x128xf32, #tpu.memory_space<vmem_shared>>
      %dma_start3A_87 = arith.constant 0 : i32
      %dma_start3A_88 = arith.constant 0 : i32
      %dma_start3A_89 = tpu.memref_slice %arg5[%dma_start3A_87, %dma_start3A_88] : memref<128x128xf32, #tpu.memory_space<vmem>> -> memref<72x128xf32, #tpu.memory_space<vmem>>
      tpu.enqueue_dma source(%dma_start3A_89 : memref<72x128xf32, #tpu.memory_space<vmem>>) target(%dma_start3A_86 : memref<72x128xf32, #tpu.memory_space<vmem_shared>>) target_semaphore(%run_scoped3A : memref<!tpu.dma_semaphore, #tpu.memory_space<semaphore_mem>>)
      %dma_wait3A_90 = arith.constant 0 : i32
      %dma_wait3A_91 = arith.constant 0 : i32
      %dma_wait3A_92 = tpu.memref_slice %arg5[%dma_wait3A_90, %dma_wait3A_91] : memref<128x128xf32, #tpu.memory_space<vmem>> -> memref<72x128xf32, #tpu.memory_space<vmem>>
      %dma_wait3A_93 = arith.constant 0 : i32
      %dma_wait3A_94 = tpu.memref_slice %arg6[%add3A_7, %dma_wait3A_93] : memref<5248x128xf32, #tpu.memory_space<vmem_shared>> -> memref<72x128xf32, #tpu.memory_space<vmem_shared>>
      %dma_wait3A_95 = arith.constant 0 : i32
      %dma_wait3A_96 = tpu.memref_slice %arg6[%add3A_7, %dma_wait3A_95] : memref<5248x128xf32, #tpu.memory_space<vmem_shared>> -> memref<72x128xf32, #tpu.memory_space<vmem_shared>>
      %dma_wait3A_97 = arith.constant 0 : i32
      %dma_wait3A_98 = arith.constant 0 : i32
      %dma_wait3A_99 = tpu.memref_slice %arg5[%dma_wait3A_97, %dma_wait3A_98] : memref<128x128xf32, #tpu.memory_space<vmem>> -> memref<72x128xf32, #tpu.memory_space<vmem>>
      tpu.wait_dma2 semaphore(%run_scoped3A : memref<!tpu.dma_semaphore, #tpu.memory_space<semaphore_mem>>) src(%dma_wait3A_99 : memref<72x128xf32, #tpu.memory_space<vmem>>) dst(%dma_wait3A_96 : memref<72x128xf32, #tpu.memory_space<vmem_shared>>)
      tpu.yield
    }) : () -> ()
    %scan3A_8 = arith.constant 0 : i32
    %scan3A_9 = arith.constant 128 : i32
    %scan3A_10 = arith.addi %scan3A_8, %scan3A_9 : i32
    %scan3A_11 = arith.constant 1 : i32
    scf.for %scan3A_80 = %scan3A_8 to %scan3A_10 step %scan3A_11  : i32 {
      %mul3A_81 = arith.constant 1 : i32
      %mul3A_82 = arith.muli %scan3A_80, %mul3A_81 : i32
      %add3A_83 = arith.constant 0 : i32
      %add3A_84 = arith.addi %add3A_83, %mul3A_82 : i32
      %broadcast_in_dim3A_85 = arith.constant 1.000000e+00 : f32
      %broadcast_in_dim3A_86 = vector.broadcast %broadcast_in_dim3A_85 : f32 to vector<16xf32>
      %swap3A = arith.index_cast %add3A_84 : i32 to index
      %swap3A_87 = arith.constant 0 : index
      %swap3A_88 = tpu.vector_load %arg5[%swap3A, %swap3A_87] {strides = array<i32>} : memref<128x128xf32, #tpu.memory_space<vmem>>, vector<1x16xf32>,
      %swap3A_89 = vector.shape_cast %swap3A_88 : vector<1x16xf32> to vector<16xf32>
      %swap3A_90 = vector.shape_cast %broadcast_in_dim3A_86 : vector<16xf32> to vector<1x16xf32>
      tpu.vector_store %arg5[%swap3A, %swap3A_87], %swap3A_90 {strides = array<i32>} : memref<128x128xf32, #tpu.memory_space<vmem>>, vector<1x16xf32>,
      %broadcast_in_dim3A_91 = arith.constant 1.000000e+00 : f32
      %broadcast_in_dim3A_92 = vector.broadcast %broadcast_in_dim3A_91 : f32 to vector<16xf32>
      %swap3A_93 = arith.index_cast %add3A_84 : i32 to index
      %swap3A_94 = arith.constant 16 : index
      %swap3A_95 = tpu.vector_load %arg5[%swap3A_93, %swap3A_94] {strides = array<i32>} : memref<128x128xf32, #tpu.memory_space<vmem>>, vector<1x16xf32>,
      %swap3A_96 = vector.shape_cast %swap3A_95 : vector<1x16xf32> to vector<16xf32>
      %swap3A_97 = vector.shape_cast %broadcast_in_dim3A_92 : vector<16xf32> to vector<1x16xf32>
      tpu.vector_store %arg5[%swap3A_93, %swap3A_94], %swap3A_97 {strides = array<i32>} : memref<128x128xf32, #tpu.memory_space<vmem>>, vector<1x16xf32>,
      %broadcast_in_dim3A_98 = arith.constant 1.000000e+00 : f32
      %broadcast_in_dim3A_99 = vector.broadcast %broadcast_in_dim3A_98 : f32 to vector<16xf32>
      %swap3A_100 = arith.index_cast %add3A_84 : i32 to index
      %swap3A_101 = arith.constant 32 : index
      %swap3A_102 = tpu.vector_load %arg5[%swap3A_100, %swap3A_101] {strides = array<i32>} : memref<128x128xf32, #tpu.memory_space<vmem>>, vector<1x16xf32>,
      %swap3A_103 = vector.shape_cast %swap3A_102 : vector<1x16xf32> to vector<16xf32>
      %swap3A_104 = vector.shape_cast %broadcast_in_dim3A_99 : vector<16xf32> to vector<1x16xf32>
      tpu.vector_store %arg5[%swap3A_100, %swap3A_101], %swap3A_104 {strides = array<i32>} : memref<128x128xf32, #tpu.memory_space<vmem>>, vector<1x16xf32>,
      %broadcast_in_dim3A_105 = arith.constant 1.000000e+00 : f32
      %broadcast_in_dim3A_106 = vector.broadcast %broadcast_in_dim3A_105 : f32 to vector<16xf32>
      %swap3A_107 = arith.index_cast %add3A_84 : i32 to index
      %swap3A_108 = arith.constant 48 : index
      %swap3A_109 = tpu.vector_load %arg5[%swap3A_107, %swap3A_108] {strides = array<i32>} : memref<128x128xf32, #tpu.memory_space<vmem>>, vector<1x16xf32>,
      %swap3A_110 = vector.shape_cast %swap3A_109 : vector<1x16xf32> to vector<16xf32>
      %swap3A_111 = vector.shape_cast %broadcast_in_dim3A_106 : vector<16xf32> to vector<1x16xf32>
      tpu.vector_store %arg5[%swap3A_107, %swap3A_108], %swap3A_111 {strides = array<i32>} : memref<128x128xf32, #tpu.memory_space<vmem>>, vector<1x16xf32>,
      %broadcast_in_dim3A_112 = arith.constant 1.000000e+00 : f32
      %broadcast_in_dim3A_113 = vector.broadcast %broadcast_in_dim3A_112 : f32 to vector<16xf32>
      %swap3A_114 = arith.index_cast %add3A_84 : i32 to index
      %swap3A_115 = arith.constant 64 : index
      %swap3A_116 = tpu.vector_load %arg5[%swap3A_114, %swap3A_115] {strides = array<i32>} : memref<128x128xf32, #tpu.memory_space<vmem>>, vector<1x16xf32>,
      %swap3A_117 = vector.shape_cast %swap3A_116 : vector<1x16xf32> to vector<16xf32>
      %swap3A_118 = vector.shape_cast %broadcast_in_dim3A_113 : vector<16xf32> to vector<1x16xf32>
      tpu.vector_store %arg5[%swap3A_114, %swap3A_115], %swap3A_118 {strides = array<i32>} : memref<128x128xf32, #tpu.memory_space<vmem>>, vector<1x16xf32>,
      %broadcast_in_dim3A_119 = arith.constant 1.000000e+00 : f32
      %broadcast_in_dim3A_120 = vector.broadcast %broadcast_in_dim3A_119 : f32 to vector<16xf32>
      %swap3A_121 = arith.index_cast %add3A_84 : i32 to index
      %swap3A_122 = arith.constant 80 : index
      %swap3A_123 = tpu.vector_load %arg5[%swap3A_121, %swap3A_122] {strides = array<i32>} : memref<128x128xf32, #tpu.memory_space<vmem>>, vector<1x16xf32>,
      %swap3A_124 = vector.shape_cast %swap3A_123 : vector<1x16xf32> to vector<16xf32>
      %swap3A_125 = vector.shape_cast %broadcast_in_dim3A_120 : vector<16xf32> to vector<1x16xf32>
      tpu.vector_store %arg5[%swap3A_121, %swap3A_122], %swap3A_125 {strides = array<i32>} : memref<128x128xf32, #tpu.memory_space<vmem>>, vector<1x16xf32>,
      %broadcast_in_dim3A_126 = arith.constant 1.000000e+00 : f32
      %broadcast_in_dim3A_127 = vector.broadcast %broadcast_in_dim3A_126 : f32 to vector<16xf32>
      %swap3A_128 = arith.index_cast %add3A_84 : i32 to index
      %swap3A_129 = arith.constant 96 : index
      %swap3A_130 = tpu.vector_load %arg5[%swap3A_128, %swap3A_129] {strides = array<i32>} : memref<128x128xf32, #tpu.memory_space<vmem>>, vector<1x16xf32>,
      %swap3A_131 = vector.shape_cast %swap3A_130 : vector<1x16xf32> to vector<16xf32>
      %swap3A_132 = vector.shape_cast %broadcast_in_dim3A_127 : vector<16xf32> to vector<1x16xf32>
      tpu.vector_store %arg5[%swap3A_128, %swap3A_129], %swap3A_132 {strides = array<i32>} : memref<128x128xf32, #tpu.memory_space<vmem>>, vector<1x16xf32>,
      %broadcast_in_dim3A_133 = arith.constant 1.000000e+00 : f32
      %broadcast_in_dim3A_134 = vector.broadcast %broadcast_in_dim3A_133 : f32 to vector<16xf32>
      %swap3A_135 = arith.index_cast %add3A_84 : i32 to index
      %swap3A_136 = arith.constant 112 : index
      %swap3A_137 = tpu.vector_load %arg5[%swap3A_135, %swap3A_136] {strides = array<i32>} : memref<128x128xf32, #tpu.memory_space<vmem>>, vector<1x16xf32>,
      %swap3A_138 = vector.shape_cast %swap3A_137 : vector<1x16xf32> to vector<16xf32>
      %swap3A_139 = vector.shape_cast %broadcast_in_dim3A_134 : vector<16xf32> to vector<1x16xf32>
      tpu.vector_store %arg5[%swap3A_135, %swap3A_136], %swap3A_139 {strides = array<i32>} : memref<128x128xf32, #tpu.memory_space<vmem>>, vector<1x16xf32>,
    }
    %scan3A_12 = arith.constant 128 : i32
    "tpu.region"() ({
      %run_scoped3A = tpu.sem_alloc : memref<!tpu.dma_semaphore, #tpu.memory_space<semaphore_mem>>
      %dma_start3A_80 = arith.constant 0 : i32
      %dma_start3A_81 = arith.constant 0 : i32
      %dma_start3A_82 = tpu.memref_slice %arg2[%arg1, %dma_start3A_80, %dma_start3A_81] : memref<16x158x128xi32, #tpu.memory_space<hbm>> -> memref<1x158x128xi32, #tpu.memory_space<hbm>>
      %dma_start3A_83 = tpu.memref_squeeze %dma_start3A_82 : memref<1x158x128xi32, #tpu.memory_space<hbm>> -> memref<158x128xi32, #tpu.memory_space<hbm>>
      %dma_start3A_84 = arith.constant 0 : i32
      %dma_start3A_85 = arith.constant 0 : i32
      %dma_start3A_86 = tpu.memref_slice %arg2[%arg1, %dma_start3A_84, %dma_start3A_85] : memref<16x158x128xi32, #tpu.memory_space<hbm>> -> memref<1x158x128xi32, #tpu.memory_space<hbm>>
      %dma_start3A_87 = tpu.memref_squeeze %dma_start3A_86 : memref<1x158x128xi32, #tpu.memory_space<hbm>> -> memref<158x128xi32, #tpu.memory_space<hbm>>
      tpu.enqueue_dma source(%dma_start3A_87 : memref<158x128xi32, #tpu.memory_space<hbm>>) target(%arg4 : memref<158x128xi32, #tpu.memory_space<vmem>>) target_semaphore(%run_scoped3A : memref<!tpu.dma_semaphore, #tpu.memory_space<semaphore_mem>>)
      %dma_wait3A_88 = arith.constant 0 : i32
      %dma_wait3A_89 = arith.constant 0 : i32
      %dma_wait3A_90 = tpu.memref_slice %arg2[%arg1, %dma_wait3A_88, %dma_wait3A_89] : memref<16x158x128xi32, #tpu.memory_space<hbm>> -> memref<1x158x128xi32, #tpu.memory_space<hbm>>
      %dma_wait3A_91 = tpu.memref_squeeze %dma_wait3A_90 : memref<1x158x128xi32, #tpu.memory_space<hbm>> -> memref<158x128xi32, #tpu.memory_space<hbm>>
      %dma_wait3A_92 = arith.constant 0 : i32
      %dma_wait3A_93 = arith.constant 0 : i32
      %dma_wait3A_94 = tpu.memref_slice %arg2[%arg1, %dma_wait3A_92, %dma_wait3A_93] : memref<16x158x128xi32, #tpu.memory_space<hbm>> -> memref<1x158x128xi32, #tpu.memory_space<hbm>>
      %dma_wait3A_95 = tpu.memref_squeeze %dma_wait3A_94 : memref<1x158x128xi32, #tpu.memory_space<hbm>> -> memref<158x128xi32, #tpu.memory_space<hbm>>
      tpu.wait_dma2 semaphore(%run_scoped3A : memref<!tpu.dma_semaphore, #tpu.memory_space<semaphore_mem>>) src(%dma_wait3A_95 : memref<158x128xi32, #tpu.memory_space<hbm>>) dst(%arg4 : memref<158x128xi32, #tpu.memory_space<vmem>>)
      tpu.yield
    }) : () -> ()
    %broadcast_in_dim3A = arith.constant 5120 : i32
    %broadcast_in_dim3A_13 = vector.broadcast %broadcast_in_dim3A : i32 to vector<16xi32>
    %mul3A_14 = vector.broadcast %arg0 : i32 to vector<16xi32>
    %mul3A_15 = arith.muli %broadcast_in_dim3A_13, %mul3A_14 : vector<16xi32>
    %broadcast_in_dim3A_16 = arith.constant 0 : i32
    %broadcast_in_dim3A_17 = vector.broadcast %broadcast_in_dim3A_16 : i32 to vector<16xi32>
    %broadcast_in_dim3A_18 = arith.constant 5120 : i32
    %broadcast_in_dim3A_19 = vector.broadcast %broadcast_in_dim3A_18 : i32 to vector<16xi32>
    %scan3A_20 = arith.constant 0 : i32
    %scan3A_21 = arith.constant 158 : i32
    %scan3A_22 = arith.addi %scan3A_20, %scan3A_21 : i32
    %scan3A_23 = arith.constant 1 : i32
    scf.for %scan3A_80 = %scan3A_20 to %scan3A_22 step %scan3A_23  : i32 {
      %mul3A_81 = arith.constant 1 : i32
      %mul3A_82 = arith.muli %scan3A_80, %mul3A_81 : i32
      %add3A_83 = arith.constant 0 : i32
      %add3A_84 = arith.addi %add3A_83, %mul3A_82 : i32
      %get3A = arith.index_cast %add3A_84 : i32 to index
      %get3A_85 = arith.constant 0 : index
      %get3A_86 = tpu.vector_load %arg4[%get3A, %get3A_85] {strides = array<i32>} : memref<158x128xi32, #tpu.memory_space<vmem>>, vector<1x16xi32>,
      %get3A_87 = vector.shape_cast %get3A_86 : vector<1x16xi32> to vector<16xi32>
      %sub3A = arith.subi %get3A_87, %mul3A_15 : vector<16xi32>
      %ge3A = arith.cmpi sge, %sub3A, %broadcast_in_dim3A_17 : vector<16xi32>
      %lt3A = arith.cmpi slt, %sub3A, %broadcast_in_dim3A_19 : vector<16xi32>
      %and3A = arith.andi %ge3A, %lt3A : vector<16xi1>
      %select_n3A = arith.select %and3A, %sub3A, %broadcast_in_dim3A_19 : vector<16xi1>, vector<16xi32>
      %swap3A = arith.index_cast %add3A_84 : i32 to index
      %swap3A_88 = arith.constant 0 : index
      %swap3A_89 = tpu.vector_load %arg4[%swap3A, %swap3A_88] {strides = array<i32>} : memref<158x128xi32, #tpu.memory_space<vmem>>, vector<1x16xi32>,
      %swap3A_90 = vector.shape_cast %swap3A_89 : vector<1x16xi32> to vector<16xi32>
      %swap3A_91 = vector.shape_cast %select_n3A : vector<16xi32> to vector<1x16xi32>
      tpu.vector_store %arg4[%swap3A, %swap3A_88], %swap3A_91 {strides = array<i32>} : memref<158x128xi32, #tpu.memory_space<vmem>>, vector<1x16xi32>,
      %get3A_92 = arith.index_cast %add3A_84 : i32 to index
      %get3A_93 = arith.constant 16 : index
      %get3A_94 = tpu.vector_load %arg4[%get3A_92, %get3A_93] {strides = array<i32>} : memref<158x128xi32, #tpu.memory_space<vmem>>, vector<1x16xi32>,
      %get3A_95 = vector.shape_cast %get3A_94 : vector<1x16xi32> to vector<16xi32>
      %sub3A_96 = arith.subi %get3A_95, %mul3A_15 : vector<16xi32>
      %ge3A_97 = arith.cmpi sge, %sub3A_96, %broadcast_in_dim3A_17 : vector<16xi32>
      %lt3A_98 = arith.cmpi slt, %sub3A_96, %broadcast_in_dim3A_19 : vector<16xi32>
      %and3A_99 = arith.andi %ge3A_97, %lt3A_98 : vector<16xi1>
      %select_n3A_100 = arith.select %and3A_99, %sub3A_96, %broadcast_in_dim3A_19 : vector<16xi1>, vector<16xi32>
      %swap3A_101 = arith.index_cast %add3A_84 : i32 to index
      %swap3A_102 = arith.constant 16 : index
      %swap3A_103 = tpu.vector_load %arg4[%swap3A_101, %swap3A_102] {strides = array<i32>} : memref<158x128xi32, #tpu.memory_space<vmem>>, vector<1x16xi32>,
      %swap3A_104 = vector.shape_cast %swap3A_103 : vector<1x16xi32> to vector<16xi32>
      %swap3A_105 = vector.shape_cast %select_n3A_100 : vector<16xi32> to vector<1x16xi32>
      tpu.vector_store %arg4[%swap3A_101, %swap3A_102], %swap3A_105 {strides = array<i32>} : memref<158x128xi32, #tpu.memory_space<vmem>>, vector<1x16xi32>,
      %get3A_106 = arith.index_cast %add3A_84 : i32 to index
      %get3A_107 = arith.constant 32 : index
      %get3A_108 = tpu.vector_load %arg4[%get3A_106, %get3A_107] {strides = array<i32>} : memref<158x128xi32, #tpu.memory_space<vmem>>, vector<1x16xi32>,
      %get3A_109 = vector.shape_cast %get3A_108 : vector<1x16xi32> to vector<16xi32>
      %sub3A_110 = arith.subi %get3A_109, %mul3A_15 : vector<16xi32>
      %ge3A_111 = arith.cmpi sge, %sub3A_110, %broadcast_in_dim3A_17 : vector<16xi32>
      %lt3A_112 = arith.cmpi slt, %sub3A_110, %broadcast_in_dim3A_19 : vector<16xi32>
      %and3A_113 = arith.andi %ge3A_111, %lt3A_112 : vector<16xi1>
      %select_n3A_114 = arith.select %and3A_113, %sub3A_110, %broadcast_in_dim3A_19 : vector<16xi1>, vector<16xi32>
      %swap3A_115 = arith.index_cast %add3A_84 : i32 to index
      %swap3A_116 = arith.constant 32 : index
      %swap3A_117 = tpu.vector_load %arg4[%swap3A_115, %swap3A_116] {strides = array<i32>} : memref<158x128xi32, #tpu.memory_space<vmem>>, vector<1x16xi32>,
      %swap3A_118 = vector.shape_cast %swap3A_117 : vector<1x16xi32> to vector<16xi32>
      %swap3A_119 = vector.shape_cast %select_n3A_114 : vector<16xi32> to vector<1x16xi32>
      tpu.vector_store %arg4[%swap3A_115, %swap3A_116], %swap3A_119 {strides = array<i32>} : memref<158x128xi32, #tpu.memory_space<vmem>>, vector<1x16xi32>,
      %get3A_120 = arith.index_cast %add3A_84 : i32 to index
      %get3A_121 = arith.constant 48 : index
      %get3A_122 = tpu.vector_load %arg4[%get3A_120, %get3A_121] {strides = array<i32>} : memref<158x128xi32, #tpu.memory_space<vmem>>, vector<1x16xi32>,
      %get3A_123 = vector.shape_cast %get3A_122 : vector<1x16xi32> to vector<16xi32>
      %sub3A_124 = arith.subi %get3A_123, %mul3A_15 : vector<16xi32>
      %ge3A_125 = arith.cmpi sge, %sub3A_124, %broadcast_in_dim3A_17 : vector<16xi32>
      %lt3A_126 = arith.cmpi slt, %sub3A_124, %broadcast_in_dim3A_19 : vector<16xi32>
      %and3A_127 = arith.andi %ge3A_125, %lt3A_126 : vector<16xi1>
      %select_n3A_128 = arith.select %and3A_127, %sub3A_124, %broadcast_in_dim3A_19 : vector<16xi1>, vector<16xi32>
      %swap3A_129 = arith.index_cast %add3A_84 : i32 to index
      %swap3A_130 = arith.constant 48 : index
      %swap3A_131 = tpu.vector_load %arg4[%swap3A_129, %swap3A_130] {strides = array<i32>} : memref<158x128xi32, #tpu.memory_space<vmem>>, vector<1x16xi32>,
      %swap3A_132 = vector.shape_cast %swap3A_131 : vector<1x16xi32> to vector<16xi32>
      %swap3A_133 = vector.shape_cast %select_n3A_128 : vector<16xi32> to vector<1x16xi32>
      tpu.vector_store %arg4[%swap3A_129, %swap3A_130], %swap3A_133 {strides = array<i32>} : memref<158x128xi32, #tpu.memory_space<vmem>>, vector<1x16xi32>,
      %get3A_134 = arith.index_cast %add3A_84 : i32 to index
      %get3A_135 = arith.constant 64 : index
      %get3A_136 = tpu.vector_load %arg4[%get3A_134, %get3A_135] {strides = array<i32>} : memref<158x128xi32, #tpu.memory_space<vmem>>, vector<1x16xi32>,
      %get3A_137 = vector.shape_cast %get3A_136 : vector<1x16xi32> to vector<16xi32>
      %sub3A_138 = arith.subi %get3A_137, %mul3A_15 : vector<16xi32>
      %ge3A_139 = arith.cmpi sge, %sub3A_138, %broadcast_in_dim3A_17 : vector<16xi32>
      %lt3A_140 = arith.cmpi slt, %sub3A_138, %broadcast_in_dim3A_19 : vector<16xi32>
      %and3A_141 = arith.andi %ge3A_139, %lt3A_140 : vector<16xi1>
      %select_n3A_142 = arith.select %and3A_141, %sub3A_138, %broadcast_in_dim3A_19 : vector<16xi1>, vector<16xi32>
      %swap3A_143 = arith.index_cast %add3A_84 : i32 to index
      %swap3A_144 = arith.constant 64 : index
      %swap3A_145 = tpu.vector_load %arg4[%swap3A_143, %swap3A_144] {strides = array<i32>} : memref<158x128xi32, #tpu.memory_space<vmem>>, vector<1x16xi32>,
      %swap3A_146 = vector.shape_cast %swap3A_145 : vector<1x16xi32> to vector<16xi32>
      %swap3A_147 = vector.shape_cast %select_n3A_142 : vector<16xi32> to vector<1x16xi32>
      tpu.vector_store %arg4[%swap3A_143, %swap3A_144], %swap3A_147 {strides = array<i32>} : memref<158x128xi32, #tpu.memory_space<vmem>>, vector<1x16xi32>,
      %get3A_148 = arith.index_cast %add3A_84 : i32 to index
      %get3A_149 = arith.constant 80 : index
      %get3A_150 = tpu.vector_load %arg4[%get3A_148, %get3A_149] {strides = array<i32>} : memref<158x128xi32, #tpu.memory_space<vmem>>, vector<1x16xi32>,
      %get3A_151 = vector.shape_cast %get3A_150 : vector<1x16xi32> to vector<16xi32>
      %sub3A_152 = arith.subi %get3A_151, %mul3A_15 : vector<16xi32>
      %ge3A_153 = arith.cmpi sge, %sub3A_152, %broadcast_in_dim3A_17 : vector<16xi32>
      %lt3A_154 = arith.cmpi slt, %sub3A_152, %broadcast_in_dim3A_19 : vector<16xi32>
      %and3A_155 = arith.andi %ge3A_153, %lt3A_154 : vector<16xi1>
      %select_n3A_156 = arith.select %and3A_155, %sub3A_152, %broadcast_in_dim3A_19 : vector<16xi1>, vector<16xi32>
      %swap3A_157 = arith.index_cast %add3A_84 : i32 to index
      %swap3A_158 = arith.constant 80 : index
      %swap3A_159 = tpu.vector_load %arg4[%swap3A_157, %swap3A_158] {strides = array<i32>} : memref<158x128xi32, #tpu.memory_space<vmem>>, vector<1x16xi32>,
      %swap3A_160 = vector.shape_cast %swap3A_159 : vector<1x16xi32> to vector<16xi32>
      %swap3A_161 = vector.shape_cast %select_n3A_156 : vector<16xi32> to vector<1x16xi32>
      tpu.vector_store %arg4[%swap3A_157, %swap3A_158], %swap3A_161 {strides = array<i32>} : memref<158x128xi32, #tpu.memory_space<vmem>>, vector<1x16xi32>,
      %get3A_162 = arith.index_cast %add3A_84 : i32 to index
      %get3A_163 = arith.constant 96 : index
      %get3A_164 = tpu.vector_load %arg4[%get3A_162, %get3A_163] {strides = array<i32>} : memref<158x128xi32, #tpu.memory_space<vmem>>, vector<1x16xi32>,
      %get3A_165 = vector.shape_cast %get3A_164 : vector<1x16xi32> to vector<16xi32>
      %sub3A_166 = arith.subi %get3A_165, %mul3A_15 : vector<16xi32>
      %ge3A_167 = arith.cmpi sge, %sub3A_166, %broadcast_in_dim3A_17 : vector<16xi32>
      %lt3A_168 = arith.cmpi slt, %sub3A_166, %broadcast_in_dim3A_19 : vector<16xi32>
      %and3A_169 = arith.andi %ge3A_167, %lt3A_168 : vector<16xi1>
      %select_n3A_170 = arith.select %and3A_169, %sub3A_166, %broadcast_in_dim3A_19 : vector<16xi1>, vector<16xi32>
      %swap3A_171 = arith.index_cast %add3A_84 : i32 to index
      %swap3A_172 = arith.constant 96 : index
      %swap3A_173 = tpu.vector_load %arg4[%swap3A_171, %swap3A_172] {strides = array<i32>} : memref<158x128xi32, #tpu.memory_space<vmem>>, vector<1x16xi32>,
      %swap3A_174 = vector.shape_cast %swap3A_173 : vector<1x16xi32> to vector<16xi32>
      %swap3A_175 = vector.shape_cast %select_n3A_170 : vector<16xi32> to vector<1x16xi32>
      tpu.vector_store %arg4[%swap3A_171, %swap3A_172], %swap3A_175 {strides = array<i32>} : memref<158x128xi32, #tpu.memory_space<vmem>>, vector<1x16xi32>,
      %get3A_176 = arith.index_cast %add3A_84 : i32 to index
      %get3A_177 = arith.constant 112 : index
      %get3A_178 = tpu.vector_load %arg4[%get3A_176, %get3A_177] {strides = array<i32>} : memref<158x128xi32, #tpu.memory_space<vmem>>, vector<1x16xi32>,
      %get3A_179 = vector.shape_cast %get3A_178 : vector<1x16xi32> to vector<16xi32>
      %sub3A_180 = arith.subi %get3A_179, %mul3A_15 : vector<16xi32>
      %ge3A_181 = arith.cmpi sge, %sub3A_180, %broadcast_in_dim3A_17 : vector<16xi32>
      %lt3A_182 = arith.cmpi slt, %sub3A_180, %broadcast_in_dim3A_19 : vector<16xi32>
      %and3A_183 = arith.andi %ge3A_181, %lt3A_182 : vector<16xi1>
      %select_n3A_184 = arith.select %and3A_183, %sub3A_180, %broadcast_in_dim3A_19 : vector<16xi1>, vector<16xi32>
      %swap3A_185 = arith.index_cast %add3A_84 : i32 to index
      %swap3A_186 = arith.constant 112 : index
      %swap3A_187 = tpu.vector_load %arg4[%swap3A_185, %swap3A_186] {strides = array<i32>} : memref<158x128xi32, #tpu.memory_space<vmem>>, vector<1x16xi32>,
      %swap3A_188 = vector.shape_cast %swap3A_187 : vector<1x16xi32> to vector<16xi32>
      %swap3A_189 = vector.shape_cast %select_n3A_184 : vector<16xi32> to vector<1x16xi32>
      tpu.vector_store %arg4[%swap3A_185, %swap3A_186], %swap3A_189 {strides = array<i32>} : memref<158x128xi32, #tpu.memory_space<vmem>>, vector<1x16xi32>,
    }
    %scan3A_24 = arith.constant 158 : i32
    %barrier3A = arith.constant 0 : index
    tpu.barrier barrier_id(%barrier3A)
    %dma_start3A = arith.constant 0 : i32
    %dma_start3A_25 = arith.constant 0 : i32
    %dma_start3A_26 = tpu.memref_slice %arg4[%dma_start3A, %dma_start3A_25] : memref<158x128xi32, #tpu.memory_space<vmem>> -> memref<1x128xi32, #tpu.memory_space<vmem>>
    %dma_start3A_27 = tpu.memref_squeeze %dma_start3A_26 : memref<1x128xi32, #tpu.memory_space<vmem>> -> memref<128xi32, #tpu.memory_space<vmem>>
    %dma_start3A_28 = arith.constant 0 : i32
    %dma_start3A_29 = arith.constant 0 : i32
    %dma_start3A_30 = tpu.memref_slice %arg6[%dma_start3A_28, %dma_start3A_29] : memref<5248x128xf32, #tpu.memory_space<vmem_shared>> -> memref<5248x128xf32, #tpu.memory_space<vmem_shared>>
    tpu.enqueue_indirect_dma source(%arg5 : memref<128x128xf32, #tpu.memory_space<vmem>>) target(%dma_start3A_30 : memref<5248x128xf32, #tpu.memory_space<vmem_shared>>) offsets(%dma_start3A_27 : memref<128xi32, #tpu.memory_space<vmem>>) semaphore(%arg7 : memref<!tpu.dma_semaphore, #tpu.memory_space<semaphore_mem>>) {add = true}
    %scan3A_31 = arith.constant 0 : i32
    %scan3A_32 = arith.constant 78 : i32
    %scan3A_33 = arith.addi %scan3A_31, %scan3A_32 : i32
    %scan3A_34 = arith.constant 1 : i32
    scf.for %scan3A_80 = %scan3A_31 to %scan3A_33 step %scan3A_34  : i32 {
      %mul3A_81 = arith.constant 2 : i32
      %mul3A_82 = arith.muli %scan3A_80, %mul3A_81 : i32
      %add3A_83 = arith.constant 0 : i32
      %add3A_84 = arith.addi %add3A_83, %mul3A_82 : i32
      %add3A_85 = arith.constant 1 : i32
      %add3A_86 = arith.addi %add3A_84, %add3A_85 : i32
      %dma_start3A_87 = arith.constant 0 : i32
      %dma_start3A_88 = tpu.memref_slice %arg4[%add3A_86, %dma_start3A_87] : memref<158x128xi32, #tpu.memory_space<vmem>> -> memref<1x128xi32, #tpu.memory_space<vmem>>
      %dma_start3A_89 = tpu.memref_squeeze %dma_start3A_88 : memref<1x128xi32, #tpu.memory_space<vmem>> -> memref<128xi32, #tpu.memory_space<vmem>>
      %dma_start3A_90 = arith.constant 0 : i32
      %dma_start3A_91 = arith.constant 0 : i32
      %dma_start3A_92 = tpu.memref_slice %arg6[%dma_start3A_90, %dma_start3A_91] : memref<5248x128xf32, #tpu.memory_space<vmem_shared>> -> memref<5248x128xf32, #tpu.memory_space<vmem_shared>>
      tpu.enqueue_indirect_dma source(%arg5 : memref<128x128xf32, #tpu.memory_space<vmem>>) target(%dma_start3A_92 : memref<5248x128xf32, #tpu.memory_space<vmem_shared>>) offsets(%dma_start3A_89 : memref<128xi32, #tpu.memory_space<vmem>>) semaphore(%arg8 : memref<!tpu.dma_semaphore, #tpu.memory_space<semaphore_mem>>) {add = true}
      %dma_wait3A_93 = arith.constant 0 : i32
      %dma_wait3A_94 = tpu.memref_slice %arg4[%add3A_84, %dma_wait3A_93] : memref<158x128xi32, #tpu.memory_space<vmem>> -> memref<1x128xi32, #tpu.memory_space<vmem>>
      %dma_wait3A_95 = tpu.memref_squeeze %dma_wait3A_94 : memref<1x128xi32, #tpu.memory_space<vmem>> -> memref<128xi32, #tpu.memory_space<vmem>>
      %dma_wait3A_96 = arith.constant 0 : i32
      %dma_wait3A_97 = arith.constant 0 : i32
      %dma_wait3A_98 = tpu.memref_slice %arg6[%dma_wait3A_96, %dma_wait3A_97] : memref<5248x128xf32, #tpu.memory_space<vmem_shared>> -> memref<5248x128xf32, #tpu.memory_space<vmem_shared>>
      tpu.wait_indirect_dma semaphore(%arg7 : memref<!tpu.dma_semaphore, #tpu.memory_space<semaphore_mem>>) src(%arg5 : memref<128x128xf32, #tpu.memory_space<vmem>>) dst(%dma_wait3A_98 : memref<5248x128xf32, #tpu.memory_space<vmem_shared>>)
      %add3A_99 = arith.constant 2 : i32
      %add3A_100 = arith.addi %add3A_84, %add3A_99 : i32
      %dma_start3A_101 = arith.constant 0 : i32
      %dma_start3A_102 = tpu.memref_slice %arg4[%add3A_100, %dma_start3A_101] : memref<158x128xi32, #tpu.memory_space<vmem>> -> memref<1x128xi32, #tpu.memory_space<vmem>>
      %dma_start3A_103 = tpu.memref_squeeze %dma_start3A_102 : memref<1x128xi32, #tpu.memory_space<vmem>> -> memref<128xi32, #tpu.memory_space<vmem>>
      %dma_start3A_104 = arith.constant 0 : i32
      %dma_start3A_105 = arith.constant 0 : i32
      %dma_start3A_106 = tpu.memref_slice %arg6[%dma_start3A_104, %dma_start3A_105] : memref<5248x128xf32, #tpu.memory_space<vmem_shared>> -> memref<5248x128xf32, #tpu.memory_space<vmem_shared>>
      tpu.enqueue_indirect_dma source(%arg5 : memref<128x128xf32, #tpu.memory_space<vmem>>) target(%dma_start3A_106 : memref<5248x128xf32, #tpu.memory_space<vmem_shared>>) offsets(%dma_start3A_103 : memref<128xi32, #tpu.memory_space<vmem>>) semaphore(%arg7 : memref<!tpu.dma_semaphore, #tpu.memory_space<semaphore_mem>>) {add = true}
      %add3A_107 = arith.constant 1 : i32
      %add3A_108 = arith.addi %add3A_84, %add3A_107 : i32
      %dma_wait3A_109 = arith.constant 0 : i32
      %dma_wait3A_110 = tpu.memref_slice %arg4[%add3A_108, %dma_wait3A_109] : memref<158x128xi32, #tpu.memory_space<vmem>> -> memref<1x128xi32, #tpu.memory_space<vmem>>
      %dma_wait3A_111 = tpu.memref_squeeze %dma_wait3A_110 : memref<1x128xi32, #tpu.memory_space<vmem>> -> memref<128xi32, #tpu.memory_space<vmem>>
      %dma_wait3A_112 = arith.constant 0 : i32
      %dma_wait3A_113 = arith.constant 0 : i32
      %dma_wait3A_114 = tpu.memref_slice %arg6[%dma_wait3A_112, %dma_wait3A_113] : memref<5248x128xf32, #tpu.memory_space<vmem_shared>> -> memref<5248x128xf32, #tpu.memory_space<vmem_shared>>
      tpu.wait_indirect_dma semaphore(%arg8 : memref<!tpu.dma_semaphore, #tpu.memory_space<semaphore_mem>>) src(%arg5 : memref<128x128xf32, #tpu.memory_space<vmem>>) dst(%dma_wait3A_114 : memref<5248x128xf32, #tpu.memory_space<vmem_shared>>)
    }
    %scan3A_35 = arith.constant 78 : i32
    %dma_start3A_36 = arith.constant 157 : i32
    %dma_start3A_37 = arith.constant 0 : i32
    %dma_start3A_38 = tpu.memref_slice %arg4[%dma_start3A_36, %dma_start3A_37] : memref<158x128xi32, #tpu.memory_space<vmem>> -> memref<1x128xi32, #tpu.memory_space<vmem>>
    %dma_start3A_39 = tpu.memref_squeeze %dma_start3A_38 : memref<1x128xi32, #tpu.memory_space<vmem>> -> memref<128xi32, #tpu.memory_space<vmem>>
    %dma_start3A_40 = arith.constant 0 : i32
    %dma_start3A_41 = arith.constant 0 : i32
    %dma_start3A_42 = tpu.memref_slice %arg6[%dma_start3A_40, %dma_start3A_41] : memref<5248x128xf32, #tpu.memory_space<vmem_shared>> -> memref<5248x128xf32, #tpu.memory_space<vmem_shared>>
    tpu.enqueue_indirect_dma source(%arg5 : memref<128x128xf32, #tpu.memory_space<vmem>>) target(%dma_start3A_42 : memref<5248x128xf32, #tpu.memory_space<vmem_shared>>) offsets(%dma_start3A_39 : memref<128xi32, #tpu.memory_space<vmem>>) semaphore(%arg8 : memref<!tpu.dma_semaphore, #tpu.memory_space<semaphore_mem>>) {add = true}
    %dma_wait3A = arith.constant 156 : i32
    %dma_wait3A_43 = arith.constant 0 : i32
    %dma_wait3A_44 = tpu.memref_slice %arg4[%dma_wait3A, %dma_wait3A_43] : memref<158x128xi32, #tpu.memory_space<vmem>> -> memref<1x128xi32, #tpu.memory_space<vmem>>
    %dma_wait3A_45 = tpu.memref_squeeze %dma_wait3A_44 : memref<1x128xi32, #tpu.memory_space<vmem>> -> memref<128xi32, #tpu.memory_space<vmem>>
    %dma_wait3A_46 = arith.constant 0 : i32
    %dma_wait3A_47 = arith.constant 0 : i32
    %dma_wait3A_48 = tpu.memref_slice %arg6[%dma_wait3A_46, %dma_wait3A_47] : memref<5248x128xf32, #tpu.memory_space<vmem_shared>> -> memref<5248x128xf32, #tpu.memory_space<vmem_shared>>
    tpu.wait_indirect_dma semaphore(%arg7 : memref<!tpu.dma_semaphore, #tpu.memory_space<semaphore_mem>>) src(%arg5 : memref<128x128xf32, #tpu.memory_space<vmem>>) dst(%dma_wait3A_48 : memref<5248x128xf32, #tpu.memory_space<vmem_shared>>)
    %dma_wait3A_49 = arith.constant 157 : i32
    %dma_wait3A_50 = arith.constant 0 : i32
    %dma_wait3A_51 = tpu.memref_slice %arg4[%dma_wait3A_49, %dma_wait3A_50] : memref<158x128xi32, #tpu.memory_space<vmem>> -> memref<1x128xi32, #tpu.memory_space<vmem>>
    %dma_wait3A_52 = tpu.memref_squeeze %dma_wait3A_51 : memref<1x128xi32, #tpu.memory_space<vmem>> -> memref<128xi32, #tpu.memory_space<vmem>>
    %dma_wait3A_53 = arith.constant 0 : i32
    %dma_wait3A_54 = arith.constant 0 : i32
    %dma_wait3A_55 = tpu.memref_slice %arg6[%dma_wait3A_53, %dma_wait3A_54] : memref<5248x128xf32, #tpu.memory_space<vmem_shared>> -> memref<5248x128xf32, #tpu.memory_space<vmem_shared>>
    tpu.wait_indirect_dma semaphore(%arg8 : memref<!tpu.dma_semaphore, #tpu.memory_space<semaphore_mem>>) src(%arg5 : memref<128x128xf32, #tpu.memory_space<vmem>>) dst(%dma_wait3A_55 : memref<5248x128xf32, #tpu.memory_space<vmem_shared>>)
    %barrier3A_56 = arith.constant 0 : index
    tpu.barrier barrier_id(%barrier3A_56)
    %mul3A_57 = arith.constant 320 : i32
    %mul3A_58 = arith.muli %arg1, %mul3A_57 : i32
    %add3A_59 = arith.constant 0 : i32
    %add3A_60 = arith.addi %mul3A_58, %add3A_59 : i32
    %mul3A_61 = arith.constant 5120 : i32
    %mul3A_62 = arith.muli %arg0, %mul3A_61 : i32
    %add3A_63 = arith.addi %mul3A_62, %mul3A_58 : i32
    %add3A_64 = arith.constant 0 : i32
    %add3A_65 = arith.addi %add3A_63, %add3A_64 : i32
    "tpu.region"() ({
      %run_scoped3A = tpu.sem_alloc : memref<!tpu.dma_semaphore, #tpu.memory_space<semaphore_mem>>
      %dma_start3A_80 = arith.constant 0 : i32
      %dma_start3A_81 = tpu.memref_slice %arg3[%add3A_65, %dma_start3A_80] : memref<10240x128xf32, #tpu.memory_space<hbm>> -> memref<128x128xf32, #tpu.memory_space<hbm>>
      %dma_start3A_82 = arith.constant 0 : i32
      %dma_start3A_83 = tpu.memref_slice %arg6[%add3A_60, %dma_start3A_82] : memref<5248x128xf32, #tpu.memory_space<vmem_shared>> -> memref<128x128xf32, #tpu.memory_space<vmem_shared>>
      tpu.enqueue_dma source(%dma_start3A_83 : memref<128x128xf32, #tpu.memory_space<vmem_shared>>) target(%dma_start3A_81 : memref<128x128xf32, #tpu.memory_space<hbm>>) target_semaphore(%run_scoped3A : memref<!tpu.dma_semaphore, #tpu.memory_space<semaphore_mem>>)
      %dma_wait3A_84 = arith.constant 0 : i32
      %dma_wait3A_85 = tpu.memref_slice %arg3[%add3A_65, %dma_wait3A_84] : memref<10240x128xf32, #tpu.memory_space<hbm>> -> memref<128x128xf32, #tpu.memory_space<hbm>>
      %dma_wait3A_86 = arith.constant 0 : i32
      %dma_wait3A_87 = tpu.memref_slice %arg6[%add3A_60, %dma_wait3A_86] : memref<5248x128xf32, #tpu.memory_space<vmem_shared>> -> memref<128x128xf32, #tpu.memory_space<vmem_shared>>
      tpu.wait_dma2 semaphore(%run_scoped3A : memref<!tpu.dma_semaphore, #tpu.memory_space<semaphore_mem>>) src(%dma_wait3A_87 : memref<128x128xf32, #tpu.memory_space<vmem_shared>>) dst(%dma_wait3A_85 : memref<128x128xf32, #tpu.memory_space<hbm>>)
      tpu.yield
    }) : () -> ()
    %add3A_66 = arith.constant 128 : i32
    %add3A_67 = arith.addi %mul3A_58, %add3A_66 : i32
    %mul3A_68 = arith.constant 5120 : i32
    %mul3A_69 = arith.muli %arg0, %mul3A_68 : i32
    %add3A_70 = arith.addi %mul3A_69, %mul3A_58 : i32
    %add3A_71 = arith.constant 128 : i32
    %add3A_72 = arith.addi %add3A_70, %add3A_71 : i32
    "tpu.region"() ({
      %run_scoped3A = tpu.sem_alloc : memref<!tpu.dma_semaphore, #tpu.memory_space<semaphore_mem>>
      %dma_start3A_80 = arith.constant 0 : i32
      %dma_start3A_81 = tpu.memref_slice %arg3[%add3A_72, %dma_start3A_80] : memref<10240x128xf32, #tpu.memory_space<hbm>> -> memref<128x128xf32, #tpu.memory_space<hbm>>
      %dma_start3A_82 = arith.constant 0 : i32
      %dma_start3A_83 = tpu.memref_slice %arg6[%add3A_67, %dma_start3A_82] : memref<5248x128xf32, #tpu.memory_space<vmem_shared>> -> memref<128x128xf32, #tpu.memory_space<vmem_shared>>
      tpu.enqueue_dma source(%dma_start3A_83 : memref<128x128xf32, #tpu.memory_space<vmem_shared>>) target(%dma_start3A_81 : memref<128x128xf32, #tpu.memory_space<hbm>>) target_semaphore(%run_scoped3A : memref<!tpu.dma_semaphore, #tpu.memory_space<semaphore_mem>>)
      %dma_wait3A_84 = arith.constant 0 : i32
      %dma_wait3A_85 = tpu.memref_slice %arg3[%add3A_72, %dma_wait3A_84] : memref<10240x128xf32, #tpu.memory_space<hbm>> -> memref<128x128xf32, #tpu.memory_space<hbm>>
      %dma_wait3A_86 = arith.constant 0 : i32
      %dma_wait3A_87 = tpu.memref_slice %arg6[%add3A_67, %dma_wait3A_86] : memref<5248x128xf32, #tpu.memory_space<vmem_shared>> -> memref<128x128xf32, #tpu.memory_space<vmem_shared>>
      tpu.wait_dma2 semaphore(%run_scoped3A : memref<!tpu.dma_semaphore, #tpu.memory_space<semaphore_mem>>) src(%dma_wait3A_87 : memref<128x128xf32, #tpu.memory_space<vmem_shared>>) dst(%dma_wait3A_85 : memref<128x128xf32, #tpu.memory_space<hbm>>)
      tpu.yield
    }) : () -> ()
    %add3A_73 = arith.constant 256 : i32
    %add3A_74 = arith.addi %mul3A_58, %add3A_73 : i32
    %mul3A_75 = arith.constant 5120 : i32
    %mul3A_76 = arith.muli %arg0, %mul3A_75 : i32
    %add3A_77 = arith.addi %mul3A_76, %mul3A_58 : i32
    %add3A_78 = arith.constant 256 : i32
    %add3A_79 = arith.addi %add3A_77, %add3A_78 : i32
    "tpu.region"() ({
      %run_scoped3A = tpu.sem_alloc : memref<!tpu.dma_semaphore, #tpu.memory_space<semaphore_mem>>
      %dma_start3A_80 = arith.constant 0 : i32
      %dma_start3A_81 = tpu.memref_slice %arg3[%add3A_79, %dma_start3A_80] : memref<10240x128xf32, #tpu.memory_space<hbm>> -> memref<64x128xf32, #tpu.memory_space<hbm>>
      %dma_start3A_82 = arith.constant 0 : i32
      %dma_start3A_83 = tpu.memref_slice %arg6[%add3A_74, %dma_start3A_82] : memref<5248x128xf32, #tpu.memory_space<vmem_shared>> -> memref<64x128xf32, #tpu.memory_space<vmem_shared>>
      tpu.enqueue_dma source(%dma_start3A_83 : memref<64x128xf32, #tpu.memory_space<vmem_shared>>) target(%dma_start3A_81 : memref<64x128xf32, #tpu.memory_space<hbm>>) target_semaphore(%run_scoped3A : memref<!tpu.dma_semaphore, #tpu.memory_space<semaphore_mem>>)
      %dma_wait3A_84 = arith.constant 0 : i32
      %dma_wait3A_85 = tpu.memref_slice %arg3[%add3A_79, %dma_wait3A_84] : memref<10240x128xf32, #tpu.memory_space<hbm>> -> memref<64x128xf32, #tpu.memory_space<hbm>>
      %dma_wait3A_86 = arith.constant 0 : i32
      %dma_wait3A_87 = tpu.memref_slice %arg6[%add3A_74, %dma_wait3A_86] : memref<5248x128xf32, #tpu.memory_space<vmem_shared>> -> memref<64x128xf32, #tpu.memory_space<vmem_shared>>
      tpu.wait_dma2 semaphore(%run_scoped3A : memref<!tpu.dma_semaphore, #tpu.memory_space<semaphore_mem>>) src(%dma_wait3A_87 : memref<64x128xf32, #tpu.memory_space<vmem_shared>>) dst(%dma_wait3A_85 : memref<64x128xf32, #tpu.memory_space<hbm>>)
      tpu.yield
    }) : () -> ()
    return
  }
}

#map = affine_map<(d0, d1) -> (0, 0)>
#map1 = affine_map<(d0, d1) -> (0, 0, 0)>
module attributes {stable_mosaic.version = 14 : i64} {
  func.func @_agg_kernel(%arg0: i32, %arg1: i32, %arg2: memref<10000x128xf32, #tpu.memory_space<hbm>>, %arg3: memref<16x158x128xi32, #tpu.memory_space<hbm>>, %arg4: memref<16x158x128xi32, #tpu.memory_space<hbm>>, %arg5: memref<10240x128xf32, #tpu.memory_space<hbm>>, %arg6: memref<158x128xi32, #tpu.memory_space<vmem>>, %arg7: memref<158x128xi32, #tpu.memory_space<vmem>>, %arg8: memref<128x128xf32, #tpu.memory_space<vmem>>, %arg9: memref<128x128xf32, #tpu.memory_space<vmem>>, %arg10: memref<5248x128xf32, #tpu.memory_space<vmem_shared>>, %arg11: memref<!tpu.dma_semaphore, #tpu.memory_space<semaphore_mem>>, %arg12: memref<!tpu.dma_semaphore, #tpu.memory_space<semaphore_mem>>) attributes {dimension_semantics = [#tpu.dimension_semantics<core_parallel>, #tpu.dimension_semantics<subcore_parallel>], iteration_bounds = array<i64: 2, 16>, scalar_prefetch = 0 : i64, scratch_operands = 7 : i64, tpu.core_type = #tpu.core_type<sc_vector_subcore>, window_params = [{transform_indices = #map}, {transform_indices = #map1}, {transform_indices = #map1}, {transform_indices = #map}]} {
    %scan3A = arith.constant 0 : i32
    %scan3A_0 = arith.constant 128 : i32
    %scan3A_1 = arith.addi %scan3A, %scan3A_0 : i32
    %scan3A_2 = arith.constant 1 : i32
    scf.for %scan3A_55 = %scan3A to %scan3A_1 step %scan3A_2  : i32 {
      %mul3A_56 = arith.constant 1 : i32
      %mul3A_57 = arith.muli %scan3A_55, %mul3A_56 : i32
      %add3A_58 = arith.constant 0 : i32
      %add3A_59 = arith.addi %add3A_58, %mul3A_57 : i32
      %broadcast_in_dim3A_60 = arith.constant 0.000000e+00 : f32
      %broadcast_in_dim3A_61 = vector.broadcast %broadcast_in_dim3A_60 : f32 to vector<16xf32>
      %swap3A = arith.index_cast %add3A_59 : i32 to index
      %swap3A_62 = arith.constant 0 : index
      %swap3A_63 = tpu.vector_load %arg8[%swap3A, %swap3A_62] {strides = array<i32>} : memref<128x128xf32, #tpu.memory_space<vmem>>, vector<1x16xf32>,
      %swap3A_64 = vector.shape_cast %swap3A_63 : vector<1x16xf32> to vector<16xf32>
      %swap3A_65 = vector.shape_cast %broadcast_in_dim3A_61 : vector<16xf32> to vector<1x16xf32>
      tpu.vector_store %arg8[%swap3A, %swap3A_62], %swap3A_65 {strides = array<i32>} : memref<128x128xf32, #tpu.memory_space<vmem>>, vector<1x16xf32>,
      %broadcast_in_dim3A_66 = arith.constant 0.000000e+00 : f32
      %broadcast_in_dim3A_67 = vector.broadcast %broadcast_in_dim3A_66 : f32 to vector<16xf32>
      %swap3A_68 = arith.index_cast %add3A_59 : i32 to index
      %swap3A_69 = arith.constant 16 : index
      %swap3A_70 = tpu.vector_load %arg8[%swap3A_68, %swap3A_69] {strides = array<i32>} : memref<128x128xf32, #tpu.memory_space<vmem>>, vector<1x16xf32>,
      %swap3A_71 = vector.shape_cast %swap3A_70 : vector<1x16xf32> to vector<16xf32>
      %swap3A_72 = vector.shape_cast %broadcast_in_dim3A_67 : vector<16xf32> to vector<1x16xf32>
      tpu.vector_store %arg8[%swap3A_68, %swap3A_69], %swap3A_72 {strides = array<i32>} : memref<128x128xf32, #tpu.memory_space<vmem>>, vector<1x16xf32>,
      %broadcast_in_dim3A_73 = arith.constant 0.000000e+00 : f32
      %broadcast_in_dim3A_74 = vector.broadcast %broadcast_in_dim3A_73 : f32 to vector<16xf32>
      %swap3A_75 = arith.index_cast %add3A_59 : i32 to index
      %swap3A_76 = arith.constant 32 : index
      %swap3A_77 = tpu.vector_load %arg8[%swap3A_75, %swap3A_76] {strides = array<i32>} : memref<128x128xf32, #tpu.memory_space<vmem>>, vector<1x16xf32>,
      %swap3A_78 = vector.shape_cast %swap3A_77 : vector<1x16xf32> to vector<16xf32>
      %swap3A_79 = vector.shape_cast %broadcast_in_dim3A_74 : vector<16xf32> to vector<1x16xf32>
      tpu.vector_store %arg8[%swap3A_75, %swap3A_76], %swap3A_79 {strides = array<i32>} : memref<128x128xf32, #tpu.memory_space<vmem>>, vector<1x16xf32>,
      %broadcast_in_dim3A_80 = arith.constant 0.000000e+00 : f32
      %broadcast_in_dim3A_81 = vector.broadcast %broadcast_in_dim3A_80 : f32 to vector<16xf32>
      %swap3A_82 = arith.index_cast %add3A_59 : i32 to index
      %swap3A_83 = arith.constant 48 : index
      %swap3A_84 = tpu.vector_load %arg8[%swap3A_82, %swap3A_83] {strides = array<i32>} : memref<128x128xf32, #tpu.memory_space<vmem>>, vector<1x16xf32>,
      %swap3A_85 = vector.shape_cast %swap3A_84 : vector<1x16xf32> to vector<16xf32>
      %swap3A_86 = vector.shape_cast %broadcast_in_dim3A_81 : vector<16xf32> to vector<1x16xf32>
      tpu.vector_store %arg8[%swap3A_82, %swap3A_83], %swap3A_86 {strides = array<i32>} : memref<128x128xf32, #tpu.memory_space<vmem>>, vector<1x16xf32>,
      %broadcast_in_dim3A_87 = arith.constant 0.000000e+00 : f32
      %broadcast_in_dim3A_88 = vector.broadcast %broadcast_in_dim3A_87 : f32 to vector<16xf32>
      %swap3A_89 = arith.index_cast %add3A_59 : i32 to index
      %swap3A_90 = arith.constant 64 : index
      %swap3A_91 = tpu.vector_load %arg8[%swap3A_89, %swap3A_90] {strides = array<i32>} : memref<128x128xf32, #tpu.memory_space<vmem>>, vector<1x16xf32>,
      %swap3A_92 = vector.shape_cast %swap3A_91 : vector<1x16xf32> to vector<16xf32>
      %swap3A_93 = vector.shape_cast %broadcast_in_dim3A_88 : vector<16xf32> to vector<1x16xf32>
      tpu.vector_store %arg8[%swap3A_89, %swap3A_90], %swap3A_93 {strides = array<i32>} : memref<128x128xf32, #tpu.memory_space<vmem>>, vector<1x16xf32>,
      %broadcast_in_dim3A_94 = arith.constant 0.000000e+00 : f32
      %broadcast_in_dim3A_95 = vector.broadcast %broadcast_in_dim3A_94 : f32 to vector<16xf32>
      %swap3A_96 = arith.index_cast %add3A_59 : i32 to index
      %swap3A_97 = arith.constant 80 : index
      %swap3A_98 = tpu.vector_load %arg8[%swap3A_96, %swap3A_97] {strides = array<i32>} : memref<128x128xf32, #tpu.memory_space<vmem>>, vector<1x16xf32>,
      %swap3A_99 = vector.shape_cast %swap3A_98 : vector<1x16xf32> to vector<16xf32>
      %swap3A_100 = vector.shape_cast %broadcast_in_dim3A_95 : vector<16xf32> to vector<1x16xf32>
      tpu.vector_store %arg8[%swap3A_96, %swap3A_97], %swap3A_100 {strides = array<i32>} : memref<128x128xf32, #tpu.memory_space<vmem>>, vector<1x16xf32>,
      %broadcast_in_dim3A_101 = arith.constant 0.000000e+00 : f32
      %broadcast_in_dim3A_102 = vector.broadcast %broadcast_in_dim3A_101 : f32 to vector<16xf32>
      %swap3A_103 = arith.index_cast %add3A_59 : i32 to index
      %swap3A_104 = arith.constant 96 : index
      %swap3A_105 = tpu.vector_load %arg8[%swap3A_103, %swap3A_104] {strides = array<i32>} : memref<128x128xf32, #tpu.memory_space<vmem>>, vector<1x16xf32>,
      %swap3A_106 = vector.shape_cast %swap3A_105 : vector<1x16xf32> to vector<16xf32>
      %swap3A_107 = vector.shape_cast %broadcast_in_dim3A_102 : vector<16xf32> to vector<1x16xf32>
      tpu.vector_store %arg8[%swap3A_103, %swap3A_104], %swap3A_107 {strides = array<i32>} : memref<128x128xf32, #tpu.memory_space<vmem>>, vector<1x16xf32>,
      %broadcast_in_dim3A_108 = arith.constant 0.000000e+00 : f32
      %broadcast_in_dim3A_109 = vector.broadcast %broadcast_in_dim3A_108 : f32 to vector<16xf32>
      %swap3A_110 = arith.index_cast %add3A_59 : i32 to index
      %swap3A_111 = arith.constant 112 : index
      %swap3A_112 = tpu.vector_load %arg8[%swap3A_110, %swap3A_111] {strides = array<i32>} : memref<128x128xf32, #tpu.memory_space<vmem>>, vector<1x16xf32>,
      %swap3A_113 = vector.shape_cast %swap3A_112 : vector<1x16xf32> to vector<16xf32>
      %swap3A_114 = vector.shape_cast %broadcast_in_dim3A_109 : vector<16xf32> to vector<1x16xf32>
      tpu.vector_store %arg8[%swap3A_110, %swap3A_111], %swap3A_114 {strides = array<i32>} : memref<128x128xf32, #tpu.memory_space<vmem>>, vector<1x16xf32>,
    }
    %scan3A_3 = arith.constant 128 : i32
    %mul3A = arith.constant 328 : i32
    %mul3A_4 = arith.muli %arg1, %mul3A : i32
    "tpu.region"() ({
      %run_scoped3A = tpu.sem_alloc : memref<!tpu.dma_semaphore, #tpu.memory_space<semaphore_mem>>
      %dma_start3A_55 = arith.constant 0 : i32
      %dma_start3A_56 = tpu.memref_slice %arg10[%mul3A_4, %dma_start3A_55] : memref<5248x128xf32, #tpu.memory_space<vmem_shared>> -> memref<128x128xf32, #tpu.memory_space<vmem_shared>>
      %dma_start3A_57 = arith.constant 0 : i32
      %dma_start3A_58 = tpu.memref_slice %arg10[%mul3A_4, %dma_start3A_57] : memref<5248x128xf32, #tpu.memory_space<vmem_shared>> -> memref<128x128xf32, #tpu.memory_space<vmem_shared>>
      tpu.enqueue_dma source(%arg8 : memref<128x128xf32, #tpu.memory_space<vmem>>) target(%dma_start3A_58 : memref<128x128xf32, #tpu.memory_space<vmem_shared>>) target_semaphore(%run_scoped3A : memref<!tpu.dma_semaphore, #tpu.memory_space<semaphore_mem>>)
      %dma_wait3A = arith.constant 0 : i32
      %dma_wait3A_59 = tpu.memref_slice %arg10[%mul3A_4, %dma_wait3A] : memref<5248x128xf32, #tpu.memory_space<vmem_shared>> -> memref<128x128xf32, #tpu.memory_space<vmem_shared>>
      %dma_wait3A_60 = arith.constant 0 : i32
      %dma_wait3A_61 = tpu.memref_slice %arg10[%mul3A_4, %dma_wait3A_60] : memref<5248x128xf32, #tpu.memory_space<vmem_shared>> -> memref<128x128xf32, #tpu.memory_space<vmem_shared>>
      tpu.wait_dma2 semaphore(%run_scoped3A : memref<!tpu.dma_semaphore, #tpu.memory_space<semaphore_mem>>) src(%arg8 : memref<128x128xf32, #tpu.memory_space<vmem>>) dst(%dma_wait3A_61 : memref<128x128xf32, #tpu.memory_space<vmem_shared>>)
      tpu.yield
    }) : () -> ()
    %add3A = arith.constant 128 : i32
    %add3A_5 = arith.addi %mul3A_4, %add3A : i32
    "tpu.region"() ({
      %run_scoped3A = tpu.sem_alloc : memref<!tpu.dma_semaphore, #tpu.memory_space<semaphore_mem>>
      %dma_start3A_55 = arith.constant 0 : i32
      %dma_start3A_56 = tpu.memref_slice %arg10[%add3A_5, %dma_start3A_55] : memref<5248x128xf32, #tpu.memory_space<vmem_shared>> -> memref<128x128xf32, #tpu.memory_space<vmem_shared>>
      %dma_start3A_57 = arith.constant 0 : i32
      %dma_start3A_58 = tpu.memref_slice %arg10[%add3A_5, %dma_start3A_57] : memref<5248x128xf32, #tpu.memory_space<vmem_shared>> -> memref<128x128xf32, #tpu.memory_space<vmem_shared>>
      tpu.enqueue_dma source(%arg8 : memref<128x128xf32, #tpu.memory_space<vmem>>) target(%dma_start3A_58 : memref<128x128xf32, #tpu.memory_space<vmem_shared>>) target_semaphore(%run_scoped3A : memref<!tpu.dma_semaphore, #tpu.memory_space<semaphore_mem>>)
      %dma_wait3A = arith.constant 0 : i32
      %dma_wait3A_59 = tpu.memref_slice %arg10[%add3A_5, %dma_wait3A] : memref<5248x128xf32, #tpu.memory_space<vmem_shared>> -> memref<128x128xf32, #tpu.memory_space<vmem_shared>>
      %dma_wait3A_60 = arith.constant 0 : i32
      %dma_wait3A_61 = tpu.memref_slice %arg10[%add3A_5, %dma_wait3A_60] : memref<5248x128xf32, #tpu.memory_space<vmem_shared>> -> memref<128x128xf32, #tpu.memory_space<vmem_shared>>
      tpu.wait_dma2 semaphore(%run_scoped3A : memref<!tpu.dma_semaphore, #tpu.memory_space<semaphore_mem>>) src(%arg8 : memref<128x128xf32, #tpu.memory_space<vmem>>) dst(%dma_wait3A_61 : memref<128x128xf32, #tpu.memory_space<vmem_shared>>)
      tpu.yield
    }) : () -> ()
    %add3A_6 = arith.constant 256 : i32
    %add3A_7 = arith.addi %mul3A_4, %add3A_6 : i32
    "tpu.region"() ({
      %run_scoped3A = tpu.sem_alloc : memref<!tpu.dma_semaphore, #tpu.memory_space<semaphore_mem>>
      %dma_start3A_55 = arith.constant 0 : i32
      %dma_start3A_56 = arith.constant 0 : i32
      %dma_start3A_57 = tpu.memref_slice %arg8[%dma_start3A_55, %dma_start3A_56] : memref<128x128xf32, #tpu.memory_space<vmem>> -> memref<72x128xf32, #tpu.memory_space<vmem>>
      %dma_start3A_58 = arith.constant 0 : i32
      %dma_start3A_59 = tpu.memref_slice %arg10[%add3A_7, %dma_start3A_58] : memref<5248x128xf32, #tpu.memory_space<vmem_shared>> -> memref<72x128xf32, #tpu.memory_space<vmem_shared>>
      %dma_start3A_60 = arith.constant 0 : i32
      %dma_start3A_61 = tpu.memref_slice %arg10[%add3A_7, %dma_start3A_60] : memref<5248x128xf32, #tpu.memory_space<vmem_shared>> -> memref<72x128xf32, #tpu.memory_space<vmem_shared>>
      %dma_start3A_62 = arith.constant 0 : i32
      %dma_start3A_63 = arith.constant 0 : i32
      %dma_start3A_64 = tpu.memref_slice %arg8[%dma_start3A_62, %dma_start3A_63] : memref<128x128xf32, #tpu.memory_space<vmem>> -> memref<72x128xf32, #tpu.memory_space<vmem>>
      tpu.enqueue_dma source(%dma_start3A_64 : memref<72x128xf32, #tpu.memory_space<vmem>>) target(%dma_start3A_61 : memref<72x128xf32, #tpu.memory_space<vmem_shared>>) target_semaphore(%run_scoped3A : memref<!tpu.dma_semaphore, #tpu.memory_space<semaphore_mem>>)
      %dma_wait3A = arith.constant 0 : i32
      %dma_wait3A_65 = arith.constant 0 : i32
      %dma_wait3A_66 = tpu.memref_slice %arg8[%dma_wait3A, %dma_wait3A_65] : memref<128x128xf32, #tpu.memory_space<vmem>> -> memref<72x128xf32, #tpu.memory_space<vmem>>
      %dma_wait3A_67 = arith.constant 0 : i32
      %dma_wait3A_68 = tpu.memref_slice %arg10[%add3A_7, %dma_wait3A_67] : memref<5248x128xf32, #tpu.memory_space<vmem_shared>> -> memref<72x128xf32, #tpu.memory_space<vmem_shared>>
      %dma_wait3A_69 = arith.constant 0 : i32
      %dma_wait3A_70 = tpu.memref_slice %arg10[%add3A_7, %dma_wait3A_69] : memref<5248x128xf32, #tpu.memory_space<vmem_shared>> -> memref<72x128xf32, #tpu.memory_space<vmem_shared>>
      %dma_wait3A_71 = arith.constant 0 : i32
      %dma_wait3A_72 = arith.constant 0 : i32
      %dma_wait3A_73 = tpu.memref_slice %arg8[%dma_wait3A_71, %dma_wait3A_72] : memref<128x128xf32, #tpu.memory_space<vmem>> -> memref<72x128xf32, #tpu.memory_space<vmem>>
      tpu.wait_dma2 semaphore(%run_scoped3A : memref<!tpu.dma_semaphore, #tpu.memory_space<semaphore_mem>>) src(%dma_wait3A_73 : memref<72x128xf32, #tpu.memory_space<vmem>>) dst(%dma_wait3A_70 : memref<72x128xf32, #tpu.memory_space<vmem_shared>>)
      tpu.yield
    }) : () -> ()
    "tpu.region"() ({
      %run_scoped3A = tpu.sem_alloc : memref<!tpu.dma_semaphore, #tpu.memory_space<semaphore_mem>>
      %dma_start3A_55 = arith.constant 0 : i32
      %dma_start3A_56 = arith.constant 0 : i32
      %dma_start3A_57 = tpu.memref_slice %arg3[%arg1, %dma_start3A_55, %dma_start3A_56] : memref<16x158x128xi32, #tpu.memory_space<hbm>> -> memref<1x158x128xi32, #tpu.memory_space<hbm>>
      %dma_start3A_58 = tpu.memref_squeeze %dma_start3A_57 : memref<1x158x128xi32, #tpu.memory_space<hbm>> -> memref<158x128xi32, #tpu.memory_space<hbm>>
      %dma_start3A_59 = arith.constant 0 : i32
      %dma_start3A_60 = arith.constant 0 : i32
      %dma_start3A_61 = tpu.memref_slice %arg3[%arg1, %dma_start3A_59, %dma_start3A_60] : memref<16x158x128xi32, #tpu.memory_space<hbm>> -> memref<1x158x128xi32, #tpu.memory_space<hbm>>
      %dma_start3A_62 = tpu.memref_squeeze %dma_start3A_61 : memref<1x158x128xi32, #tpu.memory_space<hbm>> -> memref<158x128xi32, #tpu.memory_space<hbm>>
      tpu.enqueue_dma source(%dma_start3A_62 : memref<158x128xi32, #tpu.memory_space<hbm>>) target(%arg6 : memref<158x128xi32, #tpu.memory_space<vmem>>) target_semaphore(%run_scoped3A : memref<!tpu.dma_semaphore, #tpu.memory_space<semaphore_mem>>)
      %dma_wait3A = arith.constant 0 : i32
      %dma_wait3A_63 = arith.constant 0 : i32
      %dma_wait3A_64 = tpu.memref_slice %arg3[%arg1, %dma_wait3A, %dma_wait3A_63] : memref<16x158x128xi32, #tpu.memory_space<hbm>> -> memref<1x158x128xi32, #tpu.memory_space<hbm>>
      %dma_wait3A_65 = tpu.memref_squeeze %dma_wait3A_64 : memref<1x158x128xi32, #tpu.memory_space<hbm>> -> memref<158x128xi32, #tpu.memory_space<hbm>>
      %dma_wait3A_66 = arith.constant 0 : i32
      %dma_wait3A_67 = arith.constant 0 : i32
      %dma_wait3A_68 = tpu.memref_slice %arg3[%arg1, %dma_wait3A_66, %dma_wait3A_67] : memref<16x158x128xi32, #tpu.memory_space<hbm>> -> memref<1x158x128xi32, #tpu.memory_space<hbm>>
      %dma_wait3A_69 = tpu.memref_squeeze %dma_wait3A_68 : memref<1x158x128xi32, #tpu.memory_space<hbm>> -> memref<158x128xi32, #tpu.memory_space<hbm>>
      tpu.wait_dma2 semaphore(%run_scoped3A : memref<!tpu.dma_semaphore, #tpu.memory_space<semaphore_mem>>) src(%dma_wait3A_69 : memref<158x128xi32, #tpu.memory_space<hbm>>) dst(%arg6 : memref<158x128xi32, #tpu.memory_space<vmem>>)
      tpu.yield
    }) : () -> ()
    "tpu.region"() ({
      %run_scoped3A = tpu.sem_alloc : memref<!tpu.dma_semaphore, #tpu.memory_space<semaphore_mem>>
      %dma_start3A_55 = arith.constant 0 : i32
      %dma_start3A_56 = arith.constant 0 : i32
      %dma_start3A_57 = tpu.memref_slice %arg4[%arg1, %dma_start3A_55, %dma_start3A_56] : memref<16x158x128xi32, #tpu.memory_space<hbm>> -> memref<1x158x128xi32, #tpu.memory_space<hbm>>
      %dma_start3A_58 = tpu.memref_squeeze %dma_start3A_57 : memref<1x158x128xi32, #tpu.memory_space<hbm>> -> memref<158x128xi32, #tpu.memory_space<hbm>>
      %dma_start3A_59 = arith.constant 0 : i32
      %dma_start3A_60 = arith.constant 0 : i32
      %dma_start3A_61 = tpu.memref_slice %arg4[%arg1, %dma_start3A_59, %dma_start3A_60] : memref<16x158x128xi32, #tpu.memory_space<hbm>> -> memref<1x158x128xi32, #tpu.memory_space<hbm>>
      %dma_start3A_62 = tpu.memref_squeeze %dma_start3A_61 : memref<1x158x128xi32, #tpu.memory_space<hbm>> -> memref<158x128xi32, #tpu.memory_space<hbm>>
      tpu.enqueue_dma source(%dma_start3A_62 : memref<158x128xi32, #tpu.memory_space<hbm>>) target(%arg7 : memref<158x128xi32, #tpu.memory_space<vmem>>) target_semaphore(%run_scoped3A : memref<!tpu.dma_semaphore, #tpu.memory_space<semaphore_mem>>)
      %dma_wait3A = arith.constant 0 : i32
      %dma_wait3A_63 = arith.constant 0 : i32
      %dma_wait3A_64 = tpu.memref_slice %arg4[%arg1, %dma_wait3A, %dma_wait3A_63] : memref<16x158x128xi32, #tpu.memory_space<hbm>> -> memref<1x158x128xi32, #tpu.memory_space<hbm>>
      %dma_wait3A_65 = tpu.memref_squeeze %dma_wait3A_64 : memref<1x158x128xi32, #tpu.memory_space<hbm>> -> memref<158x128xi32, #tpu.memory_space<hbm>>
      %dma_wait3A_66 = arith.constant 0 : i32
      %dma_wait3A_67 = arith.constant 0 : i32
      %dma_wait3A_68 = tpu.memref_slice %arg4[%arg1, %dma_wait3A_66, %dma_wait3A_67] : memref<16x158x128xi32, #tpu.memory_space<hbm>> -> memref<1x158x128xi32, #tpu.memory_space<hbm>>
      %dma_wait3A_69 = tpu.memref_squeeze %dma_wait3A_68 : memref<1x158x128xi32, #tpu.memory_space<hbm>> -> memref<158x128xi32, #tpu.memory_space<hbm>>
      tpu.wait_dma2 semaphore(%run_scoped3A : memref<!tpu.dma_semaphore, #tpu.memory_space<semaphore_mem>>) src(%dma_wait3A_69 : memref<158x128xi32, #tpu.memory_space<hbm>>) dst(%arg7 : memref<158x128xi32, #tpu.memory_space<vmem>>)
      tpu.yield
    }) : () -> ()
    %broadcast_in_dim3A = arith.constant 5120 : i32
    %broadcast_in_dim3A_8 = vector.broadcast %broadcast_in_dim3A : i32 to vector<16xi32>
    %mul3A_9 = vector.broadcast %arg0 : i32 to vector<16xi32>
    %mul3A_10 = arith.muli %broadcast_in_dim3A_8, %mul3A_9 : vector<16xi32>
    %broadcast_in_dim3A_11 = arith.constant 0 : i32
    %broadcast_in_dim3A_12 = vector.broadcast %broadcast_in_dim3A_11 : i32 to vector<16xi32>
    %broadcast_in_dim3A_13 = arith.constant 5120 : i32
    %broadcast_in_dim3A_14 = vector.broadcast %broadcast_in_dim3A_13 : i32 to vector<16xi32>
    %scan3A_15 = arith.constant 0 : i32
    %scan3A_16 = arith.constant 158 : i32
    %scan3A_17 = arith.addi %scan3A_15, %scan3A_16 : i32
    %scan3A_18 = arith.constant 1 : i32
    scf.for %scan3A_55 = %scan3A_15 to %scan3A_17 step %scan3A_18  : i32 {
      %mul3A_56 = arith.constant 1 : i32
      %mul3A_57 = arith.muli %scan3A_55, %mul3A_56 : i32
      %add3A_58 = arith.constant 0 : i32
      %add3A_59 = arith.addi %add3A_58, %mul3A_57 : i32
      %get3A = arith.index_cast %add3A_59 : i32 to index
      %get3A_60 = arith.constant 0 : index
      %get3A_61 = tpu.vector_load %arg7[%get3A, %get3A_60] {strides = array<i32>} : memref<158x128xi32, #tpu.memory_space<vmem>>, vector<1x16xi32>,
      %get3A_62 = vector.shape_cast %get3A_61 : vector<1x16xi32> to vector<16xi32>
      %sub3A = arith.subi %get3A_62, %mul3A_10 : vector<16xi32>
      %ge3A = arith.cmpi sge, %sub3A, %broadcast_in_dim3A_12 : vector<16xi32>
      %lt3A = arith.cmpi slt, %sub3A, %broadcast_in_dim3A_14 : vector<16xi32>
      %and3A = arith.andi %ge3A, %lt3A : vector<16xi1>
      %select_n3A = arith.select %and3A, %sub3A, %broadcast_in_dim3A_14 : vector<16xi1>, vector<16xi32>
      %swap3A = arith.index_cast %add3A_59 : i32 to index
      %swap3A_63 = arith.constant 0 : index
      %swap3A_64 = tpu.vector_load %arg7[%swap3A, %swap3A_63] {strides = array<i32>} : memref<158x128xi32, #tpu.memory_space<vmem>>, vector<1x16xi32>,
      %swap3A_65 = vector.shape_cast %swap3A_64 : vector<1x16xi32> to vector<16xi32>
      %swap3A_66 = vector.shape_cast %select_n3A : vector<16xi32> to vector<1x16xi32>
      tpu.vector_store %arg7[%swap3A, %swap3A_63], %swap3A_66 {strides = array<i32>} : memref<158x128xi32, #tpu.memory_space<vmem>>, vector<1x16xi32>,
      %get3A_67 = arith.index_cast %add3A_59 : i32 to index
      %get3A_68 = arith.constant 16 : index
      %get3A_69 = tpu.vector_load %arg7[%get3A_67, %get3A_68] {strides = array<i32>} : memref<158x128xi32, #tpu.memory_space<vmem>>, vector<1x16xi32>,
      %get3A_70 = vector.shape_cast %get3A_69 : vector<1x16xi32> to vector<16xi32>
      %sub3A_71 = arith.subi %get3A_70, %mul3A_10 : vector<16xi32>
      %ge3A_72 = arith.cmpi sge, %sub3A_71, %broadcast_in_dim3A_12 : vector<16xi32>
      %lt3A_73 = arith.cmpi slt, %sub3A_71, %broadcast_in_dim3A_14 : vector<16xi32>
      %and3A_74 = arith.andi %ge3A_72, %lt3A_73 : vector<16xi1>
      %select_n3A_75 = arith.select %and3A_74, %sub3A_71, %broadcast_in_dim3A_14 : vector<16xi1>, vector<16xi32>
      %swap3A_76 = arith.index_cast %add3A_59 : i32 to index
      %swap3A_77 = arith.constant 16 : index
      %swap3A_78 = tpu.vector_load %arg7[%swap3A_76, %swap3A_77] {strides = array<i32>} : memref<158x128xi32, #tpu.memory_space<vmem>>, vector<1x16xi32>,
      %swap3A_79 = vector.shape_cast %swap3A_78 : vector<1x16xi32> to vector<16xi32>
      %swap3A_80 = vector.shape_cast %select_n3A_75 : vector<16xi32> to vector<1x16xi32>
      tpu.vector_store %arg7[%swap3A_76, %swap3A_77], %swap3A_80 {strides = array<i32>} : memref<158x128xi32, #tpu.memory_space<vmem>>, vector<1x16xi32>,
      %get3A_81 = arith.index_cast %add3A_59 : i32 to index
      %get3A_82 = arith.constant 32 : index
      %get3A_83 = tpu.vector_load %arg7[%get3A_81, %get3A_82] {strides = array<i32>} : memref<158x128xi32, #tpu.memory_space<vmem>>, vector<1x16xi32>,
      %get3A_84 = vector.shape_cast %get3A_83 : vector<1x16xi32> to vector<16xi32>
      %sub3A_85 = arith.subi %get3A_84, %mul3A_10 : vector<16xi32>
      %ge3A_86 = arith.cmpi sge, %sub3A_85, %broadcast_in_dim3A_12 : vector<16xi32>
      %lt3A_87 = arith.cmpi slt, %sub3A_85, %broadcast_in_dim3A_14 : vector<16xi32>
      %and3A_88 = arith.andi %ge3A_86, %lt3A_87 : vector<16xi1>
      %select_n3A_89 = arith.select %and3A_88, %sub3A_85, %broadcast_in_dim3A_14 : vector<16xi1>, vector<16xi32>
      %swap3A_90 = arith.index_cast %add3A_59 : i32 to index
      %swap3A_91 = arith.constant 32 : index
      %swap3A_92 = tpu.vector_load %arg7[%swap3A_90, %swap3A_91] {strides = array<i32>} : memref<158x128xi32, #tpu.memory_space<vmem>>, vector<1x16xi32>,
      %swap3A_93 = vector.shape_cast %swap3A_92 : vector<1x16xi32> to vector<16xi32>
      %swap3A_94 = vector.shape_cast %select_n3A_89 : vector<16xi32> to vector<1x16xi32>
      tpu.vector_store %arg7[%swap3A_90, %swap3A_91], %swap3A_94 {strides = array<i32>} : memref<158x128xi32, #tpu.memory_space<vmem>>, vector<1x16xi32>,
      %get3A_95 = arith.index_cast %add3A_59 : i32 to index
      %get3A_96 = arith.constant 48 : index
      %get3A_97 = tpu.vector_load %arg7[%get3A_95, %get3A_96] {strides = array<i32>} : memref<158x128xi32, #tpu.memory_space<vmem>>, vector<1x16xi32>,
      %get3A_98 = vector.shape_cast %get3A_97 : vector<1x16xi32> to vector<16xi32>
      %sub3A_99 = arith.subi %get3A_98, %mul3A_10 : vector<16xi32>
      %ge3A_100 = arith.cmpi sge, %sub3A_99, %broadcast_in_dim3A_12 : vector<16xi32>
      %lt3A_101 = arith.cmpi slt, %sub3A_99, %broadcast_in_dim3A_14 : vector<16xi32>
      %and3A_102 = arith.andi %ge3A_100, %lt3A_101 : vector<16xi1>
      %select_n3A_103 = arith.select %and3A_102, %sub3A_99, %broadcast_in_dim3A_14 : vector<16xi1>, vector<16xi32>
      %swap3A_104 = arith.index_cast %add3A_59 : i32 to index
      %swap3A_105 = arith.constant 48 : index
      %swap3A_106 = tpu.vector_load %arg7[%swap3A_104, %swap3A_105] {strides = array<i32>} : memref<158x128xi32, #tpu.memory_space<vmem>>, vector<1x16xi32>,
      %swap3A_107 = vector.shape_cast %swap3A_106 : vector<1x16xi32> to vector<16xi32>
      %swap3A_108 = vector.shape_cast %select_n3A_103 : vector<16xi32> to vector<1x16xi32>
      tpu.vector_store %arg7[%swap3A_104, %swap3A_105], %swap3A_108 {strides = array<i32>} : memref<158x128xi32, #tpu.memory_space<vmem>>, vector<1x16xi32>,
      %get3A_109 = arith.index_cast %add3A_59 : i32 to index
      %get3A_110 = arith.constant 64 : index
      %get3A_111 = tpu.vector_load %arg7[%get3A_109, %get3A_110] {strides = array<i32>} : memref<158x128xi32, #tpu.memory_space<vmem>>, vector<1x16xi32>,
      %get3A_112 = vector.shape_cast %get3A_111 : vector<1x16xi32> to vector<16xi32>
      %sub3A_113 = arith.subi %get3A_112, %mul3A_10 : vector<16xi32>
      %ge3A_114 = arith.cmpi sge, %sub3A_113, %broadcast_in_dim3A_12 : vector<16xi32>
      %lt3A_115 = arith.cmpi slt, %sub3A_113, %broadcast_in_dim3A_14 : vector<16xi32>
      %and3A_116 = arith.andi %ge3A_114, %lt3A_115 : vector<16xi1>
      %select_n3A_117 = arith.select %and3A_116, %sub3A_113, %broadcast_in_dim3A_14 : vector<16xi1>, vector<16xi32>
      %swap3A_118 = arith.index_cast %add3A_59 : i32 to index
      %swap3A_119 = arith.constant 64 : index
      %swap3A_120 = tpu.vector_load %arg7[%swap3A_118, %swap3A_119] {strides = array<i32>} : memref<158x128xi32, #tpu.memory_space<vmem>>, vector<1x16xi32>,
      %swap3A_121 = vector.shape_cast %swap3A_120 : vector<1x16xi32> to vector<16xi32>
      %swap3A_122 = vector.shape_cast %select_n3A_117 : vector<16xi32> to vector<1x16xi32>
      tpu.vector_store %arg7[%swap3A_118, %swap3A_119], %swap3A_122 {strides = array<i32>} : memref<158x128xi32, #tpu.memory_space<vmem>>, vector<1x16xi32>,
      %get3A_123 = arith.index_cast %add3A_59 : i32 to index
      %get3A_124 = arith.constant 80 : index
      %get3A_125 = tpu.vector_load %arg7[%get3A_123, %get3A_124] {strides = array<i32>} : memref<158x128xi32, #tpu.memory_space<vmem>>, vector<1x16xi32>,
      %get3A_126 = vector.shape_cast %get3A_125 : vector<1x16xi32> to vector<16xi32>
      %sub3A_127 = arith.subi %get3A_126, %mul3A_10 : vector<16xi32>
      %ge3A_128 = arith.cmpi sge, %sub3A_127, %broadcast_in_dim3A_12 : vector<16xi32>
      %lt3A_129 = arith.cmpi slt, %sub3A_127, %broadcast_in_dim3A_14 : vector<16xi32>
      %and3A_130 = arith.andi %ge3A_128, %lt3A_129 : vector<16xi1>
      %select_n3A_131 = arith.select %and3A_130, %sub3A_127, %broadcast_in_dim3A_14 : vector<16xi1>, vector<16xi32>
      %swap3A_132 = arith.index_cast %add3A_59 : i32 to index
      %swap3A_133 = arith.constant 80 : index
      %swap3A_134 = tpu.vector_load %arg7[%swap3A_132, %swap3A_133] {strides = array<i32>} : memref<158x128xi32, #tpu.memory_space<vmem>>, vector<1x16xi32>,
      %swap3A_135 = vector.shape_cast %swap3A_134 : vector<1x16xi32> to vector<16xi32>
      %swap3A_136 = vector.shape_cast %select_n3A_131 : vector<16xi32> to vector<1x16xi32>
      tpu.vector_store %arg7[%swap3A_132, %swap3A_133], %swap3A_136 {strides = array<i32>} : memref<158x128xi32, #tpu.memory_space<vmem>>, vector<1x16xi32>,
      %get3A_137 = arith.index_cast %add3A_59 : i32 to index
      %get3A_138 = arith.constant 96 : index
      %get3A_139 = tpu.vector_load %arg7[%get3A_137, %get3A_138] {strides = array<i32>} : memref<158x128xi32, #tpu.memory_space<vmem>>, vector<1x16xi32>,
      %get3A_140 = vector.shape_cast %get3A_139 : vector<1x16xi32> to vector<16xi32>
      %sub3A_141 = arith.subi %get3A_140, %mul3A_10 : vector<16xi32>
      %ge3A_142 = arith.cmpi sge, %sub3A_141, %broadcast_in_dim3A_12 : vector<16xi32>
      %lt3A_143 = arith.cmpi slt, %sub3A_141, %broadcast_in_dim3A_14 : vector<16xi32>
      %and3A_144 = arith.andi %ge3A_142, %lt3A_143 : vector<16xi1>
      %select_n3A_145 = arith.select %and3A_144, %sub3A_141, %broadcast_in_dim3A_14 : vector<16xi1>, vector<16xi32>
      %swap3A_146 = arith.index_cast %add3A_59 : i32 to index
      %swap3A_147 = arith.constant 96 : index
      %swap3A_148 = tpu.vector_load %arg7[%swap3A_146, %swap3A_147] {strides = array<i32>} : memref<158x128xi32, #tpu.memory_space<vmem>>, vector<1x16xi32>,
      %swap3A_149 = vector.shape_cast %swap3A_148 : vector<1x16xi32> to vector<16xi32>
      %swap3A_150 = vector.shape_cast %select_n3A_145 : vector<16xi32> to vector<1x16xi32>
      tpu.vector_store %arg7[%swap3A_146, %swap3A_147], %swap3A_150 {strides = array<i32>} : memref<158x128xi32, #tpu.memory_space<vmem>>, vector<1x16xi32>,
      %get3A_151 = arith.index_cast %add3A_59 : i32 to index
      %get3A_152 = arith.constant 112 : index
      %get3A_153 = tpu.vector_load %arg7[%get3A_151, %get3A_152] {strides = array<i32>} : memref<158x128xi32, #tpu.memory_space<vmem>>, vector<1x16xi32>,
      %get3A_154 = vector.shape_cast %get3A_153 : vector<1x16xi32> to vector<16xi32>
      %sub3A_155 = arith.subi %get3A_154, %mul3A_10 : vector<16xi32>
      %ge3A_156 = arith.cmpi sge, %sub3A_155, %broadcast_in_dim3A_12 : vector<16xi32>
      %lt3A_157 = arith.cmpi slt, %sub3A_155, %broadcast_in_dim3A_14 : vector<16xi32>
      %and3A_158 = arith.andi %ge3A_156, %lt3A_157 : vector<16xi1>
      %select_n3A_159 = arith.select %and3A_158, %sub3A_155, %broadcast_in_dim3A_14 : vector<16xi1>, vector<16xi32>
      %swap3A_160 = arith.index_cast %add3A_59 : i32 to index
      %swap3A_161 = arith.constant 112 : index
      %swap3A_162 = tpu.vector_load %arg7[%swap3A_160, %swap3A_161] {strides = array<i32>} : memref<158x128xi32, #tpu.memory_space<vmem>>, vector<1x16xi32>,
      %swap3A_163 = vector.shape_cast %swap3A_162 : vector<1x16xi32> to vector<16xi32>
      %swap3A_164 = vector.shape_cast %select_n3A_159 : vector<16xi32> to vector<1x16xi32>
      tpu.vector_store %arg7[%swap3A_160, %swap3A_161], %swap3A_164 {strides = array<i32>} : memref<158x128xi32, #tpu.memory_space<vmem>>, vector<1x16xi32>,
    }
    %scan3A_19 = arith.constant 158 : i32
    %barrier3A = arith.constant 0 : index
    tpu.barrier barrier_id(%barrier3A)
    %dma_start3A = arith.constant 0 : i32
    %dma_start3A_20 = arith.constant 0 : i32
    %dma_start3A_21 = tpu.memref_slice %arg6[%dma_start3A, %dma_start3A_20] : memref<158x128xi32, #tpu.memory_space<vmem>> -> memref<1x128xi32, #tpu.memory_space<vmem>>
    %dma_start3A_22 = tpu.memref_squeeze %dma_start3A_21 : memref<1x128xi32, #tpu.memory_space<vmem>> -> memref<128xi32, #tpu.memory_space<vmem>>
    %dma_start3A_23 = arith.constant 0 : i32
    %dma_start3A_24 = arith.constant 0 : i32
    %dma_start3A_25 = tpu.memref_slice %arg2[%dma_start3A_23, %dma_start3A_24] : memref<10000x128xf32, #tpu.memory_space<hbm>> -> memref<10000x128xf32, #tpu.memory_space<hbm>>
    tpu.enqueue_indirect_dma source(%dma_start3A_25 : memref<10000x128xf32, #tpu.memory_space<hbm>>) target(%arg8 : memref<128x128xf32, #tpu.memory_space<vmem>>) offsets(%dma_start3A_22 : memref<128xi32, #tpu.memory_space<vmem>>) semaphore(%arg11 : memref<!tpu.dma_semaphore, #tpu.memory_space<semaphore_mem>>)
    %scan3A_26 = arith.constant 0 : i32
    %scan3A_27 = arith.constant 79 : i32
    %scan3A_28 = arith.addi %scan3A_26, %scan3A_27 : i32
    %scan3A_29 = arith.constant 1 : i32
    scf.for %scan3A_55 = %scan3A_26 to %scan3A_28 step %scan3A_29  : i32 {
      %mul3A_56 = arith.constant 2 : i32
      %mul3A_57 = arith.muli %scan3A_55, %mul3A_56 : i32
      %add3A_58 = arith.constant 0 : i32
      %add3A_59 = arith.addi %add3A_58, %mul3A_57 : i32
      %dma_wait3A = arith.constant 0 : i32
      %dma_wait3A_60 = tpu.memref_slice %arg6[%add3A_59, %dma_wait3A] : memref<158x128xi32, #tpu.memory_space<vmem>> -> memref<1x128xi32, #tpu.memory_space<vmem>>
      %dma_wait3A_61 = tpu.memref_squeeze %dma_wait3A_60 : memref<1x128xi32, #tpu.memory_space<vmem>> -> memref<128xi32, #tpu.memory_space<vmem>>
      %dma_wait3A_62 = arith.constant 0 : i32
      %dma_wait3A_63 = arith.constant 0 : i32
      %dma_wait3A_64 = tpu.memref_slice %arg2[%dma_wait3A_62, %dma_wait3A_63] : memref<10000x128xf32, #tpu.memory_space<hbm>> -> memref<10000x128xf32, #tpu.memory_space<hbm>>
      tpu.wait_indirect_dma semaphore(%arg11 : memref<!tpu.dma_semaphore, #tpu.memory_space<semaphore_mem>>) src(%dma_wait3A_64 : memref<10000x128xf32, #tpu.memory_space<hbm>>) dst(%arg8 : memref<128x128xf32, #tpu.memory_space<vmem>>)
      %add3A_65 = arith.constant 1 : i32
      %add3A_66 = arith.addi %add3A_59, %add3A_65 : i32
      %dma_start3A_67 = arith.constant 0 : i32
      %dma_start3A_68 = tpu.memref_slice %arg6[%add3A_66, %dma_start3A_67] : memref<158x128xi32, #tpu.memory_space<vmem>> -> memref<1x128xi32, #tpu.memory_space<vmem>>
      %dma_start3A_69 = tpu.memref_squeeze %dma_start3A_68 : memref<1x128xi32, #tpu.memory_space<vmem>> -> memref<128xi32, #tpu.memory_space<vmem>>
      %dma_start3A_70 = arith.constant 0 : i32
      %dma_start3A_71 = arith.constant 0 : i32
      %dma_start3A_72 = tpu.memref_slice %arg2[%dma_start3A_70, %dma_start3A_71] : memref<10000x128xf32, #tpu.memory_space<hbm>> -> memref<10000x128xf32, #tpu.memory_space<hbm>>
      tpu.enqueue_indirect_dma source(%dma_start3A_72 : memref<10000x128xf32, #tpu.memory_space<hbm>>) target(%arg9 : memref<128x128xf32, #tpu.memory_space<vmem>>) offsets(%dma_start3A_69 : memref<128xi32, #tpu.memory_space<vmem>>) semaphore(%arg12 : memref<!tpu.dma_semaphore, #tpu.memory_space<semaphore_mem>>)
      "tpu.region"() ({
        %run_scoped3A = tpu.sem_alloc : memref<!tpu.dma_semaphore, #tpu.memory_space<semaphore_mem>>
        %dma_start3A_87 = arith.constant 0 : i32
        %dma_start3A_88 = tpu.memref_slice %arg7[%add3A_59, %dma_start3A_87] : memref<158x128xi32, #tpu.memory_space<vmem>> -> memref<1x128xi32, #tpu.memory_space<vmem>>
        %dma_start3A_89 = tpu.memref_squeeze %dma_start3A_88 : memref<1x128xi32, #tpu.memory_space<vmem>> -> memref<128xi32, #tpu.memory_space<vmem>>
        %dma_start3A_90 = arith.constant 0 : i32
        %dma_start3A_91 = arith.constant 0 : i32
        %dma_start3A_92 = tpu.memref_slice %arg10[%dma_start3A_90, %dma_start3A_91] : memref<5248x128xf32, #tpu.memory_space<vmem_shared>> -> memref<5248x128xf32, #tpu.memory_space<vmem_shared>>
        tpu.enqueue_indirect_dma source(%arg8 : memref<128x128xf32, #tpu.memory_space<vmem>>) target(%dma_start3A_92 : memref<5248x128xf32, #tpu.memory_space<vmem_shared>>) offsets(%dma_start3A_89 : memref<128xi32, #tpu.memory_space<vmem>>) semaphore(%run_scoped3A : memref<!tpu.dma_semaphore, #tpu.memory_space<semaphore_mem>>) {add = true}
        %dma_wait3A_93 = arith.constant 0 : i32
        %dma_wait3A_94 = tpu.memref_slice %arg7[%add3A_59, %dma_wait3A_93] : memref<158x128xi32, #tpu.memory_space<vmem>> -> memref<1x128xi32, #tpu.memory_space<vmem>>
        %dma_wait3A_95 = tpu.memref_squeeze %dma_wait3A_94 : memref<1x128xi32, #tpu.memory_space<vmem>> -> memref<128xi32, #tpu.memory_space<vmem>>
        %dma_wait3A_96 = arith.constant 0 : i32
        %dma_wait3A_97 = arith.constant 0 : i32
        %dma_wait3A_98 = tpu.memref_slice %arg10[%dma_wait3A_96, %dma_wait3A_97] : memref<5248x128xf32, #tpu.memory_space<vmem_shared>> -> memref<5248x128xf32, #tpu.memory_space<vmem_shared>>
        tpu.wait_indirect_dma semaphore(%run_scoped3A : memref<!tpu.dma_semaphore, #tpu.memory_space<semaphore_mem>>) src(%arg8 : memref<128x128xf32, #tpu.memory_space<vmem>>) dst(%dma_wait3A_98 : memref<5248x128xf32, #tpu.memory_space<vmem_shared>>)
        tpu.yield
      }) : () -> ()
      %add3A_73 = arith.constant 1 : i32
      %add3A_74 = arith.addi %add3A_59, %add3A_73 : i32
      %dma_wait3A_75 = arith.constant 0 : i32
      %dma_wait3A_76 = tpu.memref_slice %arg6[%add3A_74, %dma_wait3A_75] : memref<158x128xi32, #tpu.memory_space<vmem>> -> memref<1x128xi32, #tpu.memory_space<vmem>>
      %dma_wait3A_77 = tpu.memref_squeeze %dma_wait3A_76 : memref<1x128xi32, #tpu.memory_space<vmem>> -> memref<128xi32, #tpu.memory_space<vmem>>
      %dma_wait3A_78 = arith.constant 0 : i32
      %dma_wait3A_79 = arith.constant 0 : i32
      %dma_wait3A_80 = tpu.memref_slice %arg2[%dma_wait3A_78, %dma_wait3A_79] : memref<10000x128xf32, #tpu.memory_space<hbm>> -> memref<10000x128xf32, #tpu.memory_space<hbm>>
      tpu.wait_indirect_dma semaphore(%arg12 : memref<!tpu.dma_semaphore, #tpu.memory_space<semaphore_mem>>) src(%dma_wait3A_80 : memref<10000x128xf32, #tpu.memory_space<hbm>>) dst(%arg9 : memref<128x128xf32, #tpu.memory_space<vmem>>)
      %add3A_81 = arith.constant 2 : i32
      %add3A_82 = arith.addi %add3A_59, %add3A_81 : i32
      %lt3A = arith.constant 158 : i32
      %lt3A_83 = arith.cmpi slt, %add3A_82, %lt3A : i32
      %convert_element_type3A = arith.extui %lt3A_83 : i1 to i32
      %cond3A = arith.constant 0 : i32
      %cond3A_84 = arith.cmpi ne, %convert_element_type3A, %cond3A : i32
      scf.if %cond3A_84 {
        %add3A_87 = arith.constant 2 : i32
        %add3A_88 = arith.addi %add3A_59, %add3A_87 : i32
        %dma_start3A_89 = arith.constant 0 : i32
        %dma_start3A_90 = tpu.memref_slice %arg6[%add3A_88, %dma_start3A_89] : memref<158x128xi32, #tpu.memory_space<vmem>> -> memref<1x128xi32, #tpu.memory_space<vmem>>
        %dma_start3A_91 = tpu.memref_squeeze %dma_start3A_90 : memref<1x128xi32, #tpu.memory_space<vmem>> -> memref<128xi32, #tpu.memory_space<vmem>>
        %dma_start3A_92 = arith.constant 0 : i32
        %dma_start3A_93 = arith.constant 0 : i32
        %dma_start3A_94 = tpu.memref_slice %arg2[%dma_start3A_92, %dma_start3A_93] : memref<10000x128xf32, #tpu.memory_space<hbm>> -> memref<10000x128xf32, #tpu.memory_space<hbm>>
        tpu.enqueue_indirect_dma source(%dma_start3A_94 : memref<10000x128xf32, #tpu.memory_space<hbm>>) target(%arg8 : memref<128x128xf32, #tpu.memory_space<vmem>>) offsets(%dma_start3A_91 : memref<128xi32, #tpu.memory_space<vmem>>) semaphore(%arg11 : memref<!tpu.dma_semaphore, #tpu.memory_space<semaphore_mem>>)
      } else {
      }
      %add3A_85 = arith.constant 1 : i32
      %add3A_86 = arith.addi %add3A_59, %add3A_85 : i32
      "tpu.region"() ({
        %run_scoped3A = tpu.sem_alloc : memref<!tpu.dma_semaphore, #tpu.memory_space<semaphore_mem>>
        %dma_start3A_87 = arith.constant 0 : i32
        %dma_start3A_88 = tpu.memref_slice %arg7[%add3A_86, %dma_start3A_87] : memref<158x128xi32, #tpu.memory_space<vmem>> -> memref<1x128xi32, #tpu.memory_space<vmem>>
        %dma_start3A_89 = tpu.memref_squeeze %dma_start3A_88 : memref<1x128xi32, #tpu.memory_space<vmem>> -> memref<128xi32, #tpu.memory_space<vmem>>
        %dma_start3A_90 = arith.constant 0 : i32
        %dma_start3A_91 = arith.constant 0 : i32
        %dma_start3A_92 = tpu.memref_slice %arg10[%dma_start3A_90, %dma_start3A_91] : memref<5248x128xf32, #tpu.memory_space<vmem_shared>> -> memref<5248x128xf32, #tpu.memory_space<vmem_shared>>
        tpu.enqueue_indirect_dma source(%arg9 : memref<128x128xf32, #tpu.memory_space<vmem>>) target(%dma_start3A_92 : memref<5248x128xf32, #tpu.memory_space<vmem_shared>>) offsets(%dma_start3A_89 : memref<128xi32, #tpu.memory_space<vmem>>) semaphore(%run_scoped3A : memref<!tpu.dma_semaphore, #tpu.memory_space<semaphore_mem>>) {add = true}
        %dma_wait3A_93 = arith.constant 0 : i32
        %dma_wait3A_94 = tpu.memref_slice %arg7[%add3A_86, %dma_wait3A_93] : memref<158x128xi32, #tpu.memory_space<vmem>> -> memref<1x128xi32, #tpu.memory_space<vmem>>
        %dma_wait3A_95 = tpu.memref_squeeze %dma_wait3A_94 : memref<1x128xi32, #tpu.memory_space<vmem>> -> memref<128xi32, #tpu.memory_space<vmem>>
        %dma_wait3A_96 = arith.constant 0 : i32
        %dma_wait3A_97 = arith.constant 0 : i32
        %dma_wait3A_98 = tpu.memref_slice %arg10[%dma_wait3A_96, %dma_wait3A_97] : memref<5248x128xf32, #tpu.memory_space<vmem_shared>> -> memref<5248x128xf32, #tpu.memory_space<vmem_shared>>
        tpu.wait_indirect_dma semaphore(%run_scoped3A : memref<!tpu.dma_semaphore, #tpu.memory_space<semaphore_mem>>) src(%arg9 : memref<128x128xf32, #tpu.memory_space<vmem>>) dst(%dma_wait3A_98 : memref<5248x128xf32, #tpu.memory_space<vmem_shared>>)
        tpu.yield
      }) : () -> ()
    }
    %scan3A_30 = arith.constant 79 : i32
    %barrier3A_31 = arith.constant 0 : index
    tpu.barrier barrier_id(%barrier3A_31)
    %mul3A_32 = arith.constant 320 : i32
    %mul3A_33 = arith.muli %arg1, %mul3A_32 : i32
    %add3A_34 = arith.constant 0 : i32
    %add3A_35 = arith.addi %mul3A_33, %add3A_34 : i32
    %mul3A_36 = arith.constant 5120 : i32
    %mul3A_37 = arith.muli %arg0, %mul3A_36 : i32
    %add3A_38 = arith.addi %mul3A_37, %mul3A_33 : i32
    %add3A_39 = arith.constant 0 : i32
    %add3A_40 = arith.addi %add3A_38, %add3A_39 : i32
    "tpu.region"() ({
      %run_scoped3A = tpu.sem_alloc : memref<!tpu.dma_semaphore, #tpu.memory_space<semaphore_mem>>
      %dma_start3A_55 = arith.constant 0 : i32
      %dma_start3A_56 = tpu.memref_slice %arg5[%add3A_40, %dma_start3A_55] : memref<10240x128xf32, #tpu.memory_space<hbm>> -> memref<128x128xf32, #tpu.memory_space<hbm>>
      %dma_start3A_57 = arith.constant 0 : i32
      %dma_start3A_58 = tpu.memref_slice %arg10[%add3A_35, %dma_start3A_57] : memref<5248x128xf32, #tpu.memory_space<vmem_shared>> -> memref<128x128xf32, #tpu.memory_space<vmem_shared>>
      tpu.enqueue_dma source(%dma_start3A_58 : memref<128x128xf32, #tpu.memory_space<vmem_shared>>) target(%dma_start3A_56 : memref<128x128xf32, #tpu.memory_space<hbm>>) target_semaphore(%run_scoped3A : memref<!tpu.dma_semaphore, #tpu.memory_space<semaphore_mem>>)
      %dma_wait3A = arith.constant 0 : i32
      %dma_wait3A_59 = tpu.memref_slice %arg5[%add3A_40, %dma_wait3A] : memref<10240x128xf32, #tpu.memory_space<hbm>> -> memref<128x128xf32, #tpu.memory_space<hbm>>
      %dma_wait3A_60 = arith.constant 0 : i32
      %dma_wait3A_61 = tpu.memref_slice %arg10[%add3A_35, %dma_wait3A_60] : memref<5248x128xf32, #tpu.memory_space<vmem_shared>> -> memref<128x128xf32, #tpu.memory_space<vmem_shared>>
      tpu.wait_dma2 semaphore(%run_scoped3A : memref<!tpu.dma_semaphore, #tpu.memory_space<semaphore_mem>>) src(%dma_wait3A_61 : memref<128x128xf32, #tpu.memory_space<vmem_shared>>) dst(%dma_wait3A_59 : memref<128x128xf32, #tpu.memory_space<hbm>>)
      tpu.yield
    }) : () -> ()
    %add3A_41 = arith.constant 128 : i32
    %add3A_42 = arith.addi %mul3A_33, %add3A_41 : i32
    %mul3A_43 = arith.constant 5120 : i32
    %mul3A_44 = arith.muli %arg0, %mul3A_43 : i32
    %add3A_45 = arith.addi %mul3A_44, %mul3A_33 : i32
    %add3A_46 = arith.constant 128 : i32
    %add3A_47 = arith.addi %add3A_45, %add3A_46 : i32
    "tpu.region"() ({
      %run_scoped3A = tpu.sem_alloc : memref<!tpu.dma_semaphore, #tpu.memory_space<semaphore_mem>>
      %dma_start3A_55 = arith.constant 0 : i32
      %dma_start3A_56 = tpu.memref_slice %arg5[%add3A_47, %dma_start3A_55] : memref<10240x128xf32, #tpu.memory_space<hbm>> -> memref<128x128xf32, #tpu.memory_space<hbm>>
      %dma_start3A_57 = arith.constant 0 : i32
      %dma_start3A_58 = tpu.memref_slice %arg10[%add3A_42, %dma_start3A_57] : memref<5248x128xf32, #tpu.memory_space<vmem_shared>> -> memref<128x128xf32, #tpu.memory_space<vmem_shared>>
      tpu.enqueue_dma source(%dma_start3A_58 : memref<128x128xf32, #tpu.memory_space<vmem_shared>>) target(%dma_start3A_56 : memref<128x128xf32, #tpu.memory_space<hbm>>) target_semaphore(%run_scoped3A : memref<!tpu.dma_semaphore, #tpu.memory_space<semaphore_mem>>)
      %dma_wait3A = arith.constant 0 : i32
      %dma_wait3A_59 = tpu.memref_slice %arg5[%add3A_47, %dma_wait3A] : memref<10240x128xf32, #tpu.memory_space<hbm>> -> memref<128x128xf32, #tpu.memory_space<hbm>>
      %dma_wait3A_60 = arith.constant 0 : i32
      %dma_wait3A_61 = tpu.memref_slice %arg10[%add3A_42, %dma_wait3A_60] : memref<5248x128xf32, #tpu.memory_space<vmem_shared>> -> memref<128x128xf32, #tpu.memory_space<vmem_shared>>
      tpu.wait_dma2 semaphore(%run_scoped3A : memref<!tpu.dma_semaphore, #tpu.memory_space<semaphore_mem>>) src(%dma_wait3A_61 : memref<128x128xf32, #tpu.memory_space<vmem_shared>>) dst(%dma_wait3A_59 : memref<128x128xf32, #tpu.memory_space<hbm>>)
      tpu.yield
    }) : () -> ()
    %add3A_48 = arith.constant 256 : i32
    %add3A_49 = arith.addi %mul3A_33, %add3A_48 : i32
    %mul3A_50 = arith.constant 5120 : i32
    %mul3A_51 = arith.muli %arg0, %mul3A_50 : i32
    %add3A_52 = arith.addi %mul3A_51, %mul3A_33 : i32
    %add3A_53 = arith.constant 256 : i32
    %add3A_54 = arith.addi %add3A_52, %add3A_53 : i32
    "tpu.region"() ({
      %run_scoped3A = tpu.sem_alloc : memref<!tpu.dma_semaphore, #tpu.memory_space<semaphore_mem>>
      %dma_start3A_55 = arith.constant 0 : i32
      %dma_start3A_56 = tpu.memref_slice %arg5[%add3A_54, %dma_start3A_55] : memref<10240x128xf32, #tpu.memory_space<hbm>> -> memref<64x128xf32, #tpu.memory_space<hbm>>
      %dma_start3A_57 = arith.constant 0 : i32
      %dma_start3A_58 = tpu.memref_slice %arg10[%add3A_49, %dma_start3A_57] : memref<5248x128xf32, #tpu.memory_space<vmem_shared>> -> memref<64x128xf32, #tpu.memory_space<vmem_shared>>
      tpu.enqueue_dma source(%dma_start3A_58 : memref<64x128xf32, #tpu.memory_space<vmem_shared>>) target(%dma_start3A_56 : memref<64x128xf32, #tpu.memory_space<hbm>>) target_semaphore(%run_scoped3A : memref<!tpu.dma_semaphore, #tpu.memory_space<semaphore_mem>>)
      %dma_wait3A = arith.constant 0 : i32
      %dma_wait3A_59 = tpu.memref_slice %arg5[%add3A_54, %dma_wait3A] : memref<10240x128xf32, #tpu.memory_space<hbm>> -> memref<64x128xf32, #tpu.memory_space<hbm>>
      %dma_wait3A_60 = arith.constant 0 : i32
      %dma_wait3A_61 = tpu.memref_slice %arg10[%add3A_49, %dma_wait3A_60] : memref<5248x128xf32, #tpu.memory_space<vmem_shared>> -> memref<64x128xf32, #tpu.memory_space<vmem_shared>>
      tpu.wait_dma2 semaphore(%run_scoped3A : memref<!tpu.dma_semaphore, #tpu.memory_space<semaphore_mem>>) src(%dma_wait3A_61 : memref<64x128xf32, #tpu.memory_space<vmem_shared>>) dst(%dma_wait3A_59 : memref<64x128xf32, #tpu.memory_space<hbm>>)
      tpu.yield
    }) : () -> ()
    return
  }
}

module attributes {stable_mosaic.version = 14 : i64} {
  func.func @_first_body(%arg0: i32, %arg1: memref<1000x128xf32, #tpu.memory_space<vmem>>, %arg2: memref<128x128xf32, #tpu.memory_space<vmem>>, %arg3: memref<1000x128xf32, #tpu.memory_space<vmem>>, %arg4: memref<1000x128xf32, #tpu.memory_space<vmem>>) attributes {dimension_semantics = [#tpu.dimension_semantics<arbitrary>], iteration_bounds = array<i64: 10>, scalar_prefetch = 0 : i64, scratch_operands = 0 : i64, tpu.core_type = #tpu.core_type<tc>, window_params = [{transform_indices = @transform_0, window_bounds = array<i64: 1000, 128>}, {pipeline_mode = #tpu.pipeline_mode<synchronous>, transform_indices = @transform_1, window_bounds = array<i64: 128, 128>}, {transform_indices = @transform_2, window_bounds = array<i64: 1000, 128>}, {transform_indices = @transform_3, window_bounds = array<i64: 1000, 128>}]} {
    %get3A = arith.constant 0 : index
    %get3A_0 = arith.constant 0 : index
    %get3A_1 = vector.load %arg3[%get3A, %get3A_0] : memref<1000x128xf32, #tpu.memory_space<vmem>>, vector<1000x128xf32>
    %slice3A = vector.extract_strided_slice %get3A_1 {offsets = [0, 0], sizes = [1000, 1], strides = [1, 1]} : vector<1000x128xf32> to vector<1000x1xf32>
    %add3A = arith.constant 1.000000e+00 : f32
    %add3A_2 = vector.broadcast %add3A : f32 to vector<1000x1xf32>
    %add3A_3 = arith.addf %add3A_2, %slice3A : vector<1000x1xf32>
    %rsqrt3A = math.rsqrt %add3A_3 : vector<1000x1xf32>
    %get3A_4 = arith.constant 0 : index
    %get3A_5 = arith.constant 0 : index
    %get3A_6 = vector.load %arg1[%get3A_4, %get3A_5] : memref<1000x128xf32, #tpu.memory_space<vmem>>, vector<1000x128xf32>
    %get3A_7 = arith.constant 0 : index
    %get3A_8 = arith.constant 0 : index
    %get3A_9 = vector.load %arg2[%get3A_7, %get3A_8] : memref<128x128xf32, #tpu.memory_space<vmem>>, vector<128x128xf32>
    %dot_general3A = arith.constant dense<0.000000e+00> : vector<1000x128xf32>
    %dot_general3A_10 = tpu.matmul %get3A_6, %get3A_9, %dot_general3A {dimension_numbers = #tpu.dot_dimension_numbers<[1], [0], [0], [1], [0, 0, 1, 1], [], []>, transpose_lhs_hint = false} : vector<1000x128xf32>, vector<128x128xf32>, vector<1000x128xf32> -> vector<1000x128xf32>
    %mul3A = vector.broadcast %rsqrt3A : vector<1000x1xf32> to vector<1000x128xf32>
    %mul3A_11 = arith.mulf %mul3A, %dot_general3A_10 : vector<1000x128xf32>
    %swap3A = arith.constant 0 : index
    %swap3A_12 = arith.constant 0 : index
    %swap3A_13 = vector.load %arg4[%swap3A, %swap3A_12] : memref<1000x128xf32, #tpu.memory_space<vmem>>, vector<1000x128xf32>
    tpu.vector_store %arg4[%swap3A, %swap3A_12], %mul3A_11 {strides = array<i32>} : memref<1000x128xf32, #tpu.memory_space<vmem>>, vector<1000x128xf32>,
    return
  }
  func.func @transform_0(%arg0: i32) -> (i32, i32) {
    %c0_i32 = arith.constant 0 : i32
    %c0_i32_0 = arith.constant 0 : i32
    return %arg0, %c0_i32 : i32, i32
  }
  func.func @transform_1(%arg0: i32) -> (i32, i32) {
    %c0_i32 = arith.constant 0 : i32
    %c0_i32_0 = arith.constant 0 : i32
    %c0_i32_1 = arith.constant 0 : i32
    return %c0_i32, %c0_i32_0 : i32, i32
  }
  func.func @transform_2(%arg0: i32) -> (i32, i32) {
    %c0_i32 = arith.constant 0 : i32
    %c0_i32_0 = arith.constant 0 : i32
    return %arg0, %c0_i32 : i32, i32
  }
  func.func @transform_3(%arg0: i32) -> (i32, i32) {
    %c0_i32 = arith.constant 0 : i32
    %c0_i32_0 = arith.constant 0 : i32
    return %arg0, %c0_i32 : i32, i32
  }
}

module attributes {stable_mosaic.version = 14 : i64} {
  func.func @_mid_body(%arg0: i32, %arg1: memref<1000x128xf32, #tpu.memory_space<vmem>>, %arg2: memref<1000x128xf32, #tpu.memory_space<vmem>>, %arg3: memref<1000x128xf32, #tpu.memory_space<vmem>>, %arg4: memref<1x128xf32, #tpu.memory_space<vmem>>, %arg5: memref<128x128xf32, #tpu.memory_space<vmem>>, %arg6: memref<1000x128xf32, #tpu.memory_space<vmem>>) attributes {dimension_semantics = [#tpu.dimension_semantics<arbitrary>], iteration_bounds = array<i64: 10>, scalar_prefetch = 0 : i64, scratch_operands = 0 : i64, tpu.core_type = #tpu.core_type<tc>, window_params = [{transform_indices = @transform_0, window_bounds = array<i64: 1000, 128>}, {transform_indices = @transform_1, window_bounds = array<i64: 1000, 128>}, {transform_indices = @transform_2, window_bounds = array<i64: 1000, 128>}, {pipeline_mode = #tpu.pipeline_mode<synchronous>, transform_indices = @transform_3, window_bounds = array<i64: 1, 128>}, {pipeline_mode = #tpu.pipeline_mode<synchronous>, transform_indices = @transform_4, window_bounds = array<i64: 128, 128>}, {transform_indices = @transform_5, window_bounds = array<i64: 1000, 128>}]} {
    %get3A = arith.constant 0 : index
    %get3A_0 = arith.constant 0 : index
    %get3A_1 = vector.load %arg3[%get3A, %get3A_0] : memref<1000x128xf32, #tpu.memory_space<vmem>>, vector<1000x128xf32>
    %slice3A = vector.extract_strided_slice %get3A_1 {offsets = [0, 0], sizes = [1000, 1], strides = [1, 1]} : vector<1000x128xf32> to vector<1000x1xf32>
    %add3A = arith.constant 1.000000e+00 : f32
    %add3A_2 = vector.broadcast %add3A : f32 to vector<1000x1xf32>
    %add3A_3 = arith.addf %add3A_2, %slice3A : vector<1000x1xf32>
    %rsqrt3A = math.rsqrt %add3A_3 : vector<1000x1xf32>
    %get3A_4 = arith.constant 0 : index
    %get3A_5 = arith.constant 0 : index
    %get3A_6 = vector.load %arg1[%get3A_4, %get3A_5] : memref<1000x128xf32, #tpu.memory_space<vmem>>, vector<1000x128xf32>
    %get3A_7 = arith.constant 0 : index
    %get3A_8 = arith.constant 0 : index
    %get3A_9 = vector.load %arg2[%get3A_7, %get3A_8] : memref<1000x128xf32, #tpu.memory_space<vmem>>, vector<1000x128xf32>
    %add3A_10 = arith.addf %get3A_6, %get3A_9 : vector<1000x128xf32>
    %mul3A = vector.broadcast %rsqrt3A : vector<1000x1xf32> to vector<1000x128xf32>
    %mul3A_11 = arith.mulf %mul3A, %add3A_10 : vector<1000x128xf32>
    %get3A_12 = arith.constant 0 : index
    %get3A_13 = arith.constant 0 : index
    %get3A_14 = vector.load %arg4[%get3A_12, %get3A_13] : memref<1x128xf32, #tpu.memory_space<vmem>>, vector<1x128xf32>
    %add3A_15 = vector.broadcast %get3A_14 : vector<1x128xf32> to vector<1000x128xf32>
    %add3A_16 = arith.addf %mul3A_11, %add3A_15 : vector<1000x128xf32>
    %max3A = arith.constant 0.000000e+00 : f32
    %max3A_17 = vector.broadcast %max3A : f32 to vector<1000x128xf32>
    %max3A_18 = arith.maximumf %add3A_16, %max3A_17 : vector<1000x128xf32>
    %get3A_19 = arith.constant 0 : index
    %get3A_20 = arith.constant 0 : index
    %get3A_21 = vector.load %arg5[%get3A_19, %get3A_20] : memref<128x128xf32, #tpu.memory_space<vmem>>, vector<128x128xf32>
    %dot_general3A = arith.constant dense<0.000000e+00> : vector<1000x128xf32>
    %dot_general3A_22 = tpu.matmul %max3A_18, %get3A_21, %dot_general3A {dimension_numbers = #tpu.dot_dimension_numbers<[1], [0], [0], [1], [0, 0, 1, 1], [], []>, transpose_lhs_hint = false} : vector<1000x128xf32>, vector<128x128xf32>, vector<1000x128xf32> -> vector<1000x128xf32>
    %mul3A_23 = vector.broadcast %rsqrt3A : vector<1000x1xf32> to vector<1000x128xf32>
    %mul3A_24 = arith.mulf %mul3A_23, %dot_general3A_22 : vector<1000x128xf32>
    %swap3A = arith.constant 0 : index
    %swap3A_25 = arith.constant 0 : index
    %swap3A_26 = vector.load %arg6[%swap3A, %swap3A_25] : memref<1000x128xf32, #tpu.memory_space<vmem>>, vector<1000x128xf32>
    tpu.vector_store %arg6[%swap3A, %swap3A_25], %mul3A_24 {strides = array<i32>} : memref<1000x128xf32, #tpu.memory_space<vmem>>, vector<1000x128xf32>,
    return
  }
  func.func @transform_0(%arg0: i32) -> (i32, i32) {
    %c0_i32 = arith.constant 0 : i32
    %c0_i32_0 = arith.constant 0 : i32
    return %arg0, %c0_i32 : i32, i32
  }
  func.func @transform_1(%arg0: i32) -> (i32, i32) {
    %c0_i32 = arith.constant 0 : i32
    %c0_i32_0 = arith.constant 0 : i32
    return %arg0, %c0_i32 : i32, i32
  }
  func.func @transform_2(%arg0: i32) -> (i32, i32) {
    %c0_i32 = arith.constant 0 : i32
    %c0_i32_0 = arith.constant 0 : i32
    return %arg0, %c0_i32 : i32, i32
  }
  func.func @transform_3(%arg0: i32) -> (i32, i32) {
    %c0_i32 = arith.constant 0 : i32
    %c0_i32_0 = arith.constant 0 : i32
    %c0_i32_1 = arith.constant 0 : i32
    return %c0_i32, %c0_i32_0 : i32, i32
  }
  func.func @transform_4(%arg0: i32) -> (i32, i32) {
    %c0_i32 = arith.constant 0 : i32
    %c0_i32_0 = arith.constant 0 : i32
    %c0_i32_1 = arith.constant 0 : i32
    return %c0_i32, %c0_i32_0 : i32, i32
  }
  func.func @transform_5(%arg0: i32) -> (i32, i32) {
    %c0_i32 = arith.constant 0 : i32
    %c0_i32_0 = arith.constant 0 : i32
    return %arg0, %c0_i32 : i32, i32
  }
}

module attributes {stable_mosaic.version = 14 : i64} {
  func.func @_final_body(%arg0: i32, %arg1: memref<1000x128xf32, #tpu.memory_space<vmem>>, %arg2: memref<1000x128xf32, #tpu.memory_space<vmem>>, %arg3: memref<1000x128xf32, #tpu.memory_space<vmem>>, %arg4: memref<1x128xf32, #tpu.memory_space<vmem>>, %arg5: memref<1000x128xf32, #tpu.memory_space<vmem>>) attributes {dimension_semantics = [#tpu.dimension_semantics<arbitrary>], iteration_bounds = array<i64: 10>, scalar_prefetch = 0 : i64, scratch_operands = 0 : i64, tpu.core_type = #tpu.core_type<tc>, window_params = [{transform_indices = @transform_0, window_bounds = array<i64: 1000, 128>}, {transform_indices = @transform_1, window_bounds = array<i64: 1000, 128>}, {transform_indices = @transform_2, window_bounds = array<i64: 1000, 128>}, {pipeline_mode = #tpu.pipeline_mode<synchronous>, transform_indices = @transform_3, window_bounds = array<i64: 1, 128>}, {transform_indices = @transform_4, window_bounds = array<i64: 1000, 128>}]} {
    %get3A = arith.constant 0 : index
    %get3A_0 = arith.constant 0 : index
    %get3A_1 = vector.load %arg3[%get3A, %get3A_0] : memref<1000x128xf32, #tpu.memory_space<vmem>>, vector<1000x128xf32>
    %slice3A = vector.extract_strided_slice %get3A_1 {offsets = [0, 0], sizes = [1000, 1], strides = [1, 1]} : vector<1000x128xf32> to vector<1000x1xf32>
    %add3A = arith.constant 1.000000e+00 : f32
    %add3A_2 = vector.broadcast %add3A : f32 to vector<1000x1xf32>
    %add3A_3 = arith.addf %add3A_2, %slice3A : vector<1000x1xf32>
    %rsqrt3A = math.rsqrt %add3A_3 : vector<1000x1xf32>
    %get3A_4 = arith.constant 0 : index
    %get3A_5 = arith.constant 0 : index
    %get3A_6 = vector.load %arg1[%get3A_4, %get3A_5] : memref<1000x128xf32, #tpu.memory_space<vmem>>, vector<1000x128xf32>
    %get3A_7 = arith.constant 0 : index
    %get3A_8 = arith.constant 0 : index
    %get3A_9 = vector.load %arg2[%get3A_7, %get3A_8] : memref<1000x128xf32, #tpu.memory_space<vmem>>, vector<1000x128xf32>
    %add3A_10 = arith.addf %get3A_6, %get3A_9 : vector<1000x128xf32>
    %mul3A = vector.broadcast %rsqrt3A : vector<1000x1xf32> to vector<1000x128xf32>
    %mul3A_11 = arith.mulf %mul3A, %add3A_10 : vector<1000x128xf32>
    %get3A_12 = arith.constant 0 : index
    %get3A_13 = arith.constant 0 : index
    %get3A_14 = vector.load %arg4[%get3A_12, %get3A_13] : memref<1x128xf32, #tpu.memory_space<vmem>>, vector<1x128xf32>
    %add3A_15 = vector.broadcast %get3A_14 : vector<1x128xf32> to vector<1000x128xf32>
    %add3A_16 = arith.addf %mul3A_11, %add3A_15 : vector<1000x128xf32>
    %swap3A = arith.constant 0 : index
    %swap3A_17 = arith.constant 0 : index
    %swap3A_18 = vector.load %arg5[%swap3A, %swap3A_17] : memref<1000x128xf32, #tpu.memory_space<vmem>>, vector<1000x128xf32>
    tpu.vector_store %arg5[%swap3A, %swap3A_17], %add3A_16 {strides = array<i32>} : memref<1000x128xf32, #tpu.memory_space<vmem>>, vector<1000x128xf32>,
    return
  }
  func.func @transform_0(%arg0: i32) -> (i32, i32) {
    %c0_i32 = arith.constant 0 : i32
    %c0_i32_0 = arith.constant 0 : i32
    return %arg0, %c0_i32 : i32, i32
  }
  func.func @transform_1(%arg0: i32) -> (i32, i32) {
    %c0_i32 = arith.constant 0 : i32
    %c0_i32_0 = arith.constant 0 : i32
    return %arg0, %c0_i32 : i32, i32
  }
  func.func @transform_2(%arg0: i32) -> (i32, i32) {
    %c0_i32 = arith.constant 0 : i32
    %c0_i32_0 = arith.constant 0 : i32
    return %arg0, %c0_i32 : i32, i32
  }
  func.func @transform_3(%arg0: i32) -> (i32, i32) {
    %c0_i32 = arith.constant 0 : i32
    %c0_i32_0 = arith.constant 0 : i32
    %c0_i32_1 = arith.constant 0 : i32
    return %c0_i32, %c0_i32_0 : i32, i32
  }
  func.func @transform_4(%arg0: i32) -> (i32, i32) {
    %c0_i32 = arith.constant 0 : i32
    %c0_i32_0 = arith.constant 0 : i32
    return %arg0, %c0_i32 : i32, i32
  }
}

</mosaic_0001>

<sc_bundles>
// kernel: kernel.10.cloned.1.call-start
scs
__scs_entry_jumppad:
0x0: {  	(pc) =	sbr.rel $0x88, $3  }
0x1: {  	(tag) =	ssettag $0x0;
	lr =	simm.s32 $0x1  }
0x2: {  	[smem:$0x3F99] =	sst lr;
	_ =	strace $0xD0000000  }
0x3: {  	_ = 	snop  }
0x4: {  	_ = 	snop  }
0x5: {  	_ = 	snop  }
0x6: {  	_ = 	snop  }
0x7: {  	_ = 	snop  }
__scs_overlays_trampoline_lowered:
0x8: {  	[smem:$0x3FA8] =	sst s0  }
0x9: {  	[smem:$0x3FA9] =	sst s1  }
0xa: {  	[smem:$0x3FAA] =	sst s2  }
0xb: {  	[smem:$0x3FAB] =	sst s3  }
0xc: {  	[smem:$0x3FAC] =	sst s4  }
0xd: {  	[smem:$0x3FAD] =	sst s5  }
0xe: {  	[smem:$0x3FAE] =	sst s6  }
0xf: {  	[smem:$0x3FAF] =	sst s7  }
0x10: {  	[smem:$0x3FB0] =	sst s8  }
0x11: {  	[smem:$0x3FB1] =	sst s9;
	s0 =	simm.s32 @!p0 $0x0  }
0x12: {  	s1 =	sld [smem:$0x3F97];
	s0 =	simm.s32 @p0 $0x1  }
0x13: {  	[smem:$0x3FB2] =	sst s0;
	s0 =	simm.s32 @!p1 $0x0  }
0x14: {  	s2 =	sld [smem:$0x3F96];
	s0 =	simm.s32 @p1 $0x1  }
0x15: {  	[smem:$0x3FB3] =	sst s0;
	s0 =	simm.s32 @!p2 $0x0  }
0x16: {  	s3 =	sld [smem:$0x3FDB];
	s0 =	simm.s32 @p2 $0x1  }
0x17: {  	s4 =	simm.s32 $0x1BF5;
	[smem:$0x3FB5] =	sst s0  }
0x18: {  	s0 =	sld [smem:$0x3F98];
	_ =	swait.ge [sflag:s4], $0x0  }
0x19: {  	s7 =	sld [smem:$0x3F99]  }
0x1a: {  	s8 =	sadd.s32 $0xFFFFE003, lr  }
0x1b: {  	s9 =	sadd.s32 $0xFFFFFEF7, lr;
	s5 =	simm.s32 $0xFFFFFFFF;
	p2 =	slt.u32 s8, $0xFFFFF086  }
0x1c: {  	p1 =	slt.u32 s9, $0xF7A;
	s5 =	simm.s32 @!p2 $0x0  }
0x1d: {  	s5 =	simm.s32 @p1 $0x1;
	p0 =	seq.s32 s7, s2  }
0x1e: {  	s7 =	smul.u32 @!p0 $0xF7A, s2;
	p2 =	seq.s32 @!p0 s5, $0x0  }
0x1f: {  	s9 =	smul.u32 $0xF7A, s1;
	s8 =	simm.s32 @!p0 $0x1BF5;
	p2 =	por !p2, p0  }
0x20: {  	[sflag:s8] =	ssyncset.s32 @!p0 $0xFFFFF086;
	s6 =	sadd.s32 @!p0 s3, s7;
	s7 =	simm.s32 @!p0 $0x108  }
0x21: {  	s3 =	sadd.s32 s3, s9;
	s6 =	sadd.s32 @!p0 $0x88, s6;
	s7 =	simm.s32 @p2 $0x1082  }
0x22: {  	[simem:s7], [sflag:s8] =	dma.local @!p0 [hbm:s6], $0xF7A  }
0x23: {  	s9 =	sor.u32 $0xD0000000, s2;
	s6 =	simm.s32 $0x108;
	_ =	swait.ge @!p0 [sflag:s8], $0x0  }
0x24: {  	s3 =	sadd.s32 $0x88, s3;
	s6 =	simm.s32 @!p1 $0x1082;
	[sflag:s4] =	ssyncset.s32 $0xFFFFF086  }
0x25: {  	[simem:s6], [sflag:s4] =	dma.local [hbm:s3], $0xF7A  }
0x26: {  	[smem:$0x3F99] =	sst s1;
	(tag) =	ssettag s2;
	_ =	strace s9  }
0x27: {  	s1 =	sld [smem:$0x3FA9]  }
0x28: {  	s2 =	sld [smem:$0x3FAA]  }
0x29: {  	s4 =	sld [smem:$0x3FAC]  }
0x2a: {  	p0 =	seq.s32 s5, $0x0;
	s5 =	sld [smem:$0x3FAD]  }
0x2b: {  	s6 =	sld [smem:$0x3FAE]  }
0x2c: {  	s7 =	sld [smem:$0x3FAF]  }
0x2d: {  	s3 =	simm.s32 $0x108;
	s8 =	sld [smem:$0x3FB0]  }
0x2e: {  	s3 =	simm.s32 @!p0 $0x1082;
	s9 =	sld [smem:$0x3FB1]  }
0x2f: {  	lr =	sadd.s32 s0, s3;
	s0 =	sld [smem:$0x3FA8]  }
0x30: {  	s3 =	sld [smem:$0x3FAB]  }
0x31: {  	[smem:$0x3FB4] =	sst s10  }
0x32: {  	s10 =	sld [smem:$0x3FB2];
	_ =	sdelay $0x3  }
0x33: {  	p0 =	seq.s32 s10, $0x1;
	s10 =	sld [smem:$0x3FB4];
	_ =	sdelay $0x3  }
0x34: {  	[smem:$0x3FB4] =	sst s10  }
0x35: {  	s10 =	sld [smem:$0x3FB3];
	_ =	sdelay $0x3  }
0x36: {  	p1 =	seq.s32 s10, $0x1;
	s10 =	sld [smem:$0x3FB4];
	_ =	sdelay $0x3  }
0x37: {  	[smem:$0x3FB4] =	sst s10  }
0x38: {  	s10 =	sld [smem:$0x3FB5]  }
0x39: {  	_ = 	snop;
	(pc) =	sbr.ind lr, $3  }
0x3a: {  	_ = 	snop  }
0x3b: {  	_ = 	snop  }
0x3c: {  	p2 =	seq.s32 s10, $0x1;
	s10 =	sld [smem:$0x3FB4]  }
0x3d: {  	_ =	shalt  }
0x3e: {  	_ =	shalt  }
0x3f: {  	_ =	shalt  }
0x40: {  	_ =	shalt  }
0x41: {  	_ =	shalt  }
0x42: {  	_ =	shalt  }
0x43: {  	_ =	shalt  }
0x44: {  	_ =	shalt  }
0x45: {  	_ =	shalt  }
0x46: {  	_ =	shalt  }
0x47: {  	_ =	shalt  }
0x48: {  	_ =	shalt  }
0x49: {  	_ =	shalt  }
0x4a: {  	_ =	shalt  }
0x4b: {  	_ =	shalt  }
0x4c: {  	_ =	shalt  }
0x4d: {  	_ =	shalt  }
0x4e: {  	_ =	shalt  }
0x4f: {  	_ =	shalt  }
0x50: {  	_ =	shalt  }
0x51: {  	_ =	shalt  }
0x52: {  	_ =	shalt  }
0x53: {  	_ =	shalt  }
0x54: {  	_ =	shalt  }
0x55: {  	_ =	shalt  }
0x56: {  	_ =	shalt  }
0x57: {  	_ =	shalt  }
0x58: {  	_ =	shalt  }
0x59: {  	_ =	shalt  }
0x5a: {  	_ =	shalt  }
0x5b: {  	_ =	shalt  }
0x5c: {  	_ =	shalt  }
0x5d: {  	_ =	shalt  }
0x5e: {  	_ =	shalt  }
0x5f: {  	_ =	shalt  }
0x60: {  	_ =	shalt  }
0x61: {  	_ =	shalt  }
0x62: {  	_ =	shalt  }
0x63: {  	_ =	shalt  }
0x64: {  	_ =	shalt  }
0x65: {  	_ =	shalt  }
0x66: {  	_ =	shalt  }
0x67: {  	_ =	shalt  }
0x68: {  	_ =	shalt  }
0x69: {  	_ =	shalt  }
0x6a: {  	_ =	shalt  }
0x6b: {  	_ =	shalt  }
0x6c: {  	_ =	shalt  }
0x6d: {  	_ =	shalt  }
0x6e: {  	_ =	shalt  }
0x6f: {  	_ =	shalt  }
0x70: {  	_ =	shalt  }
0x71: {  	_ =	shalt  }
0x72: {  	_ =	shalt  }
0x73: {  	_ =	shalt  }
0x74: {  	_ =	shalt  }
0x75: {  	_ =	shalt  }
0x76: {  	_ =	shalt  }
0x77: {  	_ =	shalt  }
0x78: {  	_ =	shalt  }
0x79: {  	_ =	shalt  }
0x7a: {  	_ =	shalt  }
0x7b: {  	_ =	shalt  }
0x7c: {  	_ =	shalt  }
0x7d: {  	_ =	shalt  }
0x7e: {  	_ =	shalt  }
0x7f: {  	_ =	shalt  }
0x80: {  	_ =	shalt  }
0x81: {  	_ =	shalt  }
0x82: {  	_ =	shalt  }
0x83: {  	_ =	shalt  }
0x84: {  	_ =	shalt  }
0x85: {  	_ =	shalt  }
0x86: {  	_ =	shalt  }
0x87: {  	_ =	shalt  }
.Lfunc_end0:
.L_simem_size_0:
called_computation_lowered:
.L_overlay_start_0:
0x88: {  	s2 =	sld [smem:$0x3FD9]  }
0x89: {  	s3 =	sld [smem:$0x3FFE];
	_ =	sdelay $0x1  }
0x8a: {  	s1 =	srdreg.scid  }
0x8b: {  	s0 =	sand.u32 $0x1, s1  }
0x8c: {  	s16 =	sshll.u32 s0, $0xA;
	s2 =	sadd.s32 s3, s2  }
0x8d: {  	s2 =	sadd.s32 s2, s16  }
0x8e: {  	[smem:$0x3FC0] =	sst s2  }
0x8f: {  	_ = 	snop  }
0x90: {  	(tm) =	ssettm $0x1  }
0x91: {  	s17 =	sld [smem:$0x3FFB];
	_ =	sdelay $0x3  }
0x92: {  	_ =	strace s17  }
0x93: {  	s2 =	sld [smem:$0x3FFC];
	_ =	sdelay $0x3  }
0x94: {  	_ =	strace s2  }
0x95: {  	s2 =	sld [smem:$0x3FFD];
	_ =	sdelay $0x3  }
0x96: {  	_ =	strace s2  }
0x97: {  	_ =	strace $0x8FFFFFFF  }
0x98: {  	s18 =	sld [smem:$0x3FDB];
	_ =	sdelay $0x1  }
0x99: {  	s19 =	simm.s32 $_scs_section_size  }
0x9a: {  	s4 =	simm.s32 $_size__tile_overlayer_lowered;
	s5 =	simm.s32 $_tile_overlayer_lowered  }
0x9b: {  	s22 =	simm.s32 $0x1BFF;
	s21 =	sshll.u32 s5, $0x1;
	s2 =	sadd.s32 s19, s18  }
0x9c: {  	s6 =	simm.s32 $0x0;
	s20 =	sshll.u32 s4, $0x1;
	s4 =	sadd.s32 s21, s2  }
0x9d: {  	[timem:s6], [sflag:s22] =	dma.local [hbm:s4], s20  }
0x9e: {  	_ =	swait.ge [sflag:s22], s20  }
0x9f: {  	s3 =	ssub.s32 $0x0, s20;
	[sflag:s22] =	ssyncset.done $0x0  }
0xa0: {  	[sflag:s22] =	ssyncadd.s32 s3;
	_ =	sdelay $0x1  }
0xa1: {  	s23 =	simm.s32 $0x1B8B  }
0xa2: {  	_ =	swait.ge [sflag:s23], $0x1  }
0xa3: {  	[sflag:s23] =	ssyncset.done $0x0  }
0xa4: {  	s25 =	simm.s32 $0x1B8E;
	s24 =	sld [smem:$0x3FFE];
	[sflag:s23] =	ssyncadd.s32 $0xFFFFFFFF  }
0xa5: {  	s26 =	simm.s32 $execute0_lowered;
	[smem:$0x3FD2] =	sst s25  }
0xa6: {  	s4 =	sshll.u32 s26, $0x1;
	_ =	strace $0x80000046;
	[dreg:$0x1] =	wrdreg $0xFFFFFFFF  }
0xa7: {  	s28 =	simm.s32 $_size_execute0_lowered;
	s2 =	sadd.s32 s2, s4;
	[dreg:$0x0] =	wrdreg $0x0  }
0xa8: {  	s4 =	sshll.u32 s28, $0x1;
	[dreg:$0x2] =	wrdreg s2  }
0xa9: {  	[dreg:$0x3] =	wrdreg s4  }
0xaa: {  	[dreg:$0x4] =	wrdreg $0xC0  }
0xab: {  	_ =	task [dreg:s6], $0x5FFFF  }
0xac: {  	[dreg:$0x1] =	wrdreg $0xFFFFFFFF  }
0xad: {  	[dreg:$0x0] =	wrdreg $0x60  }
0xae: {  	[dreg:$0x2] =	wrdreg s24  }
0xaf: {  	[dreg:$0x3] =	wrdreg $0x90000  }
0xb0: {  	[dreg:$0x4] =	wrdreg $0x9  }
0xb1: {  	_ =	task.clear_ibuf [dreg:s6], $0x5FFFF;
	_ =	strace $0x90000046  }
0xb2: {  	s29 =	simm.s32 $0x9;
	_ =	strace $0x80000048  }
0xb3: {  	_ =	swait.ge [sflag:s29], $0x1  }
0xb4: {  	[sflag:s29] =	ssyncadd.s32 $0xFFFFFFFF  }
0xb5: {  	_ =	strace $0x90000048  }
0xb6: {  	_ =	sfence  }
0xb7: {  	s30 =	sld [smem:$0x0];
	_ =	sdelay $0x2  }
0xb8: {  	s31 =	sshll.u32 s1, $0xD;
	s1 =	sshrl.u32 s1, $0x2  }
0xb9: {  	s3 =	sand.u32 $0x4000, s31;
	s1 =	sadd.s32 s1, s30  }
0xba: {  	s0 =	sor.u32 s3, s0;
	s1 =	sshll.u32 s1, $0x11  }
0xbb: {  	s0 =	sor.u32 s1, s0  }
0xbc: {  	s0 =	sadd.s32 $0x8F2B, s0  }
0xbd: {  	[sflag:s0] =	ssyncadd.remote.s32 $0x1  }
0xbe: {  	_ =	sfence.sel $0xFFFF  }
0xbf: {  	[dreg:$0x0] =	wrdreg $0xFFFFFFFF;
	(pc) =	sbr.abs _section_cstart, $3  }
0xc0: {  	[dreg:$0x1] =	wrdreg $0xFFFFFFFF  }
0xc1: {  	_ =	task.clear_ibuf [dreg:s6], $0x2FFFF;
	_ =	strace $0x9FFFFFFF  }
0xc2: {  	(tm) =	ssettm $0x7FFFFFFF  }
0xc3: {  	_ =	shalt  }
tec
execute0_lowered:
.L_overlay_start_1:
0x0: {  	(tag) =	ssettag $0x1  }
0x1: {  	s0 =	stileid.u32;
	s4 =	rddreg [dreg:$0x0]  }
0x2: {  	s1 =	srdreg.scid;
	s2 =	rddreg [dreg:$0x1]  }
0x3: {  	s3 =	simm.s32 $0x0;
	s14 =	simm.s32 $0x3;
	s5 =	smul.u32 $0x140, s0  }
0x4: {  	s15 =	simm.s32 $0x80;
	s16 =	simm.s32 $0x1;
	s7 =	smul.u32 $0xA00, s0  }
0x5: {  	s17 =	simm.s32 $0x2;
	s18 =	simm.s32 $0x4E80;
	s29 =	smul.u32 $0x29000, s0  }
0x6: {  	s11 =	sand.u32 $0x1, s1;
	s1 =	rddreg [dreg:$0x2];
	s9 =	smul.u32 $0x28000, s0  }
0x7: {  	s21 =	simm.s32 $0x0;
	[smem:$0x7FF] =	sst s3;
	s6 =	smul.u32 $0x1400, s11  }
0x8: {  	_ =	strace $0x80000047;
	s8 =	ssub.s32 $0x2, s11;
	s7 =	sadd.s32 s7, s4  }
0x9: {  	s30 =	sshrl.u32 s8, $0x1;
	s31 =	sshrl.u32 s9, $0x2;
	s5 =	sadd.s32 s5, s6  }
0xa: {  	s6 =	sshrl.u32 s29, $0x2;
	s13 =	ssub.s32 s8, s30;
	s8 =	sadd.s32 s31, s2  }
0xb: {  	v0 =	vmov s11;
	s7 =	sadd.s32 $0x3400, s7;
	s5 =	sshll.u32 s5, $0x4;
	s19 =	sadd.s32 $0x4000, s8  }
0xc: {  	v0 =	vmul.u32 $0x1400, v0;
	s20 =	sadd.s32 $0x8000, s8;
	s12 =	sadd.s32 s5, s4;
	s4 =	sadd.s32 s6, s2  }
0xd: {  	s19 =	sshrl.u32 s19, $0x3;
	s20 =	sshrl.u32 s20, $0x3;
	s5 =	sadd.s32 $0x4000, s4  }
0xe: {  	v0 =	vbroadcast v0, $0x0;
	s6 =	sadd.s32 $0x8000, s4;
	s9 =	sadd.s32 $0xD400, s12;
	s10 =	sadd.s32 $0xDC00, s12  }
0xf: {  	v1 =	vimm.f32 $0.0e+00;
	v2 =	vimm.f32 $1.000000000e+00;
	s11 =	sadd.s32 $0xE400, s12;
	s12 =	smax.u32 s13, $0x1;
	s13 =	simm.s32 $0x5000  }
.LBB2_1:
0x10: {  	s22 =	simm.s32 $0x0;
	s23 =	simm.s32 $0x200  }
.LBB2_2:
0x11: {  	p0 =	sne.s32 s23, $0xFE00;
	[tilespmem:s22+$0x5070] =	vst v1  }
0x12: {  	[tilespmem:s22+$0x5000] =	vst v1  }
0x13: {  	[tilespmem:s22+$0x5010] =	vst v1  }
.Ltmp0:
0x14: {  	[tilespmem:s22+$0x5020] =	vst v1;
	(pc) =	sbr.rel @p0 .LBB2_2-.Ltmp0, $4  }
0x15: {  	[tilespmem:s22+$0x5030] =	vst v1  }
0x16: {  	[tilespmem:s22+$0x5040] =	vst v1  }
0x17: {  	[tilespmem:s22+$0x5050] =	vst v1  }
0x18: {  	[tilespmem:s22+$0x5060] =	vst v1;
	s22 =	sshra.s32 s23, $0x2;
	s23 =	sadd.s32 $0x200, s23  }
0x19: {  	[tilespmem:s22+$0x5070] =	vst v1  }
0x1a: {  	[tilespmem:s22+$0x5000] =	vst v1  }
0x1b: {  	[tilespmem:s22+$0x5010] =	vst v1  }
0x1c: {  	[tilespmem:s22+$0x5020] =	vst v1  }
0x1d: {  	[tilespmem:s22+$0x5030] =	vst v1  }
0x1e: {  	[tilespmem:s22+$0x5040] =	vst v1  }
0x1f: {  	[tilespmem:s22+$0x5050] =	vst v1  }
0x20: {  	[tilespmem:s22+$0x5060] =	vst v1  }
0x21: {  	[spmem:s4] =	stream.linear.scatter [tilespmem:s13], [sflag:$0x3], $0x4000, $0x38;
	[tilespmem:$0x13400] =	vst v63  }
0x22: {  	_ =	swait.ge [sflag:s14], $0x4000  }
0x23: {  	[sflag:s14] =	ssyncset.done $0x0  }
0x24: {  	[sflag:s14] =	ssyncadd.s32 $0xFFFFC000  }
0x25: {  	[spmem:s5] =	stream.linear.scatter [tilespmem:s13], [sflag:$0x3], $0x4000, $0x38;
	[tilespmem:$0x13400] =	vst v63  }
0x26: {  	_ =	swait.ge [sflag:s14], $0x4000  }
0x27: {  	[sflag:s14] =	ssyncset.done $0x0  }
0x28: {  	[sflag:s14] =	ssyncadd.s32 $0xFFFFC000  }
0x29: {  	[spmem:s6] =	stream.linear.scatter [tilespmem:s13], [sflag:$0x3], $0x2400, $0x38;
	[tilespmem:$0x13400] =	vst v63  }
0x2a: {  	_ =	swait.ge [sflag:s14], $0x2400  }
0x2b: {  	[sflag:s14] =	ssyncset.done $0x0  }
0x2c: {  	s22 =	simm.s32 $0x0;
	s23 =	simm.s32 $0x200;
	[sflag:s14] =	ssyncadd.s32 $0xFFFFDC00  }
.LBB2_4:
0x2d: {  	p0 =	sne.s32 s23, $0xFE00;
	[tilespmem:s22+$0x5070] =	vst v2  }
0x2e: {  	[tilespmem:s22+$0x5000] =	vst v2  }
0x2f: {  	[tilespmem:s22+$0x5010] =	vst v2  }
.Ltmp1:
0x30: {  	[tilespmem:s22+$0x5020] =	vst v2;
	(pc) =	sbr.rel @p0 .LBB2_4-.Ltmp1, $4  }
0x31: {  	[tilespmem:s22+$0x5030] =	vst v2  }
0x32: {  	[tilespmem:s22+$0x5040] =	vst v2  }
0x33: {  	[tilespmem:s22+$0x5050] =	vst v2  }
0x34: {  	[tilespmem:s22+$0x5060] =	vst v2;
	s22 =	sshra.s32 s23, $0x2;
	s23 =	sadd.s32 $0x200, s23  }
0x35: {  	[tilespmem:s22+$0x5070] =	vst v2  }
0x36: {  	[tilespmem:s22+$0x5000] =	vst v2  }
0x37: {  	[tilespmem:s22+$0x5010] =	vst v2  }
0x38: {  	[tilespmem:s22+$0x5020] =	vst v2  }
0x39: {  	[tilespmem:s22+$0x5030] =	vst v2  }
0x3a: {  	[tilespmem:s22+$0x5040] =	vst v2  }
0x3b: {  	[tilespmem:s22+$0x5050] =	vst v2  }
0x3c: {  	[tilespmem:s22+$0x5060] =	vst v2;
	s31 =	simm.s32 $0x0  }
0x3d: {  	[tilespmem:s31], [sflag:$0x3] =	stream.linear.gather [hbm4b:s7+s31], $0x4F00, $0x38;
	[tilespmem:$0x13400] =	vst v63  }
0x3e: {  	_ =	swait.ge [sflag:s14], $0x4F00  }
0x3f: {  	[sflag:s14] =	ssyncset.done $0x0  }
0x40: {  	s22 =	simm.s32 $0x0;
	[sflag:s14] =	ssyncadd.s32 $0xFFFFB100  }
0x41: {  	v4 =	vld [tilespmem:s22+$0x0]  }
0x42: {  	v5 =	vld [tilespmem:s22+$0x10]  }
0x43: {  	v7 =	vld [tilespmem:s22+$0x20]  }
0x44: {  	v6 =	vld [tilespmem:s22+$0x30]  }
0x45: {  	v3 =	vld [tilespmem:s22+$0x40]  }
0x46: {  	v8 =	vsub.s32 v4, v0;
	v4 =	vld [tilespmem:s22+$0x50]  }
0x47: {  	s23 =	simm.s32 $0x200;
	v9 =	vsub.s32 v5, v0;
	v5 =	vld [tilespmem:s22+$0x60];
	v8 =	vmin.u32 v8, $0x1400  }
.LBB2_6:
0x48: {  	s24 =	sshra.s32 s23, $0x2;
	p0 =	sne.s32 s23, $0x13A00;
	[tilespmem:s22+$0x0] =	vst v8;
	v8 =	vmin.u32 v9, $0x1400;
	v7 =	vsub.s32 v7, v0;
	v9 =	vld [tilespmem:s22+$0x70]  }
0x49: {  	v10 =	vld [tilespmem:s24+$0x0];
	[tilespmem:s22+$0x10] =	vst v8;
	v7 =	vmin.u32 v7, $0x1400;
	v6 =	vsub.s32 v6, v0  }
0x4a: {  	v11 =	vld [tilespmem:s24+$0x10];
	[tilespmem:s22+$0x20] =	vst v7;
	v6 =	vmin.u32 v6, $0x1400;
	v3 =	vsub.s32 v3, v0  }
.Ltmp2:
0x4b: {  	v7 =	vld [tilespmem:s24+$0x20];
	[tilespmem:s22+$0x30] =	vst v6;
	v3 =	vmin.u32 v3, $0x1400;
	v4 =	vsub.s32 v4, v0;
	(pc) =	sbr.rel @p0 .LBB2_6-.Ltmp2, $4  }
0x4c: {  	v6 =	vld [tilespmem:s24+$0x30];
	[tilespmem:s22+$0x40] =	vst v3;
	v4 =	vmin.u32 v4, $0x1400;
	v5 =	vsub.s32 v5, v0  }
0x4d: {  	v3 =	vld [tilespmem:s24+$0x40];
	[tilespmem:s22+$0x50] =	vst v4;
	v5 =	vmin.u32 v5, $0x1400;
	v8 =	vsub.s32 v9, v0  }
0x4e: {  	v9 =	vsub.s32 v10, v0;
	v4 =	vld [tilespmem:s24+$0x50];
	[tilespmem:s22+$0x60] =	vst v5;
	v10 =	vmin.u32 v8, $0x1400  }
0x4f: {  	s23 =	sadd.s32 $0x200, s23;
	v8 =	vmin.u32 v9, $0x1400;
	v9 =	vsub.s32 v11, v0;
	v5 =	vld [tilespmem:s24+$0x60];
	[tilespmem:s22+$0x70] =	vst v10;
	s22 =	smov.u32 s24  }
0x50: {  	[tilespmem:s22+$0x0] =	vst v8;
	v60 =	vmin.u32 v9, $0x1400;
	v7 =	vsub.s32 v7, v0;
	v61 =	vld [tilespmem:s22+$0x70]  }
0x51: {  	[tilespmem:s22+$0x10] =	vst v60;
	v7 =	vmin.u32 v7, $0x1400;
	v6 =	vsub.s32 v6, v0  }
0x52: {  	[tilespmem:s22+$0x20] =	vst v7;
	v6 =	vmin.u32 v6, $0x1400;
	v3 =	vsub.s32 v3, v0  }
0x53: {  	[tilespmem:s22+$0x30] =	vst v6;
	v3 =	vmin.u32 v3, $0x1400;
	v4 =	vsub.s32 v4, v0  }
0x54: {  	[tilespmem:s22+$0x40] =	vst v3;
	v3 =	vmin.u32 v4, $0x1400;
	v62 =	vsub.s32 v5, v0  }
0x55: {  	[tilespmem:s22+$0x50] =	vst v3;
	v3 =	vmin.u32 v62, $0x1400;
	v63 =	vsub.s32 v61, v0  }
0x56: {  	[tilespmem:s22+$0x60] =	vst v3;
	v3 =	vmin.u32 v63, $0x1400  }
0x57: {  	[tilespmem:s22+$0x70] =	vst v3  }
0x58: {  	[bflag:$0x0] =	sbarrier.arrive $0xFFFF  }
0x59: {  	[spmem:s2] =	stream.indirect.scatter.add.f32 [tilespmem:s13], [sflag:$0x1], $0x80, s3, s15, $0xb8;
	[tilespmem:$0x13400] =	vst v63  }
0x5a: {  	s30 =	simm.s32 $0x80  }
0x5b: {  	[spmem:s2] =	stream.indirect.scatter.add.f32 [tilespmem:s13], [sflag:$0x2], $0x80, s30, s15, $0xb8;
	[tilespmem:$0x13400] =	vst v63  }
0x5c: {  	_ =	swait.ge [sflag:s16], $0x4000  }
0x5d: {  	[sflag:s16] =	ssyncset.done $0x0  }
0x5e: {  	s31 =	simm.s32 $0x100;
	[sflag:s16] =	ssyncadd.s32 $0xFFFFC000  }
0x5f: {  	[spmem:s2] =	stream.indirect.scatter.add.f32 [tilespmem:s13], [sflag:$0x1], $0x80, s31, s15, $0xb8;
	[tilespmem:$0x13400] =	vst v63  }
0x60: {  	_ =	swait.ge [sflag:s17], $0x4000  }
0x61: {  	s23 =	simm.s32 $0xFFFED000;
	s22 =	simm.s32 $0xFFFFB300;
	[sflag:s17] =	ssyncset.done $0x0  }
.LBB2_8:
0x62: {  	s24 =	sadd.s32 $0x4E80, s22  }
0x63: {  	[sflag:s17] =	ssyncadd.s32 $0xFFFFC000;
	s25 =	smov.u32 s23;
	s26 =	sadd.s32 $0x400, s23  }
0x64: {  	[spmem:s2] =	stream.indirect.scatter.add.f32 [tilespmem:s13], [sflag:$0x2], $0x80, s24, s15, $0xb8;
	[tilespmem:$0x13400] =	vst v63  }
0x65: {  	p0 =	sne.s32 s23, $0xFFFFFC00;
	_ =	swait.ge [sflag:s16], $0x4000  }
.Ltmp3:
0x66: {  	[sflag:s16] =	ssyncset.done $0x0;
	(pc) =	sbr.rel @p0 .LBB2_8-.Ltmp3, $4  }
0x67: {  	s22 =	sadd.s32 $0x4F00, s22;
	[sflag:s16] =	ssyncadd.s32 $0xFFFFC000  }
0x68: {  	[spmem:s2] =	stream.indirect.scatter.add.f32 [tilespmem:s13], [sflag:$0x1], $0x80, s22, s15, $0xb8;
	[tilespmem:$0x13400] =	vst v63  }
0x69: {  	_ =	swait.ge [sflag:s17], $0x4000  }
0x6a: {  	s23 =	smov.u32 s26;
	s22 =	sshra.s32 s25, $0x2;
	[sflag:s17] =	ssyncset.done $0x0  }
0x6b: {  	s23 =	sadd.s32 $0x4E80, s22;
	[sflag:s17] =	ssyncadd.s32 $0xFFFFC000  }
0x6c: {  	[spmem:s2] =	stream.indirect.scatter.add.f32 [tilespmem:s13], [sflag:$0x2], $0x80, s23, s15, $0xb8;
	[tilespmem:$0x13400] =	vst v63  }
0x6d: {  	_ =	swait.ge [sflag:s16], $0x4000  }
0x6e: {  	[sflag:s16] =	ssyncset.done $0x0  }
0x6f: {  	s29 =	sadd.s32 $0x4F00, s22;
	[sflag:s16] =	ssyncadd.s32 $0xFFFFC000  }
0x70: {  	[spmem:s2] =	stream.indirect.scatter.add.f32 [tilespmem:s13], [sflag:$0x1], $0x80, s29, s15, $0xb8;
	[tilespmem:$0x13400] =	vst v63  }
0x71: {  	_ =	swait.ge [sflag:s17], $0x4000  }
0x72: {  	[sflag:s17] =	ssyncset.done $0x0  }
0x73: {  	[sflag:s17] =	ssyncadd.s32 $0xFFFFC000  }
0x74: {  	[spmem:s2] =	stream.indirect.scatter.add.f32 [tilespmem:s13], [sflag:$0x2], $0x80, s18, s15, $0xb8;
	[tilespmem:$0x13400] =	vst v63  }
0x75: {  	_ =	swait.ge [sflag:s16], $0x4000  }
0x76: {  	[sflag:s16] =	ssyncset.done $0x0  }
0x77: {  	[sflag:s16] =	ssyncadd.s32 $0xFFFFC000  }
0x78: {  	_ =	swait.ge [sflag:s17], $0x4000  }
0x79: {  	[sflag:s17] =	ssyncset.done $0x0  }
0x7a: {  	s30 =	sshll.u32 s0, $0x6;
	[sflag:s17] =	ssyncadd.s32 $0xFFFFC000  }
0x7b: {  	s31 =	sshrl.u32 s8, $0x3;
	s22 =	sor.u32 $0x1C03, s30;
	[bflag:$0x0] =	sbarrier.arrive $0xFFFF  }
0x7c: {  	[hbm:s9], [sflag:s22] =	dma.local [spmem:s31], $0x800  }
0x7d: {  	_ =	swait.ge [sflag:s14], $0x800  }
0x7e: {  	[sflag:s14] =	ssyncset.done $0x0  }
0x7f: {  	[sflag:s14] =	ssyncadd.s32 $0xFFFFF800  }
0x80: {  	[hbm:s10], [sflag:s22] =	dma.local [spmem:s19], $0x800  }
0x81: {  	s21 =	sadd.s32 $0x1, s21;
	_ =	swait.ge [sflag:s14], $0x800  }
0x82: {  	p0 =	sne.s32 s21, s12;
	[sflag:s14] =	ssyncset.done $0x0  }
.Ltmp4:
0x83: {  	[sflag:s14] =	ssyncadd.s32 $0xFFFFF800;
	(pc) =	sbr.rel @p0 .LBB2_1-.Ltmp4, $4  }
0x84: {  	[hbm:s11], [sflag:s22] =	dma.local [spmem:s20], $0x400  }
0x85: {  	_ =	swait.ge [sflag:s14], $0x400  }
0x86: {  	[sflag:s14] =	ssyncset.done $0x0  }
0x87: {  	[sflag:s14] =	ssyncadd.s32 $0xFFFFFC00  }
0x88: {  	_ =	sfence.sel $0x180000  }
0x89: {  	[bflag:$0x0] =	sbarrier.arrive $0xFFFF  }
0x8a: {  	p0 =	sne.s32 s0, $0x0;
	_ =	strace $0x90000047  }
0x8b: {  	s0 =	sadd.s32 @!p0 $0x100000, s1;
	[bflag:$0x2] =	sbarrier.arrive $0xFFFF  }
0x8c: {  	[sflag:s0] =	ssyncadd.tile.s32 @!p0 $0x1;
	_ =	shalt  }
.Lfunc_end2:
_tile_overlayer_lowered:
.L_overlay_start_2:
0x8d: {  	(tag) =	ssettag $0x2  }
0x8e: {  	s0 =	rddreg [dreg:$0x0];
	s2 =	stileid.u32  }
0x8f: {  	s1 =	rddreg [dreg:$0x1];
	p0 =	sne.s32 s2, $0x0  }
0x90: {  	s3 =	rddreg [dreg:$0x2];
	[bflag:$0x3] =	sbarrier.arrive $0xFFFF;
	s2 =	simm.s32 @!p0 $0x1C03  }
0x91: {  	[timem:s3], [sflag:s2] =	dma.local @!p0 [hbm:s0], s1  }
0x92: {  	s0 =	simm.s32 @!p0 $0x3  }
0x93: {  	_ =	swait.ge @!p0 [sflag:s0], s1  }
0x94: {  	s1 =	ssub.s32 @!p0 $0x0, s1;
	[sflag:s0] =	ssyncset.done @!p0 $0x0  }
0x95: {  	[sflag:s0] =	ssyncadd.s32 @!p0 s1  }
0x96: {  	[bflag:$0x3] =	sbarrier.arrive $0xFFFF  }
0x97: {  	_ =	shalt  }

// kernel: kernel.13.cloned.1.call-start
scs
__scs_entry_jumppad:
0x0: {  	(pc) =	sbr.rel $0x88, $3  }
0x1: {  	(tag) =	ssettag $0x0;
	lr =	simm.s32 $0x1  }
0x2: {  	[smem:$0x3F99] =	sst lr;
	_ =	strace $0xD0000000  }
0x3: {  	_ = 	snop  }
0x4: {  	_ = 	snop  }
0x5: {  	_ = 	snop  }
0x6: {  	_ = 	snop  }
0x7: {  	_ = 	snop  }
__scs_overlays_trampoline_lowered:
0x8: {  	[smem:$0x3FA8] =	sst s0  }
0x9: {  	[smem:$0x3FA9] =	sst s1  }
0xa: {  	[smem:$0x3FAA] =	sst s2  }
0xb: {  	[smem:$0x3FAB] =	sst s3  }
0xc: {  	[smem:$0x3FAC] =	sst s4  }
0xd: {  	[smem:$0x3FAD] =	sst s5  }
0xe: {  	[smem:$0x3FAE] =	sst s6  }
0xf: {  	[smem:$0x3FAF] =	sst s7  }
0x10: {  	[smem:$0x3FB0] =	sst s8  }
0x11: {  	[smem:$0x3FB1] =	sst s9;
	s0 =	simm.s32 @!p0 $0x0  }
0x12: {  	s1 =	sld [smem:$0x3F97];
	s0 =	simm.s32 @p0 $0x1  }
0x13: {  	[smem:$0x3FB2] =	sst s0;
	s0 =	simm.s32 @!p1 $0x0  }
0x14: {  	s2 =	sld [smem:$0x3F96];
	s0 =	simm.s32 @p1 $0x1  }
0x15: {  	[smem:$0x3FB3] =	sst s0;
	s0 =	simm.s32 @!p2 $0x0  }
0x16: {  	s3 =	sld [smem:$0x3FDB];
	s0 =	simm.s32 @p2 $0x1  }
0x17: {  	s4 =	simm.s32 $0x1BF5;
	[smem:$0x3FB5] =	sst s0  }
0x18: {  	s0 =	sld [smem:$0x3F98];
	_ =	swait.ge [sflag:s4], $0x0  }
0x19: {  	s7 =	sld [smem:$0x3F99]  }
0x1a: {  	s8 =	sadd.s32 $0xFFFFE003, lr  }
0x1b: {  	s9 =	sadd.s32 $0xFFFFFEF7, lr;
	s5 =	simm.s32 $0xFFFFFFFF;
	p2 =	slt.u32 s8, $0xFFFFF086  }
0x1c: {  	p1 =	slt.u32 s9, $0xF7A;
	s5 =	simm.s32 @!p2 $0x0  }
0x1d: {  	s5 =	simm.s32 @p1 $0x1;
	p0 =	seq.s32 s7, s2  }
0x1e: {  	s7 =	smul.u32 @!p0 $0xF7A, s2;
	p2 =	seq.s32 @!p0 s5, $0x0  }
0x1f: {  	s9 =	smul.u32 $0xF7A, s1;
	s8 =	simm.s32 @!p0 $0x1BF5;
	p2 =	por !p2, p0  }
0x20: {  	[sflag:s8] =	ssyncset.s32 @!p0 $0xFFFFF086;
	s6 =	sadd.s32 @!p0 s3, s7;
	s7 =	simm.s32 @!p0 $0x108  }
0x21: {  	s3 =	sadd.s32 s3, s9;
	s6 =	sadd.s32 @!p0 $0x88, s6;
	s7 =	simm.s32 @p2 $0x1082  }
0x22: {  	[simem:s7], [sflag:s8] =	dma.local @!p0 [hbm:s6], $0xF7A  }
0x23: {  	s9 =	sor.u32 $0xD0000000, s2;
	s6 =	simm.s32 $0x108;
	_ =	swait.ge @!p0 [sflag:s8], $0x0  }
0x24: {  	s3 =	sadd.s32 $0x88, s3;
	s6 =	simm.s32 @!p1 $0x1082;
	[sflag:s4] =	ssyncset.s32 $0xFFFFF086  }
0x25: {  	[simem:s6], [sflag:s4] =	dma.local [hbm:s3], $0xF7A  }
0x26: {  	[smem:$0x3F99] =	sst s1;
	(tag) =	ssettag s2;
	_ =	strace s9  }
0x27: {  	s1 =	sld [smem:$0x3FA9]  }
0x28: {  	s2 =	sld [smem:$0x3FAA]  }
0x29: {  	s4 =	sld [smem:$0x3FAC]  }
0x2a: {  	p0 =	seq.s32 s5, $0x0;
	s5 =	sld [smem:$0x3FAD]  }
0x2b: {  	s6 =	sld [smem:$0x3FAE]  }
0x2c: {  	s7 =	sld [smem:$0x3FAF]  }
0x2d: {  	s3 =	simm.s32 $0x108;
	s8 =	sld [smem:$0x3FB0]  }
0x2e: {  	s3 =	simm.s32 @!p0 $0x1082;
	s9 =	sld [smem:$0x3FB1]  }
0x2f: {  	lr =	sadd.s32 s0, s3;
	s0 =	sld [smem:$0x3FA8]  }
0x30: {  	s3 =	sld [smem:$0x3FAB]  }
0x31: {  	[smem:$0x3FB4] =	sst s10  }
0x32: {  	s10 =	sld [smem:$0x3FB2];
	_ =	sdelay $0x3  }
0x33: {  	p0 =	seq.s32 s10, $0x1;
	s10 =	sld [smem:$0x3FB4];
	_ =	sdelay $0x3  }
0x34: {  	[smem:$0x3FB4] =	sst s10  }
0x35: {  	s10 =	sld [smem:$0x3FB3];
	_ =	sdelay $0x3  }
0x36: {  	p1 =	seq.s32 s10, $0x1;
	s10 =	sld [smem:$0x3FB4];
	_ =	sdelay $0x3  }
0x37: {  	[smem:$0x3FB4] =	sst s10  }
0x38: {  	s10 =	sld [smem:$0x3FB5]  }
0x39: {  	_ = 	snop;
	(pc) =	sbr.ind lr, $3  }
0x3a: {  	_ = 	snop  }
0x3b: {  	_ = 	snop  }
0x3c: {  	p2 =	seq.s32 s10, $0x1;
	s10 =	sld [smem:$0x3FB4]  }
0x3d: {  	_ =	shalt  }
0x3e: {  	_ =	shalt  }
0x3f: {  	_ =	shalt  }
0x40: {  	_ =	shalt  }
0x41: {  	_ =	shalt  }
0x42: {  	_ =	shalt  }
0x43: {  	_ =	shalt  }
0x44: {  	_ =	shalt  }
0x45: {  	_ =	shalt  }
0x46: {  	_ =	shalt  }
0x47: {  	_ =	shalt  }
0x48: {  	_ =	shalt  }
0x49: {  	_ =	shalt  }
0x4a: {  	_ =	shalt  }
0x4b: {  	_ =	shalt  }
0x4c: {  	_ =	shalt  }
0x4d: {  	_ =	shalt  }
0x4e: {  	_ =	shalt  }
0x4f: {  	_ =	shalt  }
0x50: {  	_ =	shalt  }
0x51: {  	_ =	shalt  }
0x52: {  	_ =	shalt  }
0x53: {  	_ =	shalt  }
0x54: {  	_ =	shalt  }
0x55: {  	_ =	shalt  }
0x56: {  	_ =	shalt  }
0x57: {  	_ =	shalt  }
0x58: {  	_ =	shalt  }
0x59: {  	_ =	shalt  }
0x5a: {  	_ =	shalt  }
0x5b: {  	_ =	shalt  }
0x5c: {  	_ =	shalt  }
0x5d: {  	_ =	shalt  }
0x5e: {  	_ =	shalt  }
0x5f: {  	_ =	shalt  }
0x60: {  	_ =	shalt  }
0x61: {  	_ =	shalt  }
0x62: {  	_ =	shalt  }
0x63: {  	_ =	shalt  }
0x64: {  	_ =	shalt  }
0x65: {  	_ =	shalt  }
0x66: {  	_ =	shalt  }
0x67: {  	_ =	shalt  }
0x68: {  	_ =	shalt  }
0x69: {  	_ =	shalt  }
0x6a: {  	_ =	shalt  }
0x6b: {  	_ =	shalt  }
0x6c: {  	_ =	shalt  }
0x6d: {  	_ =	shalt  }
0x6e: {  	_ =	shalt  }
0x6f: {  	_ =	shalt  }
0x70: {  	_ =	shalt  }
0x71: {  	_ =	shalt  }
0x72: {  	_ =	shalt  }
0x73: {  	_ =	shalt  }
0x74: {  	_ =	shalt  }
0x75: {  	_ =	shalt  }
0x76: {  	_ =	shalt  }
0x77: {  	_ =	shalt  }
0x78: {  	_ =	shalt  }
0x79: {  	_ =	shalt  }
0x7a: {  	_ =	shalt  }
0x7b: {  	_ =	shalt  }
0x7c: {  	_ =	shalt  }
0x7d: {  	_ =	shalt  }
0x7e: {  	_ =	shalt  }
0x7f: {  	_ =	shalt  }
0x80: {  	_ =	shalt  }
0x81: {  	_ =	shalt  }
0x82: {  	_ =	shalt  }
0x83: {  	_ =	shalt  }
0x84: {  	_ =	shalt  }
0x85: {  	_ =	shalt  }
0x86: {  	_ =	shalt  }
0x87: {  	_ =	shalt  }
.Lfunc_end0:
.L_simem_size_0:
called_computation.1_lowered:
.L_overlay_start_0:
0x88: {  	s2 =	sld [smem:$0x3FD9]  }
0x89: {  	s3 =	sld [smem:$0x3FFE];
	_ =	sdelay $0x1  }
0x8a: {  	s1 =	srdreg.scid  }
0x8b: {  	s0 =	sand.u32 $0x1, s1  }
0x8c: {  	s17 =	sshll.u32 s0, $0xA;
	s2 =	sadd.s32 s3, s2  }
0x8d: {  	s2 =	sadd.s32 s2, s17  }
0x8e: {  	[smem:$0x3FC0] =	sst s2  }
0x8f: {  	_ = 	snop  }
0x90: {  	s2 =	sld [smem:$0x3FD0];
	(tm) =	ssettm $0x1  }
0x91: {  	s18 =	sld [smem:$0x3FFB];
	_ =	sdelay $0x3  }
0x92: {  	_ =	strace s18  }
0x93: {  	s3 =	sld [smem:$0x3FFC];
	_ =	sdelay $0x3  }
0x94: {  	_ =	strace s3  }
0x95: {  	s3 =	sld [smem:$0x3FFD];
	_ =	sdelay $0x3  }
0x96: {  	_ =	strace s3  }
0x97: {  	_ =	strace $0x8FFFFFFF  }
0x98: {  	s19 =	sld [smem:$0x3FDB];
	_ =	sdelay $0x1  }
0x99: {  	s4 =	simm.s32 $_scs_section_size  }
0x9a: {  	s5 =	simm.s32 $_size__tile_overlayer_lowered;
	s6 =	simm.s32 $_tile_overlayer_lowered  }
0x9b: {  	s22 =	simm.s32 $0x1BFF;
	s21 =	sshll.u32 s6, $0x1;
	s3 =	sadd.s32 s4, s19  }
0x9c: {  	s7 =	simm.s32 $0x0;
	s20 =	sshll.u32 s5, $0x1;
	s5 =	sadd.s32 s21, s3  }
0x9d: {  	[timem:s7], [sflag:s22] =	dma.local [hbm:s5], s20  }
0x9e: {  	_ =	swait.ge [sflag:s22], s20  }
0x9f: {  	s4 =	ssub.s32 $0x0, s20;
	[sflag:s22] =	ssyncset.done $0x0  }
0xa0: {  	[sflag:s22] =	ssyncadd.s32 s4;
	_ =	sdelay $0x1  }
0xa1: {  	s23 =	simm.s32 $0x1B8B  }
0xa2: {  	_ =	swait.ge [sflag:s23], $0x1  }
0xa3: {  	[sflag:s23] =	ssyncset.done $0x0  }
0xa4: {  	s25 =	simm.s32 $0x1B8E;
	s24 =	sld [smem:$0x3FFE];
	[sflag:s23] =	ssyncadd.s32 $0xFFFFFFFF  }
0xa5: {  	s26 =	simm.s32 $execute0_lowered;
	[smem:$0x3FD2] =	sst s25  }
0xa6: {  	s5 =	sshll.u32 s26, $0x1;
	_ =	strace $0x80000049;
	[dreg:$0x1] =	wrdreg $0xFFFFFFFF  }
0xa7: {  	s28 =	simm.s32 $_size_execute0_lowered;
	s3 =	sadd.s32 s3, s5;
	[dreg:$0x0] =	wrdreg $0x0  }
0xa8: {  	s5 =	sshll.u32 s28, $0x1;
	[dreg:$0x2] =	wrdreg s3  }
0xa9: {  	[dreg:$0x3] =	wrdreg s5  }
0xaa: {  	[dreg:$0x4] =	wrdreg $0xC0  }
0xab: {  	_ =	task [dreg:s7], $0x5FFFF  }
0xac: {  	[dreg:$0x1] =	wrdreg $0xFFFFFFFF  }
0xad: {  	[dreg:$0x0] =	wrdreg $0x60  }
0xae: {  	[dreg:$0x2] =	wrdreg s2  }
0xaf: {  	[dreg:$0x3] =	wrdreg s24  }
0xb0: {  	[dreg:$0x4] =	wrdreg $0x120000  }
0xb1: {  	[dreg:$0x5] =	wrdreg $0x9  }
0xb2: {  	_ =	task.clear_ibuf [dreg:s7], $0x6FFFF;
	_ =	strace $0x90000049  }
0xb3: {  	s29 =	simm.s32 $0x9;
	_ =	strace $0x8000004B  }
0xb4: {  	_ =	swait.ge [sflag:s29], $0x1  }
0xb5: {  	[sflag:s29] =	ssyncadd.s32 $0xFFFFFFFF  }
0xb6: {  	_ =	strace $0x9000004B  }
0xb7: {  	_ =	sfence  }
0xb8: {  	s30 =	sld [smem:$0x0];
	_ =	sdelay $0x2  }
0xb9: {  	s31 =	sshll.u32 s1, $0xD;
	s1 =	sshrl.u32 s1, $0x2  }
0xba: {  	s3 =	sand.u32 $0x4000, s31;
	s1 =	sadd.s32 s1, s30  }
0xbb: {  	s0 =	sor.u32 s3, s0;
	s1 =	sshll.u32 s1, $0x11  }
0xbc: {  	s0 =	sor.u32 s1, s0  }
0xbd: {  	s0 =	sadd.s32 $0x8F2B, s0  }
0xbe: {  	[sflag:s0] =	ssyncadd.remote.s32 $0x1  }
0xbf: {  	_ =	sfence.sel $0xFFFF  }
0xc0: {  	[dreg:$0x0] =	wrdreg $0xFFFFFFFF;
	(pc) =	sbr.abs _section_cstart, $3  }
0xc1: {  	[dreg:$0x1] =	wrdreg $0xFFFFFFFF  }
0xc2: {  	_ =	task.clear_ibuf [dreg:s7], $0x2FFFF;
	_ =	strace $0x9FFFFFFF  }
0xc3: {  	(tm) =	ssettm $0x7FFFFFFF  }
tec
execute0_lowered:
.L_overlay_start_1:
0x0: {  	(tag) =	ssettag $0x1  }
0x1: {  	s1 =	rddreg [dreg:$0x0]  }
0x2: {  	s5 =	rddreg [dreg:$0x1];
	s0 =	stileid.u32  }
0x3: {  	s2 =	srdreg.scid;
	s3 =	rddreg [dreg:$0x2];
	s4 =	simm.s32 $0x0  }
0x4: {  	s16 =	simm.s32 $0x3;
	s17 =	simm.s32 $0x5000;
	s18 =	simm.s32 $0x80  }
0x5: {  	s19 =	simm.s32 $0x1;
	s20 =	simm.s32 $0xE000;
	s6 =	smul.u32 $0x140, s0  }
0x6: {  	s21 =	simm.s32 $0x2;
	s22 =	simm.s32 $0x4E80;
	s8 =	smul.u32 $0xA00, s0  }
0x7: {  	s23 =	simm.s32 $0x9E00;
	s26 =	simm.s32 $0x9E80;
	s29 =	smul.u32 $0x29000, s0  }
0x8: {  	s15 =	sand.u32 $0x1, s2;
	[smem:$0x7FF] =	sst s4;
	s11 =	smul.u32 $0x28000, s0  }
0x9: {  	s2 =	rddreg [dreg:$0x3];
	s7 =	smul.u32 $0x1400, s15;
	_ =	strace $0x8000004A  }
0xa: {  	s30 =	ssub.s32 $0x2, s15;
	v0 =	vmov s15;
	s15 =	simm.s32 $0xA000;
	s9 =	sadd.s32 s8, s5  }
0xb: {  	s10 =	sshrl.u32 s30, $0x1;
	s31 =	sshrl.u32 s11, $0x2;
	s6 =	sadd.s32 s6, s7  }
0xc: {  	s7 =	sshrl.u32 s29, $0x2;
	s14 =	ssub.s32 s30, s10;
	s8 =	sadd.s32 $0x35400, s9  }
0xd: {  	s9 =	sadd.s32 $0x3400, s9;
	s10 =	sadd.s32 s31, s3;
	s6 =	sshll.u32 s6, $0x4  }
0xe: {  	v0 =	vmul.u32 $0x1400, v0;
	s24 =	sadd.s32 $0x4000, s10;
	s25 =	sadd.s32 $0x8000, s10;
	s14 =	smax.u32 s14, $0x1  }
0xf: {  	s13 =	sadd.s32 s6, s5;
	s5 =	sadd.s32 s7, s3;
	s24 =	sshrl.u32 s24, $0x3  }
0x10: {  	v0 =	vbroadcast v0, $0x0;
	s25 =	sshrl.u32 s25, $0x3;
	s6 =	sadd.s32 $0x4000, s5;
	s7 =	sadd.s32 $0x8000, s5  }
0x11: {  	v1 =	vimm.f32 $0.0e+00;
	s11 =	sadd.s32 $0xD400, s13;
	s12 =	sadd.s32 $0xDC00, s13;
	s13 =	sadd.s32 $0xE400, s13  }
.LBB2_1:
0x12: {  	s28 =	simm.s32 $0x0;
	s29 =	simm.s32 $0x200  }
.LBB2_2:
0x13: {  	p0 =	sne.s32 s29, $0xFE00;
	[tilespmem:s28+$0xA070] =	vst v1  }
0x14: {  	[tilespmem:s28+$0xA000] =	vst v1  }
0x15: {  	[tilespmem:s28+$0xA010] =	vst v1  }
.Ltmp0:
0x16: {  	[tilespmem:s28+$0xA020] =	vst v1;
	(pc) =	sbr.rel @p0 .LBB2_2-.Ltmp0, $4  }
0x17: {  	[tilespmem:s28+$0xA030] =	vst v1  }
0x18: {  	[tilespmem:s28+$0xA040] =	vst v1  }
0x19: {  	[tilespmem:s28+$0xA050] =	vst v1  }
0x1a: {  	[tilespmem:s28+$0xA060] =	vst v1;
	s28 =	sshra.s32 s29, $0x2;
	s29 =	sadd.s32 $0x200, s29  }
0x1b: {  	[tilespmem:s28+$0xA070] =	vst v1  }
0x1c: {  	[tilespmem:s28+$0xA000] =	vst v1  }
0x1d: {  	[tilespmem:s28+$0xA010] =	vst v1  }
0x1e: {  	[tilespmem:s28+$0xA020] =	vst v1  }
0x1f: {  	[tilespmem:s28+$0xA030] =	vst v1  }
0x20: {  	[tilespmem:s28+$0xA040] =	vst v1  }
0x21: {  	[tilespmem:s28+$0xA050] =	vst v1  }
0x22: {  	[tilespmem:s28+$0xA060] =	vst v1  }
0x23: {  	[spmem:s5] =	stream.linear.scatter [tilespmem:s15], [sflag:$0x3], $0x4000, $0x38;
	[tilespmem:$0x1C400] =	vst v63  }
0x24: {  	_ =	swait.ge [sflag:s16], $0x4000  }
0x25: {  	[sflag:s16] =	ssyncset.done $0x0  }
0x26: {  	[sflag:s16] =	ssyncadd.s32 $0xFFFFC000  }
0x27: {  	[spmem:s6] =	stream.linear.scatter [tilespmem:s15], [sflag:$0x3], $0x4000, $0x38;
	[tilespmem:$0x1C400] =	vst v63  }
0x28: {  	_ =	swait.ge [sflag:s16], $0x4000  }
0x29: {  	[sflag:s16] =	ssyncset.done $0x0  }
0x2a: {  	[sflag:s16] =	ssyncadd.s32 $0xFFFFC000  }
0x2b: {  	[spmem:s7] =	stream.linear.scatter [tilespmem:s15], [sflag:$0x3], $0x2400, $0x38;
	[tilespmem:$0x1C400] =	vst v63  }
0x2c: {  	_ =	swait.ge [sflag:s16], $0x2400  }
0x2d: {  	[sflag:s16] =	ssyncset.done $0x0  }
0x2e: {  	s28 =	simm.s32 $0x0;
	[sflag:s16] =	ssyncadd.s32 $0xFFFFDC00  }
0x2f: {  	[tilespmem:s28], [sflag:$0x3] =	stream.linear.gather [hbm4b:s8+s28], $0x4F00, $0x38;
	[tilespmem:$0x1C400] =	vst v63  }
0x30: {  	_ =	swait.ge [sflag:s16], $0x4F00  }
0x31: {  	[sflag:s16] =	ssyncset.done $0x0  }
0x32: {  	[sflag:s16] =	ssyncadd.s32 $0xFFFFB100  }
0x33: {  	[tilespmem:s17], [sflag:$0x3] =	stream.linear.gather [hbm4b:s9+s28], $0x4F00, $0x38;
	[tilespmem:$0x1C400] =	vst v63  }
0x34: {  	_ =	swait.ge [sflag:s16], $0x4F00  }
0x35: {  	[sflag:s16] =	ssyncset.done $0x0  }
0x36: {  	s28 =	simm.s32 $0x0;
	[sflag:s16] =	ssyncadd.s32 $0xFFFFB100  }
0x37: {  	v3 =	vld [tilespmem:s28+$0x5000]  }
0x38: {  	v4 =	vld [tilespmem:s28+$0x5010]  }
0x39: {  	v6 =	vld [tilespmem:s28+$0x5020]  }
0x3a: {  	v5 =	vld [tilespmem:s28+$0x5030]  }
0x3b: {  	v2 =	vld [tilespmem:s28+$0x5040]  }
0x3c: {  	v7 =	vsub.s32 v3, v0;
	v3 =	vld [tilespmem:s28+$0x5050]  }
0x3d: {  	s29 =	simm.s32 $0x200;
	v8 =	vsub.s32 v4, v0;
	v4 =	vld [tilespmem:s28+$0x5060];
	v7 =	vmin.u32 v7, $0x1400  }
.LBB2_4:
0x3e: {  	s30 =	sshra.s32 s29, $0x2;
	p0 =	sne.s32 s29, $0x13A00;
	[tilespmem:s28+$0x5000] =	vst v7;
	v7 =	vmin.u32 v8, $0x1400;
	v6 =	vsub.s32 v6, v0;
	v8 =	vld [tilespmem:s28+$0x5070]  }
0x3f: {  	v9 =	vld [tilespmem:s30+$0x5000];
	[tilespmem:s28+$0x5010] =	vst v7;
	v6 =	vmin.u32 v6, $0x1400;
	v5 =	vsub.s32 v5, v0  }
0x40: {  	v10 =	vld [tilespmem:s30+$0x5010];
	[tilespmem:s28+$0x5020] =	vst v6;
	v5 =	vmin.u32 v5, $0x1400;
	v2 =	vsub.s32 v2, v0  }
.Ltmp1:
0x41: {  	v6 =	vld [tilespmem:s30+$0x5020];
	[tilespmem:s28+$0x5030] =	vst v5;
	v2 =	vmin.u32 v2, $0x1400;
	v3 =	vsub.s32 v3, v0;
	(pc) =	sbr.rel @p0 .LBB2_4-.Ltmp1, $4  }
0x42: {  	v5 =	vld [tilespmem:s30+$0x5030];
	[tilespmem:s28+$0x5040] =	vst v2;
	v3 =	vmin.u32 v3, $0x1400;
	v4 =	vsub.s32 v4, v0  }
0x43: {  	v2 =	vld [tilespmem:s30+$0x5040];
	[tilespmem:s28+$0x5050] =	vst v3;
	v4 =	vmin.u32 v4, $0x1400;
	v7 =	vsub.s32 v8, v0  }
0x44: {  	v8 =	vsub.s32 v9, v0;
	v3 =	vld [tilespmem:s30+$0x5050];
	[tilespmem:s28+$0x5060] =	vst v4;
	v9 =	vmin.u32 v7, $0x1400  }
0x45: {  	s29 =	sadd.s32 $0x200, s29;
	v7 =	vmin.u32 v8, $0x1400;
	v8 =	vsub.s32 v10, v0;
	v4 =	vld [tilespmem:s30+$0x5060];
	[tilespmem:s28+$0x5070] =	vst v9;
	s28 =	smov.u32 s30  }
0x46: {  	[tilespmem:s28+$0x5000] =	vst v7;
	v62 =	vmin.u32 v8, $0x1400;
	v6 =	vsub.s32 v6, v0;
	v63 =	vld [tilespmem:s28+$0x5070]  }
0x47: {  	[tilespmem:s28+$0x5010] =	vst v62;
	v6 =	vmin.u32 v6, $0x1400;
	v5 =	vsub.s32 v5, v0  }
0x48: {  	[tilespmem:s28+$0x5020] =	vst v6;
	v5 =	vmin.u32 v5, $0x1400;
	v2 =	vsub.s32 v2, v0  }
0x49: {  	[tilespmem:s28+$0x5030] =	vst v5;
	v2 =	vmin.u32 v2, $0x1400;
	v3 =	vsub.s32 v3, v0  }
0x4a: {  	[tilespmem:s28+$0x5040] =	vst v2;
	v2 =	vmin.u32 v3, $0x1400;
	v3 =	vsub.s32 v4, v0  }
0x4b: {  	[tilespmem:s28+$0x5050] =	vst v2;
	v2 =	vmin.u32 v3, $0x1400;
	v3 =	vsub.s32 v63, v0  }
0x4c: {  	[tilespmem:s28+$0x5060] =	vst v2;
	v2 =	vmin.u32 v3, $0x1400  }
0x4d: {  	[tilespmem:s28+$0x5070] =	vst v2  }
0x4e: {  	s28 =	simm.s32 $0x0;
	[bflag:$0x0] =	sbarrier.arrive $0xFFFF  }
0x4f: {  	[tilespmem:s15], [sflag:$0x1] =	stream.indirect.gather [hbm4b:s1+s18], $0x80, s28, s18, $0xb8;
	[tilespmem:$0x1C400] =	vst v63  }
0x50: {  	_ =	swait.ge [sflag:s19], $0x4000  }
0x51: {  	[sflag:s19] =	ssyncset.done $0x0  }
0x52: {  	s28 =	simm.s32 $0x80;
	[sflag:s19] =	ssyncadd.s32 $0xFFFFC000  }
0x53: {  	[tilespmem:s20], [sflag:$0x2] =	stream.indirect.gather [hbm4b:s1+s18], $0x80, s28, s18, $0xb8;
	[tilespmem:$0x1C400] =	vst v63  }
0x54: {  	s28 =	simm.s32 $0x5000  }
0x55: {  	[spmem:s3] =	stream.indirect.scatter.add.f32 [tilespmem:s15], [sflag:$0x3], $0x80, s28, s18, $0xb8;
	[tilespmem:$0x1C400] =	vst v63  }
0x56: {  	_ =	swait.ge [sflag:s16], $0x4000  }
0x57: {  	[sflag:s16] =	ssyncset.done $0x0  }
0x58: {  	[sflag:s16] =	ssyncadd.s32 $0xFFFFC000  }
0x59: {  	_ =	swait.ge [sflag:s21], $0x4000  }
0x5a: {  	[sflag:s21] =	ssyncset.done $0x0  }
0x5b: {  	s28 =	simm.s32 $0x100;
	[sflag:s21] =	ssyncadd.s32 $0xFFFFC000  }
0x5c: {  	[tilespmem:s15], [sflag:$0x1] =	stream.indirect.gather [hbm4b:s1+s18], $0x80, s28, s18, $0xb8;
	[tilespmem:$0x1C400] =	vst v63  }
0x5d: {  	s28 =	simm.s32 $0x5080  }
0x5e: {  	[spmem:s3] =	stream.indirect.scatter.add.f32 [tilespmem:s20], [sflag:$0x3], $0x80, s28, s18, $0xb8;
	[tilespmem:$0x1C400] =	vst v63  }
0x5f: {  	_ =	swait.ge [sflag:s16], $0x4000  }
0x60: {  	s28 =	simm.s32 $0x400;
	[sflag:s16] =	ssyncset.done $0x0  }
.LBB2_6:
0x61: {  	p0 =	sne.s32 s28, $0x13400  }
0x62: {  	[sflag:s16] =	ssyncadd.s32 $0xFFFFC000;
	s29 =	smov.u32 s28;
	s28 =	sadd.s32 $0x400, s28  }
0x63: {  	_ = 	snop  }
0x64: {  	_ =	swait.ge [sflag:s19], $0x4000  }
0x65: {  	s29 =	sshra.s32 s29, $0x2;
	[sflag:s19] =	ssyncset.done $0x0  }
0x66: {  	s30 =	sadd.s32 $0x80, s29;
	[sflag:s19] =	ssyncadd.s32 $0xFFFFC000  }
0x67: {  	[tilespmem:s20], [sflag:$0x2] =	stream.indirect.gather [hbm4b:s1+s18], $0x80, s30, s18, $0xb8;
	[tilespmem:$0x1C400] =	vst v63  }
0x68: {  	s30 =	sadd.s32 $0x5000, s29  }
0x69: {  	[spmem:s3] =	stream.indirect.scatter.add.f32 [tilespmem:s15], [sflag:$0x3], $0x80, s30, s18, $0xb8;
	[tilespmem:$0x1C400] =	vst v63  }
0x6a: {  	_ =	swait.ge [sflag:s16], $0x4000  }
0x6b: {  	[sflag:s16] =	ssyncset.done $0x0  }
0x6c: {  	[sflag:s16] =	ssyncadd.s32 $0xFFFFC000  }
0x6d: {  	_ =	swait.ge [sflag:s21], $0x4000  }
0x6e: {  	[sflag:s21] =	ssyncset.done $0x0  }
0x6f: {  	s30 =	sadd.s32 $0x100, s29;
	[sflag:s21] =	ssyncadd.s32 $0xFFFFC000  }
0x70: {  	[tilespmem:s15], [sflag:$0x1] =	stream.indirect.gather [hbm4b:s1+s18], $0x80, s30, s18, $0xb8;
	[tilespmem:$0x1C400] =	vst v63  }
.Ltmp2:
0x71: {  	_ = 	snop;
	(pc) =	sbr.rel @p0 .LBB2_6-.Ltmp2, $4  }
0x72: {  	s29 =	sadd.s32 $0x5080, s29  }
0x73: {  	[spmem:s3] =	stream.indirect.scatter.add.f32 [tilespmem:s20], [sflag:$0x3], $0x80, s29, s18, $0xb8;
	[tilespmem:$0x1C400] =	vst v63  }
0x74: {  	_ =	swait.ge [sflag:s16], $0x4000  }
0x75: {  	[sflag:s16] =	ssyncset.done $0x0  }
0x76: {  	[sflag:s16] =	ssyncadd.s32 $0xFFFFC000  }
0x77: {  	_ =	swait.ge [sflag:s19], $0x4000  }
0x78: {  	[sflag:s19] =	ssyncset.done $0x0  }
0x79: {  	[sflag:s19] =	ssyncadd.s32 $0xFFFFC000  }
0x7a: {  	[tilespmem:s20], [sflag:$0x2] =	stream.indirect.gather [hbm4b:s1+s18], $0x80, s22, s18, $0xb8;
	[tilespmem:$0x1C400] =	vst v63  }
0x7b: {  	_ = 	snop  }
0x7c: {  	[spmem:s3] =	stream.indirect.scatter.add.f32 [tilespmem:s15], [sflag:$0x3], $0x80, s23, s18, $0xb8;
	[tilespmem:$0x1C400] =	vst v63  }
0x7d: {  	_ =	swait.ge [sflag:s16], $0x4000  }
0x7e: {  	[sflag:s16] =	ssyncset.done $0x0  }
0x7f: {  	[sflag:s16] =	ssyncadd.s32 $0xFFFFC000  }
0x80: {  	_ =	swait.ge [sflag:s21], $0x4000  }
0x81: {  	[sflag:s21] =	ssyncset.done $0x0  }
0x82: {  	[sflag:s21] =	ssyncadd.s32 $0xFFFFC000  }
0x83: {  	[spmem:s3] =	stream.indirect.scatter.add.f32 [tilespmem:s20], [sflag:$0x3], $0x80, s26, s18, $0xb8;
	[tilespmem:$0x1C400] =	vst v63  }
0x84: {  	_ =	swait.ge [sflag:s16], $0x4000  }
0x85: {  	[sflag:s16] =	ssyncset.done $0x0  }
0x86: {  	s28 =	sshll.u32 s0, $0x6;
	[sflag:s16] =	ssyncadd.s32 $0xFFFFC000  }
0x87: {  	s29 =	sshrl.u32 s10, $0x3;
	s28 =	sor.u32 $0x1C03, s28;
	[bflag:$0x0] =	sbarrier.arrive $0xFFFF  }
0x88: {  	[hbm:s11], [sflag:s28] =	dma.local [spmem:s29], $0x800  }
0x89: {  	_ =	swait.ge [sflag:s16], $0x800  }
0x8a: {  	[sflag:s16] =	ssyncset.done $0x0  }
0x8b: {  	[sflag:s16] =	ssyncadd.s32 $0xFFFFF800  }
0x8c: {  	[hbm:s12], [sflag:s28] =	dma.local [spmem:s24], $0x800  }
0x8d: {  	s4 =	sadd.s32 $0x1, s4;
	_ =	swait.ge [sflag:s16], $0x800  }
0x8e: {  	p0 =	sne.s32 s4, s14;
	[sflag:s16] =	ssyncset.done $0x0  }
.Ltmp3:
0x8f: {  	[sflag:s16] =	ssyncadd.s32 $0xFFFFF800;
	(pc) =	sbr.rel @p0 .LBB2_1-.Ltmp3, $4  }
0x90: {  	[hbm:s13], [sflag:s28] =	dma.local [spmem:s25], $0x400  }
0x91: {  	_ =	swait.ge [sflag:s16], $0x400  }
0x92: {  	[sflag:s16] =	ssyncset.done $0x0  }
0x93: {  	[sflag:s16] =	ssyncadd.s32 $0xFFFFFC00  }
0x94: {  	_ =	sfence.sel $0x180000  }
0x95: {  	[bflag:$0x0] =	sbarrier.arrive $0xFFFF  }
0x96: {  	p0 =	sne.s32 s0, $0x0;
	_ =	strace $0x9000004A  }
0x97: {  	s0 =	sadd.s32 @!p0 $0x100000, s2;
	[bflag:$0x2] =	sbarrier.arrive $0xFFFF  }
0x98: {  	[sflag:s0] =	ssyncadd.tile.s32 @!p0 $0x1;
	_ =	shalt  }
.Lfunc_end2:
_tile_overlayer_lowered:
.L_overlay_start_2:
0x99: {  	(tag) =	ssettag $0x2  }
0x9a: {  	s0 =	rddreg [dreg:$0x0];
	s2 =	stileid.u32  }
0x9b: {  	s1 =	rddreg [dreg:$0x1];
	p0 =	sne.s32 s2, $0x0  }
0x9c: {  	s3 =	rddreg [dreg:$0x2];
	[bflag:$0x3] =	sbarrier.arrive $0xFFFF;
	s2 =	simm.s32 @!p0 $0x1C03  }
0x9d: {  	[timem:s3], [sflag:s2] =	dma.local @!p0 [hbm:s0], s1  }
0x9e: {  	s0 =	simm.s32 @!p0 $0x3  }
0x9f: {  	_ =	swait.ge @!p0 [sflag:s0], s1  }
0xa0: {  	s1 =	ssub.s32 @!p0 $0x0, s1;
	[sflag:s0] =	ssyncset.done @!p0 $0x0  }
0xa1: {  	[sflag:s0] =	ssyncadd.s32 @!p0 s1  }
0xa2: {  	[bflag:$0x3] =	sbarrier.arrive $0xFFFF  }
0xa3: {  	_ =	shalt  }

// kernel: kernel.16.cloned.1.call-start
scs
__scs_entry_jumppad:
0x0: {  	(pc) =	sbr.rel $0x88, $3  }
0x1: {  	(tag) =	ssettag $0x0;
	lr =	simm.s32 $0x1  }
0x2: {  	[smem:$0x3F99] =	sst lr;
	_ =	strace $0xD0000000  }
0x3: {  	_ = 	snop  }
0x4: {  	_ = 	snop  }
0x5: {  	_ = 	snop  }
0x6: {  	_ = 	snop  }
0x7: {  	_ = 	snop  }
__scs_overlays_trampoline_lowered:
0x8: {  	[smem:$0x3FA8] =	sst s0  }
0x9: {  	[smem:$0x3FA9] =	sst s1  }
0xa: {  	[smem:$0x3FAA] =	sst s2  }
0xb: {  	[smem:$0x3FAB] =	sst s3  }
0xc: {  	[smem:$0x3FAC] =	sst s4  }
0xd: {  	[smem:$0x3FAD] =	sst s5  }
0xe: {  	[smem:$0x3FAE] =	sst s6  }
0xf: {  	[smem:$0x3FAF] =	sst s7  }
0x10: {  	[smem:$0x3FB0] =	sst s8  }
0x11: {  	[smem:$0x3FB1] =	sst s9;
	s0 =	simm.s32 @!p0 $0x0  }
0x12: {  	s1 =	sld [smem:$0x3F97];
	s0 =	simm.s32 @p0 $0x1  }
0x13: {  	[smem:$0x3FB2] =	sst s0;
	s0 =	simm.s32 @!p1 $0x0  }
0x14: {  	s2 =	sld [smem:$0x3F96];
	s0 =	simm.s32 @p1 $0x1  }
0x15: {  	[smem:$0x3FB3] =	sst s0;
	s0 =	simm.s32 @!p2 $0x0  }
0x16: {  	s3 =	sld [smem:$0x3FDB];
	s0 =	simm.s32 @p2 $0x1  }
0x17: {  	s4 =	simm.s32 $0x1BF5;
	[smem:$0x3FB5] =	sst s0  }
0x18: {  	s0 =	sld [smem:$0x3F98];
	_ =	swait.ge [sflag:s4], $0x0  }
0x19: {  	s7 =	sld [smem:$0x3F99]  }
0x1a: {  	s8 =	sadd.s32 $0xFFFFE003, lr  }
0x1b: {  	s9 =	sadd.s32 $0xFFFFFEF7, lr;
	s5 =	simm.s32 $0xFFFFFFFF;
	p2 =	slt.u32 s8, $0xFFFFF086  }
0x1c: {  	p1 =	slt.u32 s9, $0xF7A;
	s5 =	simm.s32 @!p2 $0x0  }
0x1d: {  	s5 =	simm.s32 @p1 $0x1;
	p0 =	seq.s32 s7, s2  }
0x1e: {  	s7 =	smul.u32 @!p0 $0xF7A, s2;
	p2 =	seq.s32 @!p0 s5, $0x0  }
0x1f: {  	s9 =	smul.u32 $0xF7A, s1;
	s8 =	simm.s32 @!p0 $0x1BF5;
	p2 =	por !p2, p0  }
0x20: {  	[sflag:s8] =	ssyncset.s32 @!p0 $0xFFFFF086;
	s6 =	sadd.s32 @!p0 s3, s7;
	s7 =	simm.s32 @!p0 $0x108  }
0x21: {  	s3 =	sadd.s32 s3, s9;
	s6 =	sadd.s32 @!p0 $0x88, s6;
	s7 =	simm.s32 @p2 $0x1082  }
0x22: {  	[simem:s7], [sflag:s8] =	dma.local @!p0 [hbm:s6], $0xF7A  }
0x23: {  	s9 =	sor.u32 $0xD0000000, s2;
	s6 =	simm.s32 $0x108;
	_ =	swait.ge @!p0 [sflag:s8], $0x0  }
0x24: {  	s3 =	sadd.s32 $0x88, s3;
	s6 =	simm.s32 @!p1 $0x1082;
	[sflag:s4] =	ssyncset.s32 $0xFFFFF086  }
0x25: {  	[simem:s6], [sflag:s4] =	dma.local [hbm:s3], $0xF7A  }
0x26: {  	[smem:$0x3F99] =	sst s1;
	(tag) =	ssettag s2;
	_ =	strace s9  }
0x27: {  	s1 =	sld [smem:$0x3FA9]  }
0x28: {  	s2 =	sld [smem:$0x3FAA]  }
0x29: {  	s4 =	sld [smem:$0x3FAC]  }
0x2a: {  	p0 =	seq.s32 s5, $0x0;
	s5 =	sld [smem:$0x3FAD]  }
0x2b: {  	s6 =	sld [smem:$0x3FAE]  }
0x2c: {  	s7 =	sld [smem:$0x3FAF]  }
0x2d: {  	s3 =	simm.s32 $0x108;
	s8 =	sld [smem:$0x3FB0]  }
0x2e: {  	s3 =	simm.s32 @!p0 $0x1082;
	s9 =	sld [smem:$0x3FB1]  }
0x2f: {  	lr =	sadd.s32 s0, s3;
	s0 =	sld [smem:$0x3FA8]  }
0x30: {  	s3 =	sld [smem:$0x3FAB]  }
0x31: {  	[smem:$0x3FB4] =	sst s10  }
0x32: {  	s10 =	sld [smem:$0x3FB2];
	_ =	sdelay $0x3  }
0x33: {  	p0 =	seq.s32 s10, $0x1;
	s10 =	sld [smem:$0x3FB4];
	_ =	sdelay $0x3  }
0x34: {  	[smem:$0x3FB4] =	sst s10  }
0x35: {  	s10 =	sld [smem:$0x3FB3];
	_ =	sdelay $0x3  }
0x36: {  	p1 =	seq.s32 s10, $0x1;
	s10 =	sld [smem:$0x3FB4];
	_ =	sdelay $0x3  }
0x37: {  	[smem:$0x3FB4] =	sst s10  }
0x38: {  	s10 =	sld [smem:$0x3FB5]  }
0x39: {  	_ = 	snop;
	(pc) =	sbr.ind lr, $3  }
0x3a: {  	_ = 	snop  }
0x3b: {  	_ = 	snop  }
0x3c: {  	p2 =	seq.s32 s10, $0x1;
	s10 =	sld [smem:$0x3FB4]  }
0x3d: {  	_ =	shalt  }
0x3e: {  	_ =	shalt  }
0x3f: {  	_ =	shalt  }
0x40: {  	_ =	shalt  }
0x41: {  	_ =	shalt  }
0x42: {  	_ =	shalt  }
0x43: {  	_ =	shalt  }
0x44: {  	_ =	shalt  }
0x45: {  	_ =	shalt  }
0x46: {  	_ =	shalt  }
0x47: {  	_ =	shalt  }
0x48: {  	_ =	shalt  }
0x49: {  	_ =	shalt  }
0x4a: {  	_ =	shalt  }
0x4b: {  	_ =	shalt  }
0x4c: {  	_ =	shalt  }
0x4d: {  	_ =	shalt  }
0x4e: {  	_ =	shalt  }
0x4f: {  	_ =	shalt  }
0x50: {  	_ =	shalt  }
0x51: {  	_ =	shalt  }
0x52: {  	_ =	shalt  }
0x53: {  	_ =	shalt  }
0x54: {  	_ =	shalt  }
0x55: {  	_ =	shalt  }
0x56: {  	_ =	shalt  }
0x57: {  	_ =	shalt  }
0x58: {  	_ =	shalt  }
0x59: {  	_ =	shalt  }
0x5a: {  	_ =	shalt  }
0x5b: {  	_ =	shalt  }
0x5c: {  	_ =	shalt  }
0x5d: {  	_ =	shalt  }
0x5e: {  	_ =	shalt  }
0x5f: {  	_ =	shalt  }
0x60: {  	_ =	shalt  }
0x61: {  	_ =	shalt  }
0x62: {  	_ =	shalt  }
0x63: {  	_ =	shalt  }
0x64: {  	_ =	shalt  }
0x65: {  	_ =	shalt  }
0x66: {  	_ =	shalt  }
0x67: {  	_ =	shalt  }
0x68: {  	_ =	shalt  }
0x69: {  	_ =	shalt  }
0x6a: {  	_ =	shalt  }
0x6b: {  	_ =	shalt  }
0x6c: {  	_ =	shalt  }
0x6d: {  	_ =	shalt  }
0x6e: {  	_ =	shalt  }
0x6f: {  	_ =	shalt  }
0x70: {  	_ =	shalt  }
0x71: {  	_ =	shalt  }
0x72: {  	_ =	shalt  }
0x73: {  	_ =	shalt  }
0x74: {  	_ =	shalt  }
0x75: {  	_ =	shalt  }
0x76: {  	_ =	shalt  }
0x77: {  	_ =	shalt  }
0x78: {  	_ =	shalt  }
0x79: {  	_ =	shalt  }
0x7a: {  	_ =	shalt  }
0x7b: {  	_ =	shalt  }
0x7c: {  	_ =	shalt  }
0x7d: {  	_ =	shalt  }
0x7e: {  	_ =	shalt  }
0x7f: {  	_ =	shalt  }
0x80: {  	_ =	shalt  }
0x81: {  	_ =	shalt  }
0x82: {  	_ =	shalt  }
0x83: {  	_ =	shalt  }
0x84: {  	_ =	shalt  }
0x85: {  	_ =	shalt  }
0x86: {  	_ =	shalt  }
0x87: {  	_ =	shalt  }
.Lfunc_end0:
.L_simem_size_0:
called_computation.2_lowered:
.L_overlay_start_0:
0x88: {  	s2 =	sld [smem:$0x3FD9]  }
0x89: {  	s3 =	sld [smem:$0x3FFE];
	_ =	sdelay $0x1  }
0x8a: {  	s1 =	srdreg.scid  }
0x8b: {  	s0 =	sand.u32 $0x1, s1  }
0x8c: {  	s17 =	sshll.u32 s0, $0xA;
	s2 =	sadd.s32 s3, s2  }
0x8d: {  	s2 =	sadd.s32 s2, s17  }
0x8e: {  	[smem:$0x3FC0] =	sst s2  }
0x8f: {  	_ = 	snop  }
0x90: {  	s2 =	sld [smem:$0x3FD0];
	(tm) =	ssettm $0x1  }
0x91: {  	s18 =	sld [smem:$0x3FFB];
	_ =	sdelay $0x3  }
0x92: {  	_ =	strace s18  }
0x93: {  	s3 =	sld [smem:$0x3FFC];
	_ =	sdelay $0x3  }
0x94: {  	_ =	strace s3  }
0x95: {  	s3 =	sld [smem:$0x3FFD];
	_ =	sdelay $0x3  }
0x96: {  	_ =	strace s3  }
0x97: {  	_ =	strace $0x8FFFFFFF  }
0x98: {  	s19 =	sld [smem:$0x3FDB];
	_ =	sdelay $0x1  }
0x99: {  	s4 =	simm.s32 $_scs_section_size  }
0x9a: {  	s5 =	simm.s32 $_size__tile_overlayer_lowered;
	s6 =	simm.s32 $_tile_overlayer_lowered  }
0x9b: {  	s22 =	simm.s32 $0x1BFF;
	s21 =	sshll.u32 s6, $0x1;
	s3 =	sadd.s32 s4, s19  }
0x9c: {  	s7 =	simm.s32 $0x0;
	s20 =	sshll.u32 s5, $0x1;
	s5 =	sadd.s32 s21, s3  }
0x9d: {  	[timem:s7], [sflag:s22] =	dma.local [hbm:s5], s20  }
0x9e: {  	_ =	swait.ge [sflag:s22], s20  }
0x9f: {  	s4 =	ssub.s32 $0x0, s20;
	[sflag:s22] =	ssyncset.done $0x0  }
0xa0: {  	[sflag:s22] =	ssyncadd.s32 s4;
	_ =	sdelay $0x1  }
0xa1: {  	s23 =	simm.s32 $0x1B8B  }
0xa2: {  	_ =	swait.ge [sflag:s23], $0x1  }
0xa3: {  	[sflag:s23] =	ssyncset.done $0x0  }
0xa4: {  	s25 =	simm.s32 $0x1B8E;
	s24 =	sld [smem:$0x3FFE];
	[sflag:s23] =	ssyncadd.s32 $0xFFFFFFFF  }
0xa5: {  	s26 =	simm.s32 $execute0_lowered;
	[smem:$0x3FD2] =	sst s25  }
0xa6: {  	s5 =	sshll.u32 s26, $0x1;
	_ =	strace $0x8000004C;
	[dreg:$0x1] =	wrdreg $0xFFFFFFFF  }
0xa7: {  	s28 =	simm.s32 $_size_execute0_lowered;
	s3 =	sadd.s32 s3, s5;
	[dreg:$0x0] =	wrdreg $0x0  }
0xa8: {  	s5 =	sshll.u32 s28, $0x1;
	[dreg:$0x2] =	wrdreg s3  }
0xa9: {  	[dreg:$0x3] =	wrdreg s5  }
0xaa: {  	[dreg:$0x4] =	wrdreg $0xC0  }
0xab: {  	_ =	task [dreg:s7], $0x5FFFF  }
0xac: {  	[dreg:$0x1] =	wrdreg $0xFFFFFFFF  }
0xad: {  	[dreg:$0x0] =	wrdreg $0x60  }
0xae: {  	[dreg:$0x2] =	wrdreg s2  }
0xaf: {  	[dreg:$0x3] =	wrdreg s24  }
0xb0: {  	[dreg:$0x4] =	wrdreg $0x120000  }
0xb1: {  	[dreg:$0x5] =	wrdreg $0x9  }
0xb2: {  	_ =	task.clear_ibuf [dreg:s7], $0x6FFFF;
	_ =	strace $0x9000004C  }
0xb3: {  	s29 =	simm.s32 $0x9;
	_ =	strace $0x8000004E  }
0xb4: {  	_ =	swait.ge [sflag:s29], $0x1  }
0xb5: {  	[sflag:s29] =	ssyncadd.s32 $0xFFFFFFFF  }
0xb6: {  	_ =	strace $0x9000004E  }
0xb7: {  	_ =	sfence  }
0xb8: {  	s30 =	sld [smem:$0x0];
	_ =	sdelay $0x2  }
0xb9: {  	s31 =	sshll.u32 s1, $0xD;
	s1 =	sshrl.u32 s1, $0x2  }
0xba: {  	s3 =	sand.u32 $0x4000, s31;
	s1 =	sadd.s32 s1, s30  }
0xbb: {  	s0 =	sor.u32 s3, s0;
	s1 =	sshll.u32 s1, $0x11  }
0xbc: {  	s0 =	sor.u32 s1, s0  }
0xbd: {  	s0 =	sadd.s32 $0x8F2B, s0  }
0xbe: {  	[sflag:s0] =	ssyncadd.remote.s32 $0x1  }
0xbf: {  	_ =	sfence.sel $0xFFFF  }
0xc0: {  	[dreg:$0x0] =	wrdreg $0xFFFFFFFF;
	(pc) =	sbr.abs _section_cstart, $3  }
0xc1: {  	[dreg:$0x1] =	wrdreg $0xFFFFFFFF  }
0xc2: {  	_ =	task.clear_ibuf [dreg:s7], $0x2FFFF;
	_ =	strace $0x9FFFFFFF  }
0xc3: {  	(tm) =	ssettm $0x7FFFFFFF  }
tec
execute0_lowered:
.L_overlay_start_1:
0x0: {  	(tag) =	ssettag $0x1  }
0x1: {  	s1 =	rddreg [dreg:$0x0]  }
0x2: {  	s5 =	rddreg [dreg:$0x1];
	s0 =	stileid.u32  }
0x3: {  	s2 =	srdreg.scid;
	s3 =	rddreg [dreg:$0x2];
	s4 =	simm.s32 $0x0  }
0x4: {  	s16 =	simm.s32 $0x3;
	s17 =	simm.s32 $0x5000;
	s18 =	simm.s32 $0x80  }
0x5: {  	s19 =	simm.s32 $0x1;
	s20 =	simm.s32 $0xE000;
	s6 =	smul.u32 $0x140, s0  }
0x6: {  	s21 =	simm.s32 $0x2;
	s22 =	simm.s32 $0x4E80;
	s8 =	smul.u32 $0xA00, s0  }
0x7: {  	s23 =	simm.s32 $0x9E00;
	s26 =	simm.s32 $0x9E80;
	s29 =	smul.u32 $0x29000, s0  }
0x8: {  	s15 =	sand.u32 $0x1, s2;
	[smem:$0x7FF] =	sst s4;
	s11 =	smul.u32 $0x28000, s0  }
0x9: {  	s2 =	rddreg [dreg:$0x3];
	s7 =	smul.u32 $0x1400, s15;
	_ =	strace $0x8000004D  }
0xa: {  	s30 =	ssub.s32 $0x2, s15;
	v0 =	vmov s15;
	s15 =	simm.s32 $0xA000;
	s9 =	sadd.s32 s8, s5  }
0xb: {  	s10 =	sshrl.u32 s30, $0x1;
	s31 =	sshrl.u32 s11, $0x2;
	s6 =	sadd.s32 s6, s7  }
0xc: {  	s7 =	sshrl.u32 s29, $0x2;
	s14 =	ssub.s32 s30, s10;
	s8 =	sadd.s32 $0x35400, s9  }
0xd: {  	s9 =	sadd.s32 $0x3400, s9;
	s10 =	sadd.s32 s31, s3;
	s6 =	sshll.u32 s6, $0x4  }
0xe: {  	v0 =	vmul.u32 $0x1400, v0;
	s24 =	sadd.s32 $0x4000, s10;
	s25 =	sadd.s32 $0x8000, s10;
	s14 =	smax.u32 s14, $0x1  }
0xf: {  	s13 =	sadd.s32 s6, s5;
	s5 =	sadd.s32 s7, s3;
	s24 =	sshrl.u32 s24, $0x3  }
0x10: {  	v0 =	vbroadcast v0, $0x0;
	s25 =	sshrl.u32 s25, $0x3;
	s6 =	sadd.s32 $0x4000, s5;
	s7 =	sadd.s32 $0x8000, s5  }
0x11: {  	v1 =	vimm.f32 $0.0e+00;
	s11 =	sadd.s32 $0xD400, s13;
	s12 =	sadd.s32 $0xDC00, s13;
	s13 =	sadd.s32 $0xE400, s13  }
.LBB2_1:
0x12: {  	s28 =	simm.s32 $0x0;
	s29 =	simm.s32 $0x200  }
.LBB2_2:
0x13: {  	p0 =	sne.s32 s29, $0xFE00;
	[tilespmem:s28+$0xA070] =	vst v1  }
0x14: {  	[tilespmem:s28+$0xA000] =	vst v1  }
0x15: {  	[tilespmem:s28+$0xA010] =	vst v1  }
.Ltmp0:
0x16: {  	[tilespmem:s28+$0xA020] =	vst v1;
	(pc) =	sbr.rel @p0 .LBB2_2-.Ltmp0, $4  }
0x17: {  	[tilespmem:s28+$0xA030] =	vst v1  }
0x18: {  	[tilespmem:s28+$0xA040] =	vst v1  }
0x19: {  	[tilespmem:s28+$0xA050] =	vst v1  }
0x1a: {  	[tilespmem:s28+$0xA060] =	vst v1;
	s28 =	sshra.s32 s29, $0x2;
	s29 =	sadd.s32 $0x200, s29  }
0x1b: {  	[tilespmem:s28+$0xA070] =	vst v1  }
0x1c: {  	[tilespmem:s28+$0xA000] =	vst v1  }
0x1d: {  	[tilespmem:s28+$0xA010] =	vst v1  }
0x1e: {  	[tilespmem:s28+$0xA020] =	vst v1  }
0x1f: {  	[tilespmem:s28+$0xA030] =	vst v1  }
0x20: {  	[tilespmem:s28+$0xA040] =	vst v1  }
0x21: {  	[tilespmem:s28+$0xA050] =	vst v1  }
0x22: {  	[tilespmem:s28+$0xA060] =	vst v1  }
0x23: {  	[spmem:s5] =	stream.linear.scatter [tilespmem:s15], [sflag:$0x3], $0x4000, $0x38;
	[tilespmem:$0x1C400] =	vst v63  }
0x24: {  	_ =	swait.ge [sflag:s16], $0x4000  }
0x25: {  	[sflag:s16] =	ssyncset.done $0x0  }
0x26: {  	[sflag:s16] =	ssyncadd.s32 $0xFFFFC000  }
0x27: {  	[spmem:s6] =	stream.linear.scatter [tilespmem:s15], [sflag:$0x3], $0x4000, $0x38;
	[tilespmem:$0x1C400] =	vst v63  }
0x28: {  	_ =	swait.ge [sflag:s16], $0x4000  }
0x29: {  	[sflag:s16] =	ssyncset.done $0x0  }
0x2a: {  	[sflag:s16] =	ssyncadd.s32 $0xFFFFC000  }
0x2b: {  	[spmem:s7] =	stream.linear.scatter [tilespmem:s15], [sflag:$0x3], $0x2400, $0x38;
	[tilespmem:$0x1C400] =	vst v63  }
0x2c: {  	_ =	swait.ge [sflag:s16], $0x2400  }
0x2d: {  	[sflag:s16] =	ssyncset.done $0x0  }
0x2e: {  	s28 =	simm.s32 $0x0;
	[sflag:s16] =	ssyncadd.s32 $0xFFFFDC00  }
0x2f: {  	[tilespmem:s28], [sflag:$0x3] =	stream.linear.gather [hbm4b:s8+s28], $0x4F00, $0x38;
	[tilespmem:$0x1C400] =	vst v63  }
0x30: {  	_ =	swait.ge [sflag:s16], $0x4F00  }
0x31: {  	[sflag:s16] =	ssyncset.done $0x0  }
0x32: {  	[sflag:s16] =	ssyncadd.s32 $0xFFFFB100  }
0x33: {  	[tilespmem:s17], [sflag:$0x3] =	stream.linear.gather [hbm4b:s9+s28], $0x4F00, $0x38;
	[tilespmem:$0x1C400] =	vst v63  }
0x34: {  	_ =	swait.ge [sflag:s16], $0x4F00  }
0x35: {  	[sflag:s16] =	ssyncset.done $0x0  }
0x36: {  	s28 =	simm.s32 $0x0;
	[sflag:s16] =	ssyncadd.s32 $0xFFFFB100  }
0x37: {  	v3 =	vld [tilespmem:s28+$0x5000]  }
0x38: {  	v4 =	vld [tilespmem:s28+$0x5010]  }
0x39: {  	v6 =	vld [tilespmem:s28+$0x5020]  }
0x3a: {  	v5 =	vld [tilespmem:s28+$0x5030]  }
0x3b: {  	v2 =	vld [tilespmem:s28+$0x5040]  }
0x3c: {  	v7 =	vsub.s32 v3, v0;
	v3 =	vld [tilespmem:s28+$0x5050]  }
0x3d: {  	s29 =	simm.s32 $0x200;
	v8 =	vsub.s32 v4, v0;
	v4 =	vld [tilespmem:s28+$0x5060];
	v7 =	vmin.u32 v7, $0x1400  }
.LBB2_4:
0x3e: {  	s30 =	sshra.s32 s29, $0x2;
	p0 =	sne.s32 s29, $0x13A00;
	[tilespmem:s28+$0x5000] =	vst v7;
	v7 =	vmin.u32 v8, $0x1400;
	v6 =	vsub.s32 v6, v0;
	v8 =	vld [tilespmem:s28+$0x5070]  }
0x3f: {  	v9 =	vld [tilespmem:s30+$0x5000];
	[tilespmem:s28+$0x5010] =	vst v7;
	v6 =	vmin.u32 v6, $0x1400;
	v5 =	vsub.s32 v5, v0  }
0x40: {  	v10 =	vld [tilespmem:s30+$0x5010];
	[tilespmem:s28+$0x5020] =	vst v6;
	v5 =	vmin.u32 v5, $0x1400;
	v2 =	vsub.s32 v2, v0  }
.Ltmp1:
0x41: {  	v6 =	vld [tilespmem:s30+$0x5020];
	[tilespmem:s28+$0x5030] =	vst v5;
	v2 =	vmin.u32 v2, $0x1400;
	v3 =	vsub.s32 v3, v0;
	(pc) =	sbr.rel @p0 .LBB2_4-.Ltmp1, $4  }
0x42: {  	v5 =	vld [tilespmem:s30+$0x5030];
	[tilespmem:s28+$0x5040] =	vst v2;
	v3 =	vmin.u32 v3, $0x1400;
	v4 =	vsub.s32 v4, v0  }
0x43: {  	v2 =	vld [tilespmem:s30+$0x5040];
	[tilespmem:s28+$0x5050] =	vst v3;
	v4 =	vmin.u32 v4, $0x1400;
	v7 =	vsub.s32 v8, v0  }
0x44: {  	v8 =	vsub.s32 v9, v0;
	v3 =	vld [tilespmem:s30+$0x5050];
	[tilespmem:s28+$0x5060] =	vst v4;
	v9 =	vmin.u32 v7, $0x1400  }
0x45: {  	s29 =	sadd.s32 $0x200, s29;
	v7 =	vmin.u32 v8, $0x1400;
	v8 =	vsub.s32 v10, v0;
	v4 =	vld [tilespmem:s30+$0x5060];
	[tilespmem:s28+$0x5070] =	vst v9;
	s28 =	smov.u32 s30  }
0x46: {  	[tilespmem:s28+$0x5000] =	vst v7;
	v62 =	vmin.u32 v8, $0x1400;
	v6 =	vsub.s32 v6, v0;
	v63 =	vld [tilespmem:s28+$0x5070]  }
0x47: {  	[tilespmem:s28+$0x5010] =	vst v62;
	v6 =	vmin.u32 v6, $0x1400;
	v5 =	vsub.s32 v5, v0  }
0x48: {  	[tilespmem:s28+$0x5020] =	vst v6;
	v5 =	vmin.u32 v5, $0x1400;
	v2 =	vsub.s32 v2, v0  }
0x49: {  	[tilespmem:s28+$0x5030] =	vst v5;
	v2 =	vmin.u32 v2, $0x1400;
	v3 =	vsub.s32 v3, v0  }
0x4a: {  	[tilespmem:s28+$0x5040] =	vst v2;
	v2 =	vmin.u32 v3, $0x1400;
	v3 =	vsub.s32 v4, v0  }
0x4b: {  	[tilespmem:s28+$0x5050] =	vst v2;
	v2 =	vmin.u32 v3, $0x1400;
	v3 =	vsub.s32 v63, v0  }
0x4c: {  	[tilespmem:s28+$0x5060] =	vst v2;
	v2 =	vmin.u32 v3, $0x1400  }
0x4d: {  	[tilespmem:s28+$0x5070] =	vst v2  }
0x4e: {  	s28 =	simm.s32 $0x0;
	[bflag:$0x0] =	sbarrier.arrive $0xFFFF  }
0x4f: {  	[tilespmem:s15], [sflag:$0x1] =	stream.indirect.gather [hbm4b:s1+s18], $0x80, s28, s18, $0xb8;
	[tilespmem:$0x1C400] =	vst v63  }
0x50: {  	_ =	swait.ge [sflag:s19], $0x4000  }
0x51: {  	[sflag:s19] =	ssyncset.done $0x0  }
0x52: {  	s28 =	simm.s32 $0x80;
	[sflag:s19] =	ssyncadd.s32 $0xFFFFC000  }
0x53: {  	[tilespmem:s20], [sflag:$0x2] =	stream.indirect.gather [hbm4b:s1+s18], $0x80, s28, s18, $0xb8;
	[tilespmem:$0x1C400] =	vst v63  }
0x54: {  	s28 =	simm.s32 $0x5000  }
0x55: {  	[spmem:s3] =	stream.indirect.scatter.add.f32 [tilespmem:s15], [sflag:$0x3], $0x80, s28, s18, $0xb8;
	[tilespmem:$0x1C400] =	vst v63  }
0x56: {  	_ =	swait.ge [sflag:s16], $0x4000  }
0x57: {  	[sflag:s16] =	ssyncset.done $0x0  }
0x58: {  	[sflag:s16] =	ssyncadd.s32 $0xFFFFC000  }
0x59: {  	_ =	swait.ge [sflag:s21], $0x4000  }
0x5a: {  	[sflag:s21] =	ssyncset.done $0x0  }
0x5b: {  	s28 =	simm.s32 $0x100;
	[sflag:s21] =	ssyncadd.s32 $0xFFFFC000  }
0x5c: {  	[tilespmem:s15], [sflag:$0x1] =	stream.indirect.gather [hbm4b:s1+s18], $0x80, s28, s18, $0xb8;
	[tilespmem:$0x1C400] =	vst v63  }
0x5d: {  	s28 =	simm.s32 $0x5080  }
0x5e: {  	[spmem:s3] =	stream.indirect.scatter.add.f32 [tilespmem:s20], [sflag:$0x3], $0x80, s28, s18, $0xb8;
	[tilespmem:$0x1C400] =	vst v63  }
0x5f: {  	_ =	swait.ge [sflag:s16], $0x4000  }
0x60: {  	s28 =	simm.s32 $0x400;
	[sflag:s16] =	ssyncset.done $0x0  }
.LBB2_6:
0x61: {  	p0 =	sne.s32 s28, $0x13400  }
0x62: {  	[sflag:s16] =	ssyncadd.s32 $0xFFFFC000;
	s29 =	smov.u32 s28;
	s28 =	sadd.s32 $0x400, s28  }
0x63: {  	_ = 	snop  }
0x64: {  	_ =	swait.ge [sflag:s19], $0x4000  }
0x65: {  	s29 =	sshra.s32 s29, $0x2;
	[sflag:s19] =	ssyncset.done $0x0  }
0x66: {  	s30 =	sadd.s32 $0x80, s29;
	[sflag:s19] =	ssyncadd.s32 $0xFFFFC000  }
0x67: {  	[tilespmem:s20], [sflag:$0x2] =	stream.indirect.gather [hbm4b:s1+s18], $0x80, s30, s18, $0xb8;
	[tilespmem:$0x1C400] =	vst v63  }
0x68: {  	s30 =	sadd.s32 $0x5000, s29  }
0x69: {  	[spmem:s3] =	stream.indirect.scatter.add.f32 [tilespmem:s15], [sflag:$0x3], $0x80, s30, s18, $0xb8;
	[tilespmem:$0x1C400] =	vst v63  }
0x6a: {  	_ =	swait.ge [sflag:s16], $0x4000  }
0x6b: {  	[sflag:s16] =	ssyncset.done $0x0  }
0x6c: {  	[sflag:s16] =	ssyncadd.s32 $0xFFFFC000  }
0x6d: {  	_ =	swait.ge [sflag:s21], $0x4000  }
0x6e: {  	[sflag:s21] =	ssyncset.done $0x0  }
0x6f: {  	s30 =	sadd.s32 $0x100, s29;
	[sflag:s21] =	ssyncadd.s32 $0xFFFFC000  }
0x70: {  	[tilespmem:s15], [sflag:$0x1] =	stream.indirect.gather [hbm4b:s1+s18], $0x80, s30, s18, $0xb8;
	[tilespmem:$0x1C400] =	vst v63  }
.Ltmp2:
0x71: {  	_ = 	snop;
	(pc) =	sbr.rel @p0 .LBB2_6-.Ltmp2, $4  }
0x72: {  	s29 =	sadd.s32 $0x5080, s29  }
0x73: {  	[spmem:s3] =	stream.indirect.scatter.add.f32 [tilespmem:s20], [sflag:$0x3], $0x80, s29, s18, $0xb8;
	[tilespmem:$0x1C400] =	vst v63  }
0x74: {  	_ =	swait.ge [sflag:s16], $0x4000  }
0x75: {  	[sflag:s16] =	ssyncset.done $0x0  }
0x76: {  	[sflag:s16] =	ssyncadd.s32 $0xFFFFC000  }
0x77: {  	_ =	swait.ge [sflag:s19], $0x4000  }
0x78: {  	[sflag:s19] =	ssyncset.done $0x0  }
0x79: {  	[sflag:s19] =	ssyncadd.s32 $0xFFFFC000  }
0x7a: {  	[tilespmem:s20], [sflag:$0x2] =	stream.indirect.gather [hbm4b:s1+s18], $0x80, s22, s18, $0xb8;
	[tilespmem:$0x1C400] =	vst v63  }
0x7b: {  	_ = 	snop  }
0x7c: {  	[spmem:s3] =	stream.indirect.scatter.add.f32 [tilespmem:s15], [sflag:$0x3], $0x80, s23, s18, $0xb8;
	[tilespmem:$0x1C400] =	vst v63  }
0x7d: {  	_ =	swait.ge [sflag:s16], $0x4000  }
0x7e: {  	[sflag:s16] =	ssyncset.done $0x0  }
0x7f: {  	[sflag:s16] =	ssyncadd.s32 $0xFFFFC000  }
0x80: {  	_ =	swait.ge [sflag:s21], $0x4000  }
0x81: {  	[sflag:s21] =	ssyncset.done $0x0  }
0x82: {  	[sflag:s21] =	ssyncadd.s32 $0xFFFFC000  }
0x83: {  	[spmem:s3] =	stream.indirect.scatter.add.f32 [tilespmem:s20], [sflag:$0x3], $0x80, s26, s18, $0xb8;
	[tilespmem:$0x1C400] =	vst v63  }
0x84: {  	_ =	swait.ge [sflag:s16], $0x4000  }
0x85: {  	[sflag:s16] =	ssyncset.done $0x0  }
0x86: {  	s28 =	sshll.u32 s0, $0x6;
	[sflag:s16] =	ssyncadd.s32 $0xFFFFC000  }
0x87: {  	s29 =	sshrl.u32 s10, $0x3;
	s28 =	sor.u32 $0x1C03, s28;
	[bflag:$0x0] =	sbarrier.arrive $0xFFFF  }
0x88: {  	[hbm:s11], [sflag:s28] =	dma.local [spmem:s29], $0x800  }
0x89: {  	_ =	swait.ge [sflag:s16], $0x800  }
0x8a: {  	[sflag:s16] =	ssyncset.done $0x0  }
0x8b: {  	[sflag:s16] =	ssyncadd.s32 $0xFFFFF800  }
0x8c: {  	[hbm:s12], [sflag:s28] =	dma.local [spmem:s24], $0x800  }
0x8d: {  	s4 =	sadd.s32 $0x1, s4;
	_ =	swait.ge [sflag:s16], $0x800  }
0x8e: {  	p0 =	sne.s32 s4, s14;
	[sflag:s16] =	ssyncset.done $0x0  }
.Ltmp3:
0x8f: {  	[sflag:s16] =	ssyncadd.s32 $0xFFFFF800;
	(pc) =	sbr.rel @p0 .LBB2_1-.Ltmp3, $4  }
0x90: {  	[hbm:s13], [sflag:s28] =	dma.local [spmem:s25], $0x400  }
0x91: {  	_ =	swait.ge [sflag:s16], $0x400  }
0x92: {  	[sflag:s16] =	ssyncset.done $0x0  }
0x93: {  	[sflag:s16] =	ssyncadd.s32 $0xFFFFFC00  }
0x94: {  	_ =	sfence.sel $0x180000  }
0x95: {  	[bflag:$0x0] =	sbarrier.arrive $0xFFFF  }
0x96: {  	p0 =	sne.s32 s0, $0x0;
	_ =	strace $0x9000004D  }
0x97: {  	s0 =	sadd.s32 @!p0 $0x100000, s2;
	[bflag:$0x2] =	sbarrier.arrive $0xFFFF  }
0x98: {  	[sflag:s0] =	ssyncadd.tile.s32 @!p0 $0x1;
	_ =	shalt  }
.Lfunc_end2:
_tile_overlayer_lowered:
.L_overlay_start_2:
0x99: {  	(tag) =	ssettag $0x2  }
0x9a: {  	s0 =	rddreg [dreg:$0x0];
	s2 =	stileid.u32  }
0x9b: {  	s1 =	rddreg [dreg:$0x1];
	p0 =	sne.s32 s2, $0x0  }
0x9c: {  	s3 =	rddreg [dreg:$0x2];
	[bflag:$0x3] =	sbarrier.arrive $0xFFFF;
	s2 =	simm.s32 @!p0 $0x1C03  }
0x9d: {  	[timem:s3], [sflag:s2] =	dma.local @!p0 [hbm:s0], s1  }
0x9e: {  	s0 =	simm.s32 @!p0 $0x3  }
0x9f: {  	_ =	swait.ge @!p0 [sflag:s0], s1  }
0xa0: {  	s1 =	ssub.s32 @!p0 $0x0, s1;
	[sflag:s0] =	ssyncset.done @!p0 $0x0  }
0xa1: {  	[sflag:s0] =	ssyncadd.s32 @!p0 s1  }
0xa2: {  	[bflag:$0x3] =	sbarrier.arrive $0xFFFF  }
0xa3: {  	_ =	shalt  }

// kernel: kernel.19.cloned.1.call-start
scs
__scs_entry_jumppad:
0x0: {  	(pc) =	sbr.rel $0x88, $3  }
0x1: {  	(tag) =	ssettag $0x0;
	lr =	simm.s32 $0x1  }
0x2: {  	[smem:$0x3F99] =	sst lr;
	_ =	strace $0xD0000000  }
0x3: {  	_ = 	snop  }
0x4: {  	_ = 	snop  }
0x5: {  	_ = 	snop  }
0x6: {  	_ = 	snop  }
0x7: {  	_ = 	snop  }
__scs_overlays_trampoline_lowered:
0x8: {  	[smem:$0x3FA8] =	sst s0  }
0x9: {  	[smem:$0x3FA9] =	sst s1  }
0xa: {  	[smem:$0x3FAA] =	sst s2  }
0xb: {  	[smem:$0x3FAB] =	sst s3  }
0xc: {  	[smem:$0x3FAC] =	sst s4  }
0xd: {  	[smem:$0x3FAD] =	sst s5  }
0xe: {  	[smem:$0x3FAE] =	sst s6  }
0xf: {  	[smem:$0x3FAF] =	sst s7  }
0x10: {  	[smem:$0x3FB0] =	sst s8  }
0x11: {  	[smem:$0x3FB1] =	sst s9;
	s0 =	simm.s32 @!p0 $0x0  }
0x12: {  	s1 =	sld [smem:$0x3F97];
	s0 =	simm.s32 @p0 $0x1  }
0x13: {  	[smem:$0x3FB2] =	sst s0;
	s0 =	simm.s32 @!p1 $0x0  }
0x14: {  	s2 =	sld [smem:$0x3F96];
	s0 =	simm.s32 @p1 $0x1  }
0x15: {  	[smem:$0x3FB3] =	sst s0;
	s0 =	simm.s32 @!p2 $0x0  }
0x16: {  	s3 =	sld [smem:$0x3FDB];
	s0 =	simm.s32 @p2 $0x1  }
0x17: {  	s4 =	simm.s32 $0x1BF5;
	[smem:$0x3FB5] =	sst s0  }
0x18: {  	s0 =	sld [smem:$0x3F98];
	_ =	swait.ge [sflag:s4], $0x0  }
0x19: {  	s7 =	sld [smem:$0x3F99]  }
0x1a: {  	s8 =	sadd.s32 $0xFFFFE003, lr  }
0x1b: {  	s9 =	sadd.s32 $0xFFFFFEF7, lr;
	s5 =	simm.s32 $0xFFFFFFFF;
	p2 =	slt.u32 s8, $0xFFFFF086  }
0x1c: {  	p1 =	slt.u32 s9, $0xF7A;
	s5 =	simm.s32 @!p2 $0x0  }
0x1d: {  	s5 =	simm.s32 @p1 $0x1;
	p0 =	seq.s32 s7, s2  }
0x1e: {  	s7 =	smul.u32 @!p0 $0xF7A, s2;
	p2 =	seq.s32 @!p0 s5, $0x0  }
0x1f: {  	s9 =	smul.u32 $0xF7A, s1;
	s8 =	simm.s32 @!p0 $0x1BF5;
	p2 =	por !p2, p0  }
0x20: {  	[sflag:s8] =	ssyncset.s32 @!p0 $0xFFFFF086;
	s6 =	sadd.s32 @!p0 s3, s7;
	s7 =	simm.s32 @!p0 $0x108  }
0x21: {  	s3 =	sadd.s32 s3, s9;
	s6 =	sadd.s32 @!p0 $0x88, s6;
	s7 =	simm.s32 @p2 $0x1082  }
0x22: {  	[simem:s7], [sflag:s8] =	dma.local @!p0 [hbm:s6], $0xF7A  }
0x23: {  	s9 =	sor.u32 $0xD0000000, s2;
	s6 =	simm.s32 $0x108;
	_ =	swait.ge @!p0 [sflag:s8], $0x0  }
0x24: {  	s3 =	sadd.s32 $0x88, s3;
	s6 =	simm.s32 @!p1 $0x1082;
	[sflag:s4] =	ssyncset.s32 $0xFFFFF086  }
0x25: {  	[simem:s6], [sflag:s4] =	dma.local [hbm:s3], $0xF7A  }
0x26: {  	[smem:$0x3F99] =	sst s1;
	(tag) =	ssettag s2;
	_ =	strace s9  }
0x27: {  	s1 =	sld [smem:$0x3FA9]  }
0x28: {  	s2 =	sld [smem:$0x3FAA]  }
0x29: {  	s4 =	sld [smem:$0x3FAC]  }
0x2a: {  	p0 =	seq.s32 s5, $0x0;
	s5 =	sld [smem:$0x3FAD]  }
0x2b: {  	s6 =	sld [smem:$0x3FAE]  }
0x2c: {  	s7 =	sld [smem:$0x3FAF]  }
0x2d: {  	s3 =	simm.s32 $0x108;
	s8 =	sld [smem:$0x3FB0]  }
0x2e: {  	s3 =	simm.s32 @!p0 $0x1082;
	s9 =	sld [smem:$0x3FB1]  }
0x2f: {  	lr =	sadd.s32 s0, s3;
	s0 =	sld [smem:$0x3FA8]  }
0x30: {  	s3 =	sld [smem:$0x3FAB]  }
0x31: {  	[smem:$0x3FB4] =	sst s10  }
0x32: {  	s10 =	sld [smem:$0x3FB2];
	_ =	sdelay $0x3  }
0x33: {  	p0 =	seq.s32 s10, $0x1;
	s10 =	sld [smem:$0x3FB4];
	_ =	sdelay $0x3  }
0x34: {  	[smem:$0x3FB4] =	sst s10  }
0x35: {  	s10 =	sld [smem:$0x3FB3];
	_ =	sdelay $0x3  }
0x36: {  	p1 =	seq.s32 s10, $0x1;
	s10 =	sld [smem:$0x3FB4];
	_ =	sdelay $0x3  }
0x37: {  	[smem:$0x3FB4] =	sst s10  }
0x38: {  	s10 =	sld [smem:$0x3FB5]  }
0x39: {  	_ = 	snop;
	(pc) =	sbr.ind lr, $3  }
0x3a: {  	_ = 	snop  }
0x3b: {  	_ = 	snop  }
0x3c: {  	p2 =	seq.s32 s10, $0x1;
	s10 =	sld [smem:$0x3FB4]  }
0x3d: {  	_ =	shalt  }
0x3e: {  	_ =	shalt  }
0x3f: {  	_ =	shalt  }
0x40: {  	_ =	shalt  }
0x41: {  	_ =	shalt  }
0x42: {  	_ =	shalt  }
0x43: {  	_ =	shalt  }
0x44: {  	_ =	shalt  }
0x45: {  	_ =	shalt  }
0x46: {  	_ =	shalt  }
0x47: {  	_ =	shalt  }
0x48: {  	_ =	shalt  }
0x49: {  	_ =	shalt  }
0x4a: {  	_ =	shalt  }
0x4b: {  	_ =	shalt  }
0x4c: {  	_ =	shalt  }
0x4d: {  	_ =	shalt  }
0x4e: {  	_ =	shalt  }
0x4f: {  	_ =	shalt  }
0x50: {  	_ =	shalt  }
0x51: {  	_ =	shalt  }
0x52: {  	_ =	shalt  }
0x53: {  	_ =	shalt  }
0x54: {  	_ =	shalt  }
0x55: {  	_ =	shalt  }
0x56: {  	_ =	shalt  }
0x57: {  	_ =	shalt  }
0x58: {  	_ =	shalt  }
0x59: {  	_ =	shalt  }
0x5a: {  	_ =	shalt  }
0x5b: {  	_ =	shalt  }
0x5c: {  	_ =	shalt  }
0x5d: {  	_ =	shalt  }
0x5e: {  	_ =	shalt  }
0x5f: {  	_ =	shalt  }
0x60: {  	_ =	shalt  }
0x61: {  	_ =	shalt  }
0x62: {  	_ =	shalt  }
0x63: {  	_ =	shalt  }
0x64: {  	_ =	shalt  }
0x65: {  	_ =	shalt  }
0x66: {  	_ =	shalt  }
0x67: {  	_ =	shalt  }
0x68: {  	_ =	shalt  }
0x69: {  	_ =	shalt  }
0x6a: {  	_ =	shalt  }
0x6b: {  	_ =	shalt  }
0x6c: {  	_ =	shalt  }
0x6d: {  	_ =	shalt  }
0x6e: {  	_ =	shalt  }
0x6f: {  	_ =	shalt  }
0x70: {  	_ =	shalt  }
0x71: {  	_ =	shalt  }
0x72: {  	_ =	shalt  }
0x73: {  	_ =	shalt  }
0x74: {  	_ =	shalt  }
0x75: {  	_ =	shalt  }
0x76: {  	_ =	shalt  }
0x77: {  	_ =	shalt  }
0x78: {  	_ =	shalt  }
0x79: {  	_ =	shalt  }
0x7a: {  	_ =	shalt  }
0x7b: {  	_ =	shalt  }
0x7c: {  	_ =	shalt  }
0x7d: {  	_ =	shalt  }
0x7e: {  	_ =	shalt  }
0x7f: {  	_ =	shalt  }
0x80: {  	_ =	shalt  }
0x81: {  	_ =	shalt  }
0x82: {  	_ =	shalt  }
0x83: {  	_ =	shalt  }
0x84: {  	_ =	shalt  }
0x85: {  	_ =	shalt  }
0x86: {  	_ =	shalt  }
0x87: {  	_ =	shalt  }
.Lfunc_end0:
.L_simem_size_0:
called_computation.3_lowered:
.L_overlay_start_0:
0x88: {  	s2 =	sld [smem:$0x3FD9]  }
0x89: {  	s3 =	sld [smem:$0x3FFE];
	_ =	sdelay $0x1  }
0x8a: {  	s1 =	srdreg.scid  }
0x8b: {  	s0 =	sand.u32 $0x1, s1  }
0x8c: {  	s17 =	sshll.u32 s0, $0xA;
	s2 =	sadd.s32 s3, s2  }
0x8d: {  	s2 =	sadd.s32 s2, s17  }
0x8e: {  	[smem:$0x3FC0] =	sst s2  }
0x8f: {  	_ = 	snop  }
0x90: {  	s2 =	sld [smem:$0x3FD0];
	(tm) =	ssettm $0x1  }
0x91: {  	s18 =	sld [smem:$0x3FFB];
	_ =	sdelay $0x3  }
0x92: {  	_ =	strace s18  }
0x93: {  	s3 =	sld [smem:$0x3FFC];
	_ =	sdelay $0x3  }
0x94: {  	_ =	strace s3  }
0x95: {  	s3 =	sld [smem:$0x3FFD];
	_ =	sdelay $0x3  }
0x96: {  	_ =	strace s3  }
0x97: {  	_ =	strace $0x8FFFFFFF  }
0x98: {  	s19 =	sld [smem:$0x3FDB];
	_ =	sdelay $0x1  }
0x99: {  	s4 =	simm.s32 $_scs_section_size  }
0x9a: {  	s5 =	simm.s32 $_size__tile_overlayer_lowered;
	s6 =	simm.s32 $_tile_overlayer_lowered  }
0x9b: {  	s22 =	simm.s32 $0x1BFF;
	s21 =	sshll.u32 s6, $0x1;
	s3 =	sadd.s32 s4, s19  }
0x9c: {  	s7 =	simm.s32 $0x0;
	s20 =	sshll.u32 s5, $0x1;
	s5 =	sadd.s32 s21, s3  }
0x9d: {  	[timem:s7], [sflag:s22] =	dma.local [hbm:s5], s20  }
0x9e: {  	_ =	swait.ge [sflag:s22], s20  }
0x9f: {  	s4 =	ssub.s32 $0x0, s20;
	[sflag:s22] =	ssyncset.done $0x0  }
0xa0: {  	[sflag:s22] =	ssyncadd.s32 s4;
	_ =	sdelay $0x1  }
0xa1: {  	s23 =	simm.s32 $0x1B8B  }
0xa2: {  	_ =	swait.ge [sflag:s23], $0x1  }
0xa3: {  	[sflag:s23] =	ssyncset.done $0x0  }
0xa4: {  	s25 =	simm.s32 $0x1B8E;
	s24 =	sld [smem:$0x3FFE];
	[sflag:s23] =	ssyncadd.s32 $0xFFFFFFFF  }
0xa5: {  	s26 =	simm.s32 $execute0_lowered;
	[smem:$0x3FD2] =	sst s25  }
0xa6: {  	s5 =	sshll.u32 s26, $0x1;
	_ =	strace $0x8000004F;
	[dreg:$0x1] =	wrdreg $0xFFFFFFFF  }
0xa7: {  	s28 =	simm.s32 $_size_execute0_lowered;
	s3 =	sadd.s32 s3, s5;
	[dreg:$0x0] =	wrdreg $0x0  }
0xa8: {  	s5 =	sshll.u32 s28, $0x1;
	[dreg:$0x2] =	wrdreg s3  }
0xa9: {  	[dreg:$0x3] =	wrdreg s5  }
0xaa: {  	[dreg:$0x4] =	wrdreg $0xC0  }
0xab: {  	_ =	task [dreg:s7], $0x5FFFF  }
0xac: {  	[dreg:$0x1] =	wrdreg $0xFFFFFFFF  }
0xad: {  	[dreg:$0x0] =	wrdreg $0x60  }
0xae: {  	[dreg:$0x2] =	wrdreg s2  }
0xaf: {  	[dreg:$0x3] =	wrdreg s24  }
0xb0: {  	[dreg:$0x4] =	wrdreg $0x120000  }
0xb1: {  	[dreg:$0x5] =	wrdreg $0x9  }
0xb2: {  	_ =	task.clear_ibuf [dreg:s7], $0x6FFFF;
	_ =	strace $0x9000004F  }
0xb3: {  	s29 =	simm.s32 $0x9;
	_ =	strace $0x80000051  }
0xb4: {  	_ =	swait.ge [sflag:s29], $0x1  }
0xb5: {  	[sflag:s29] =	ssyncadd.s32 $0xFFFFFFFF  }
0xb6: {  	_ =	strace $0x90000051  }
0xb7: {  	_ =	sfence  }
0xb8: {  	s30 =	sld [smem:$0x0];
	_ =	sdelay $0x2  }
0xb9: {  	s31 =	sshll.u32 s1, $0xD;
	s1 =	sshrl.u32 s1, $0x2  }
0xba: {  	s3 =	sand.u32 $0x4000, s31;
	s1 =	sadd.s32 s1, s30  }
0xbb: {  	s0 =	sor.u32 s3, s0;
	s1 =	sshll.u32 s1, $0x11  }
0xbc: {  	s0 =	sor.u32 s1, s0  }
0xbd: {  	s0 =	sadd.s32 $0x8F2B, s0  }
0xbe: {  	[sflag:s0] =	ssyncadd.remote.s32 $0x1  }
0xbf: {  	_ =	sfence.sel $0xFFFF  }
0xc0: {  	[dreg:$0x0] =	wrdreg $0xFFFFFFFF;
	(pc) =	sbr.abs _section_cstart, $3  }
0xc1: {  	[dreg:$0x1] =	wrdreg $0xFFFFFFFF  }
0xc2: {  	_ =	task.clear_ibuf [dreg:s7], $0x2FFFF;
	_ =	strace $0x9FFFFFFF  }
0xc3: {  	(tm) =	ssettm $0x7FFFFFFF  }
tec
execute0_lowered:
.L_overlay_start_1:
0x0: {  	(tag) =	ssettag $0x1  }
0x1: {  	s1 =	rddreg [dreg:$0x0]  }
0x2: {  	s5 =	rddreg [dreg:$0x1];
	s0 =	stileid.u32  }
0x3: {  	s2 =	srdreg.scid;
	s3 =	rddreg [dreg:$0x2];
	s4 =	simm.s32 $0x0  }
0x4: {  	s16 =	simm.s32 $0x3;
	s17 =	simm.s32 $0x5000;
	s18 =	simm.s32 $0x80  }
0x5: {  	s19 =	simm.s32 $0x1;
	s20 =	simm.s32 $0xE000;
	s6 =	smul.u32 $0x140, s0  }
0x6: {  	s21 =	simm.s32 $0x2;
	s22 =	simm.s32 $0x4E80;
	s8 =	smul.u32 $0xA00, s0  }
0x7: {  	s23 =	simm.s32 $0x9E00;
	s26 =	simm.s32 $0x9E80;
	s29 =	smul.u32 $0x29000, s0  }
0x8: {  	s15 =	sand.u32 $0x1, s2;
	[smem:$0x7FF] =	sst s4;
	s11 =	smul.u32 $0x28000, s0  }
0x9: {  	s2 =	rddreg [dreg:$0x3];
	s7 =	smul.u32 $0x1400, s15;
	_ =	strace $0x80000050  }
0xa: {  	s30 =	ssub.s32 $0x2, s15;
	v0 =	vmov s15;
	s15 =	simm.s32 $0xA000;
	s9 =	sadd.s32 s8, s5  }
0xb: {  	s10 =	sshrl.u32 s30, $0x1;
	s31 =	sshrl.u32 s11, $0x2;
	s6 =	sadd.s32 s6, s7  }
0xc: {  	s7 =	sshrl.u32 s29, $0x2;
	s14 =	ssub.s32 s30, s10;
	s8 =	sadd.s32 $0x35400, s9  }
0xd: {  	s9 =	sadd.s32 $0x3400, s9;
	s10 =	sadd.s32 s31, s3;
	s6 =	sshll.u32 s6, $0x4  }
0xe: {  	v0 =	vmul.u32 $0x1400, v0;
	s24 =	sadd.s32 $0x4000, s10;
	s25 =	sadd.s32 $0x8000, s10;
	s14 =	smax.u32 s14, $0x1  }
0xf: {  	s13 =	sadd.s32 s6, s5;
	s5 =	sadd.s32 s7, s3;
	s24 =	sshrl.u32 s24, $0x3  }
0x10: {  	v0 =	vbroadcast v0, $0x0;
	s25 =	sshrl.u32 s25, $0x3;
	s6 =	sadd.s32 $0x4000, s5;
	s7 =	sadd.s32 $0x8000, s5  }
0x11: {  	v1 =	vimm.f32 $0.0e+00;
	s11 =	sadd.s32 $0xD400, s13;
	s12 =	sadd.s32 $0xDC00, s13;
	s13 =	sadd.s32 $0xE400, s13  }
.LBB2_1:
0x12: {  	s28 =	simm.s32 $0x0;
	s29 =	simm.s32 $0x200  }
.LBB2_2:
0x13: {  	p0 =	sne.s32 s29, $0xFE00;
	[tilespmem:s28+$0xA070] =	vst v1  }
0x14: {  	[tilespmem:s28+$0xA000] =	vst v1  }
0x15: {  	[tilespmem:s28+$0xA010] =	vst v1  }
.Ltmp0:
0x16: {  	[tilespmem:s28+$0xA020] =	vst v1;
	(pc) =	sbr.rel @p0 .LBB2_2-.Ltmp0, $4  }
0x17: {  	[tilespmem:s28+$0xA030] =	vst v1  }
0x18: {  	[tilespmem:s28+$0xA040] =	vst v1  }
0x19: {  	[tilespmem:s28+$0xA050] =	vst v1  }
0x1a: {  	[tilespmem:s28+$0xA060] =	vst v1;
	s28 =	sshra.s32 s29, $0x2;
	s29 =	sadd.s32 $0x200, s29  }
0x1b: {  	[tilespmem:s28+$0xA070] =	vst v1  }
0x1c: {  	[tilespmem:s28+$0xA000] =	vst v1  }
0x1d: {  	[tilespmem:s28+$0xA010] =	vst v1  }
0x1e: {  	[tilespmem:s28+$0xA020] =	vst v1  }
0x1f: {  	[tilespmem:s28+$0xA030] =	vst v1  }
0x20: {  	[tilespmem:s28+$0xA040] =	vst v1  }
0x21: {  	[tilespmem:s28+$0xA050] =	vst v1  }
0x22: {  	[tilespmem:s28+$0xA060] =	vst v1  }
0x23: {  	[spmem:s5] =	stream.linear.scatter [tilespmem:s15], [sflag:$0x3], $0x4000, $0x38;
	[tilespmem:$0x1C400] =	vst v63  }
0x24: {  	_ =	swait.ge [sflag:s16], $0x4000  }
0x25: {  	[sflag:s16] =	ssyncset.done $0x0  }
0x26: {  	[sflag:s16] =	ssyncadd.s32 $0xFFFFC000  }
0x27: {  	[spmem:s6] =	stream.linear.scatter [tilespmem:s15], [sflag:$0x3], $0x4000, $0x38;
	[tilespmem:$0x1C400] =	vst v63  }
0x28: {  	_ =	swait.ge [sflag:s16], $0x4000  }
0x29: {  	[sflag:s16] =	ssyncset.done $0x0  }
0x2a: {  	[sflag:s16] =	ssyncadd.s32 $0xFFFFC000  }
0x2b: {  	[spmem:s7] =	stream.linear.scatter [tilespmem:s15], [sflag:$0x3], $0x2400, $0x38;
	[tilespmem:$0x1C400] =	vst v63  }
0x2c: {  	_ =	swait.ge [sflag:s16], $0x2400  }
0x2d: {  	[sflag:s16] =	ssyncset.done $0x0  }
0x2e: {  	s28 =	simm.s32 $0x0;
	[sflag:s16] =	ssyncadd.s32 $0xFFFFDC00  }
0x2f: {  	[tilespmem:s28], [sflag:$0x3] =	stream.linear.gather [hbm4b:s8+s28], $0x4F00, $0x38;
	[tilespmem:$0x1C400] =	vst v63  }
0x30: {  	_ =	swait.ge [sflag:s16], $0x4F00  }
0x31: {  	[sflag:s16] =	ssyncset.done $0x0  }
0x32: {  	[sflag:s16] =	ssyncadd.s32 $0xFFFFB100  }
0x33: {  	[tilespmem:s17], [sflag:$0x3] =	stream.linear.gather [hbm4b:s9+s28], $0x4F00, $0x38;
	[tilespmem:$0x1C400] =	vst v63  }
0x34: {  	_ =	swait.ge [sflag:s16], $0x4F00  }
0x35: {  	[sflag:s16] =	ssyncset.done $0x0  }
0x36: {  	s28 =	simm.s32 $0x0;
	[sflag:s16] =	ssyncadd.s32 $0xFFFFB100  }
0x37: {  	v3 =	vld [tilespmem:s28+$0x5000]  }
0x38: {  	v4 =	vld [tilespmem:s28+$0x5010]  }
0x39: {  	v6 =	vld [tilespmem:s28+$0x5020]  }
0x3a: {  	v5 =	vld [tilespmem:s28+$0x5030]  }
0x3b: {  	v2 =	vld [tilespmem:s28+$0x5040]  }
0x3c: {  	v7 =	vsub.s32 v3, v0;
	v3 =	vld [tilespmem:s28+$0x5050]  }
0x3d: {  	s29 =	simm.s32 $0x200;
	v8 =	vsub.s32 v4, v0;
	v4 =	vld [tilespmem:s28+$0x5060];
	v7 =	vmin.u32 v7, $0x1400  }
.LBB2_4:
0x3e: {  	s30 =	sshra.s32 s29, $0x2;
	p0 =	sne.s32 s29, $0x13A00;
	[tilespmem:s28+$0x5000] =	vst v7;
	v7 =	vmin.u32 v8, $0x1400;
	v6 =	vsub.s32 v6, v0;
	v8 =	vld [tilespmem:s28+$0x5070]  }
0x3f: {  	v9 =	vld [tilespmem:s30+$0x5000];
	[tilespmem:s28+$0x5010] =	vst v7;
	v6 =	vmin.u32 v6, $0x1400;
	v5 =	vsub.s32 v5, v0  }
0x40: {  	v10 =	vld [tilespmem:s30+$0x5010];
	[tilespmem:s28+$0x5020] =	vst v6;
	v5 =	vmin.u32 v5, $0x1400;
	v2 =	vsub.s32 v2, v0  }
.Ltmp1:
0x41: {  	v6 =	vld [tilespmem:s30+$0x5020];
	[tilespmem:s28+$0x5030] =	vst v5;
	v2 =	vmin.u32 v2, $0x1400;
	v3 =	vsub.s32 v3, v0;
	(pc) =	sbr.rel @p0 .LBB2_4-.Ltmp1, $4  }
0x42: {  	v5 =	vld [tilespmem:s30+$0x5030];
	[tilespmem:s28+$0x5040] =	vst v2;
	v3 =	vmin.u32 v3, $0x1400;
	v4 =	vsub.s32 v4, v0  }
0x43: {  	v2 =	vld [tilespmem:s30+$0x5040];
	[tilespmem:s28+$0x5050] =	vst v3;
	v4 =	vmin.u32 v4, $0x1400;
	v7 =	vsub.s32 v8, v0  }
0x44: {  	v8 =	vsub.s32 v9, v0;
	v3 =	vld [tilespmem:s30+$0x5050];
	[tilespmem:s28+$0x5060] =	vst v4;
	v9 =	vmin.u32 v7, $0x1400  }
0x45: {  	s29 =	sadd.s32 $0x200, s29;
	v7 =	vmin.u32 v8, $0x1400;
	v8 =	vsub.s32 v10, v0;
	v4 =	vld [tilespmem:s30+$0x5060];
	[tilespmem:s28+$0x5070] =	vst v9;
	s28 =	smov.u32 s30  }
0x46: {  	[tilespmem:s28+$0x5000] =	vst v7;
	v62 =	vmin.u32 v8, $0x1400;
	v6 =	vsub.s32 v6, v0;
	v63 =	vld [tilespmem:s28+$0x5070]  }
0x47: {  	[tilespmem:s28+$0x5010] =	vst v62;
	v6 =	vmin.u32 v6, $0x1400;
	v5 =	vsub.s32 v5, v0  }
0x48: {  	[tilespmem:s28+$0x5020] =	vst v6;
	v5 =	vmin.u32 v5, $0x1400;
	v2 =	vsub.s32 v2, v0  }
0x49: {  	[tilespmem:s28+$0x5030] =	vst v5;
	v2 =	vmin.u32 v2, $0x1400;
	v3 =	vsub.s32 v3, v0  }
0x4a: {  	[tilespmem:s28+$0x5040] =	vst v2;
	v2 =	vmin.u32 v3, $0x1400;
	v3 =	vsub.s32 v4, v0  }
0x4b: {  	[tilespmem:s28+$0x5050] =	vst v2;
	v2 =	vmin.u32 v3, $0x1400;
	v3 =	vsub.s32 v63, v0  }
0x4c: {  	[tilespmem:s28+$0x5060] =	vst v2;
	v2 =	vmin.u32 v3, $0x1400  }
0x4d: {  	[tilespmem:s28+$0x5070] =	vst v2  }
0x4e: {  	s28 =	simm.s32 $0x0;
	[bflag:$0x0] =	sbarrier.arrive $0xFFFF  }
0x4f: {  	[tilespmem:s15], [sflag:$0x1] =	stream.indirect.gather [hbm4b:s1+s18], $0x80, s28, s18, $0xb8;
	[tilespmem:$0x1C400] =	vst v63  }
0x50: {  	_ =	swait.ge [sflag:s19], $0x4000  }
0x51: {  	[sflag:s19] =	ssyncset.done $0x0  }
0x52: {  	s28 =	simm.s32 $0x80;
	[sflag:s19] =	ssyncadd.s32 $0xFFFFC000  }
0x53: {  	[tilespmem:s20], [sflag:$0x2] =	stream.indirect.gather [hbm4b:s1+s18], $0x80, s28, s18, $0xb8;
	[tilespmem:$0x1C400] =	vst v63  }
0x54: {  	s28 =	simm.s32 $0x5000  }
0x55: {  	[spmem:s3] =	stream.indirect.scatter.add.f32 [tilespmem:s15], [sflag:$0x3], $0x80, s28, s18, $0xb8;
	[tilespmem:$0x1C400] =	vst v63  }
0x56: {  	_ =	swait.ge [sflag:s16], $0x4000  }
0x57: {  	[sflag:s16] =	ssyncset.done $0x0  }
0x58: {  	[sflag:s16] =	ssyncadd.s32 $0xFFFFC000  }
0x59: {  	_ =	swait.ge [sflag:s21], $0x4000  }
0x5a: {  	[sflag:s21] =	ssyncset.done $0x0  }
0x5b: {  	s28 =	simm.s32 $0x100;
	[sflag:s21] =	ssyncadd.s32 $0xFFFFC000  }
0x5c: {  	[tilespmem:s15], [sflag:$0x1] =	stream.indirect.gather [hbm4b:s1+s18], $0x80, s28, s18, $0xb8;
	[tilespmem:$0x1C400] =	vst v63  }
0x5d: {  	s28 =	simm.s32 $0x5080  }
0x5e: {  	[spmem:s3] =	stream.indirect.scatter.add.f32 [tilespmem:s20], [sflag:$0x3], $0x80, s28, s18, $0xb8;
	[tilespmem:$0x1C400] =	vst v63  }
0x5f: {  	_ =	swait.ge [sflag:s16], $0x4000  }
0x60: {  	s28 =	simm.s32 $0x400;
	[sflag:s16] =	ssyncset.done $0x0  }
.LBB2_6:
0x61: {  	p0 =	sne.s32 s28, $0x13400  }
0x62: {  	[sflag:s16] =	ssyncadd.s32 $0xFFFFC000;
	s29 =	smov.u32 s28;
	s28 =	sadd.s32 $0x400, s28  }
0x63: {  	_ = 	snop  }
0x64: {  	_ =	swait.ge [sflag:s19], $0x4000  }
0x65: {  	s29 =	sshra.s32 s29, $0x2;
	[sflag:s19] =	ssyncset.done $0x0  }
0x66: {  	s30 =	sadd.s32 $0x80, s29;
	[sflag:s19] =	ssyncadd.s32 $0xFFFFC000  }
0x67: {  	[tilespmem:s20], [sflag:$0x2] =	stream.indirect.gather [hbm4b:s1+s18], $0x80, s30, s18, $0xb8;
	[tilespmem:$0x1C400] =	vst v63  }
0x68: {  	s30 =	sadd.s32 $0x5000, s29  }
0x69: {  	[spmem:s3] =	stream.indirect.scatter.add.f32 [tilespmem:s15], [sflag:$0x3], $0x80, s30, s18, $0xb8;
	[tilespmem:$0x1C400] =	vst v63  }
0x6a: {  	_ =	swait.ge [sflag:s16], $0x4000  }
0x6b: {  	[sflag:s16] =	ssyncset.done $0x0  }
0x6c: {  	[sflag:s16] =	ssyncadd.s32 $0xFFFFC000  }
0x6d: {  	_ =	swait.ge [sflag:s21], $0x4000  }
0x6e: {  	[sflag:s21] =	ssyncset.done $0x0  }
0x6f: {  	s30 =	sadd.s32 $0x100, s29;
	[sflag:s21] =	ssyncadd.s32 $0xFFFFC000  }
0x70: {  	[tilespmem:s15], [sflag:$0x1] =	stream.indirect.gather [hbm4b:s1+s18], $0x80, s30, s18, $0xb8;
	[tilespmem:$0x1C400] =	vst v63  }
.Ltmp2:
0x71: {  	_ = 	snop;
	(pc) =	sbr.rel @p0 .LBB2_6-.Ltmp2, $4  }
0x72: {  	s29 =	sadd.s32 $0x5080, s29  }
0x73: {  	[spmem:s3] =	stream.indirect.scatter.add.f32 [tilespmem:s20], [sflag:$0x3], $0x80, s29, s18, $0xb8;
	[tilespmem:$0x1C400] =	vst v63  }
0x74: {  	_ =	swait.ge [sflag:s16], $0x4000  }
0x75: {  	[sflag:s16] =	ssyncset.done $0x0  }
0x76: {  	[sflag:s16] =	ssyncadd.s32 $0xFFFFC000  }
0x77: {  	_ =	swait.ge [sflag:s19], $0x4000  }
0x78: {  	[sflag:s19] =	ssyncset.done $0x0  }
0x79: {  	[sflag:s19] =	ssyncadd.s32 $0xFFFFC000  }
0x7a: {  	[tilespmem:s20], [sflag:$0x2] =	stream.indirect.gather [hbm4b:s1+s18], $0x80, s22, s18, $0xb8;
	[tilespmem:$0x1C400] =	vst v63  }
0x7b: {  	_ = 	snop  }
0x7c: {  	[spmem:s3] =	stream.indirect.scatter.add.f32 [tilespmem:s15], [sflag:$0x3], $0x80, s23, s18, $0xb8;
	[tilespmem:$0x1C400] =	vst v63  }
0x7d: {  	_ =	swait.ge [sflag:s16], $0x4000  }
0x7e: {  	[sflag:s16] =	ssyncset.done $0x0  }
0x7f: {  	[sflag:s16] =	ssyncadd.s32 $0xFFFFC000  }
0x80: {  	_ =	swait.ge [sflag:s21], $0x4000  }
0x81: {  	[sflag:s21] =	ssyncset.done $0x0  }
0x82: {  	[sflag:s21] =	ssyncadd.s32 $0xFFFFC000  }
0x83: {  	[spmem:s3] =	stream.indirect.scatter.add.f32 [tilespmem:s20], [sflag:$0x3], $0x80, s26, s18, $0xb8;
	[tilespmem:$0x1C400] =	vst v63  }
0x84: {  	_ =	swait.ge [sflag:s16], $0x4000  }
0x85: {  	[sflag:s16] =	ssyncset.done $0x0  }
0x86: {  	s28 =	sshll.u32 s0, $0x6;
	[sflag:s16] =	ssyncadd.s32 $0xFFFFC000  }
0x87: {  	s29 =	sshrl.u32 s10, $0x3;
	s28 =	sor.u32 $0x1C03, s28;
	[bflag:$0x0] =	sbarrier.arrive $0xFFFF  }
0x88: {  	[hbm:s11], [sflag:s28] =	dma.local [spmem:s29], $0x800  }
0x89: {  	_ =	swait.ge [sflag:s16], $0x800  }
0x8a: {  	[sflag:s16] =	ssyncset.done $0x0  }
0x8b: {  	[sflag:s16] =	ssyncadd.s32 $0xFFFFF800  }
0x8c: {  	[hbm:s12], [sflag:s28] =	dma.local [spmem:s24], $0x800  }
0x8d: {  	s4 =	sadd.s32 $0x1, s4;
	_ =	swait.ge [sflag:s16], $0x800  }
0x8e: {  	p0 =	sne.s32 s4, s14;
	[sflag:s16] =	ssyncset.done $0x0  }
.Ltmp3:
0x8f: {  	[sflag:s16] =	ssyncadd.s32 $0xFFFFF800;
	(pc) =	sbr.rel @p0 .LBB2_1-.Ltmp3, $4  }
0x90: {  	[hbm:s13], [sflag:s28] =	dma.local [spmem:s25], $0x400  }
0x91: {  	_ =	swait.ge [sflag:s16], $0x400  }
0x92: {  	[sflag:s16] =	ssyncset.done $0x0  }
0x93: {  	[sflag:s16] =	ssyncadd.s32 $0xFFFFFC00  }
0x94: {  	_ =	sfence.sel $0x180000  }
0x95: {  	[bflag:$0x0] =	sbarrier.arrive $0xFFFF  }
0x96: {  	p0 =	sne.s32 s0, $0x0;
	_ =	strace $0x90000050  }
0x97: {  	s0 =	sadd.s32 @!p0 $0x100000, s2;
	[bflag:$0x2] =	sbarrier.arrive $0xFFFF  }
0x98: {  	[sflag:s0] =	ssyncadd.tile.s32 @!p0 $0x1;
	_ =	shalt  }
.Lfunc_end2:
_tile_overlayer_lowered:
.L_overlay_start_2:
0x99: {  	(tag) =	ssettag $0x2  }
0x9a: {  	s0 =	rddreg [dreg:$0x0];
	s2 =	stileid.u32  }
0x9b: {  	s1 =	rddreg [dreg:$0x1];
	p0 =	sne.s32 s2, $0x0  }
0x9c: {  	s3 =	rddreg [dreg:$0x2];
	[bflag:$0x3] =	sbarrier.arrive $0xFFFF;
	s2 =	simm.s32 @!p0 $0x1C03  }
0x9d: {  	[timem:s3], [sflag:s2] =	dma.local @!p0 [hbm:s0], s1  }
0x9e: {  	s0 =	simm.s32 @!p0 $0x3  }
0x9f: {  	_ =	swait.ge @!p0 [sflag:s0], s1  }
0xa0: {  	s1 =	ssub.s32 @!p0 $0x0, s1;
	[sflag:s0] =	ssyncset.done @!p0 $0x0  }
0xa1: {  	[sflag:s0] =	ssyncadd.s32 @!p0 s1  }
0xa2: {  	[bflag:$0x3] =	sbarrier.arrive $0xFFFF  }
0xa3: {  	_ =	shalt  }

</sc_bundles>
